<compile_context>
chip_gen: v7x
topology: tpu7x:2x2x1
jax: 0.10.2.dev20260603
libtpu: 0.0.44.dev20260713+nightly
codegen_flags: <defaults>
</compile_context>

<pallas_src>
import functools

import jax
import jax.numpy as jnp
import numpy as np
from jax import lax
from jax.experimental import pallas as pl
from jax.experimental.pallas import tpu as pltpu
from jax.experimental.pallas import tpu_sc as plsc


@functools.lru_cache(maxsize=None)
def _prefix_mats(n):
    gs = n // 128
    j = np.arange(n)[:, None]
    g = np.arange(128)[None, :]
    mg = ((j // gs) <= g).astype(np.float32)
    l2 = ((j % gs) <= g).astype(np.float32)
    return mg, l2


def _select_topk(s, t, r, mg, l2):
    R, N = s.shape
    gs = N // 128

    gt = s > t
    eq = s == t
    eqf = jnp.where(eq, 1.0, 0.0).astype(jnp.bfloat16)
    p = jnp.dot(eqf, mg, preferred_element_type=jnp.float32)
    gstar = jnp.sum(jnp.where(p < r, 1.0, 0.0), axis=1, keepdims=True)
    gcol = jax.lax.broadcasted_iota(jnp.int32, (R, 128), 1).astype(jnp.float32)
    before = jnp.sum(jnp.where(gcol == gstar - 1.0, p, 0.0), axis=1,
                     keepdims=True)
    r_in = r - before

    idx = jax.lax.broadcasted_iota(jnp.int32, (R, N), 1).astype(jnp.float32)
    gidx = jnp.floor(idx * (1.0 / gs))
    eqg = jnp.where(eq & (gidx == gstar), 1.0, 0.0).astype(jnp.bfloat16)
    q = jnp.dot(eqg, l2, preferred_element_type=jnp.float32)
    in_range = gcol < float(gs)
    ostar = jnp.sum(jnp.where(in_range & (q < r_in), 1.0, 0.0), axis=1,
                    keepdims=True)
    m = gstar * float(gs) + ostar
    return jnp.where(gt | (eq & (idx <= m)), 1.0, 0.0)


def _tc1_body(ks_ref, x_ref, wxh_ref, wxy_ref, sh_ref, y0_ref):
    x = x_ref[...]
    sh_ref[...] = jnp.dot(x, wxh_ref[...], preferred_element_type=jnp.float32)
    y0_ref[...] = jnp.dot(x, wxy_ref[...], preferred_element_type=jnp.float32)


def _tc2_body(ks_ref, sh_ref, kap_ref, y0_ref, why_ref, mg_ref, l2_ref,
              h_ref, d_ref, *, nh):
    s = sh_ref[...]
    kap = kap_ref[...]
    t = jnp.floor(kap * (1.0 / nh))
    cnt_gt = kap - t * float(nh)
    r = ks_ref[0].astype(jnp.float32) - cnt_gt
    h = _select_topk(s, t, r, mg_ref[...], l2_ref[...])
    h_ref[...] = h
    inh = jnp.dot(h.astype(jnp.bfloat16), why_ref[...],
                  preferred_element_type=jnp.float32)
    d_ref[...] = y0_ref[...] - inh


def _tc3_body(ks_ref, d_ref, kap_ref, mg_ref, l2_ref, y_ref, *, ny):
    d = d_ref[...]
    kap = kap_ref[...]
    t = jnp.floor(kap * (1.0 / ny))
    cnt_gt = kap - t * float(ny)
    r = ks_ref[1].astype(jnp.float32) - cnt_gt
    y_ref[...] = _select_topk(d, t, r, mg_ref[...], l2_ref[...])


def _sc_threshold(n, r_total, off):
    nw = 32
    rpw = r_total // nw
    nchunks = n // 16
    UN = 8
    bins_words = ((n + off + 1) * 16 + 16 * UN - 1) // (16 * UN) * (16 * UN)
    mesh = plsc.VectorSubcoreMesh(core_axis_name="c", subcore_axis_name="s")

    @functools.partial(
        pl.kernel, mesh=mesh,
        out_type=jax.ShapeDtypeStruct((r_total,), jnp.float32),
        compiler_params=pltpu.CompilerParams(needs_layout_passes=False),
        scratch_types=[
            pltpu.VMEM((n,), jnp.float32),
            pltpu.VMEM((n,), jnp.float32),
            pltpu.VMEM((bins_words,), jnp.int32),
            pltpu.VMEM((16,), jnp.int32),
            pltpu.VMEM((rpw,), jnp.float32),
            pltpu.SemaphoreType.DMA,
            pltpu.SemaphoreType.DMA,
        ],
    )
    def body(s_hbm, k_hbm, out_hbm, row0, row1, bins, kv, outv,
             sem0, sem1):
        cid = lax.axis_index("c")
        sid = lax.axis_index("s")
        wid = sid * 2 + cid
        base = wid * rpw
        pltpu.sync_copy(k_hbm, kv)
        k = kv[...][0]
        lanes = lax.iota(jnp.int32, 16)
        zvi = jnp.zeros((16,), jnp.int32)
        onev = jnp.ones((16,), jnp.int32)
        offv = jnp.full((16,), off, jnp.int32)

        def zb(j, c):
            for u in range(UN):
                bins[pl.ds((j * UN + u) * 16, 16)] = zvi
            return c

        lax.fori_loop(0, bins_words // (16 * UN), zb, 0)

        pltpu.make_async_copy(s_hbm.at[base], row0, sem0).start()

        def process(rowbuf, r_i):
            def hist(j, vmx):
                for u in range(UN):
                    v = rowbuf[pl.ds((j * UN + u) * 16, 16)]
                    vmx = jnp.maximum(vmx, v)
                    b = ((v.astype(jnp.int32) + offv) * 16) + lanes
                    plsc.addupdate_scatter(bins, [b], onev)
                return vmx

            v0 = rowbuf[pl.ds(0, 16)]
            vmx = lax.fori_loop(0, nchunks // UN, hist, v0)
            smx, _ = plsc.sort_key_val(vmx, vmx, descending=True)
            sb = smx[0].astype(jnp.int32) + off

            def sc_cond(c):
                cnt, b = c
                return cnt < k

            def sc_body(c):
                cnt, b = c
                bb = bins[pl.ds(b * 16, 16)]
                return cnt + jnp.sum(bb), b - 1

            cnt, bend = lax.while_loop(sc_cond, sc_body, (jnp.int32(0), sb))
            tbin = bend + 1
            hb = bins[pl.ds(tbin * 16, 16)]
            cnt_gt = cnt - jnp.sum(hb)
            tval = (tbin - off).astype(jnp.float32)
            kapv = jnp.full((16,), tval * float(n), jnp.float32) + \
                cnt_gt.astype(jnp.float32)
            plsc.store_scatter(outv, [jnp.full((16,), r_i, jnp.int32)],
                               kapv, mask=lanes == 0)

            def rz(j, c):
                for u in range(UN):
                    v = rowbuf[pl.ds((j * UN + u) * 16, 16)]
                    b = ((v.astype(jnp.int32) + offv) * 16) + lanes
                    plsc.store_scatter(bins, [b], zvi)
                return c

            lax.fori_loop(0, nchunks // UN, rz, 0)

        bufs = (row0, row1)
        sems = (sem0, sem1)

        def pair_loop(p, c):
            for bi in range(2):
                r_i = p * 2 + bi
                rowbuf, sem = bufs[bi], sems[bi]
                nbuf, nsem = bufs[1 - bi], sems[1 - bi]
                pltpu.make_async_copy(s_hbm.at[base + r_i], rowbuf,
                                      sem).wait()
                nxt = jnp.minimum(r_i + 1, rpw - 1)
                pltpu.make_async_copy(s_hbm.at[base + nxt], nbuf,
                                      nsem).start()
                process(rowbuf, r_i)
            return c

        lax.fori_loop(0, rpw // 2, pair_loop, 0)
        pltpu.make_async_copy(s_hbm.at[base], row0, sem0).wait()
        pltpu.sync_copy(outv, out_hbm.at[pl.ds(base, rpw)])

    return body


def kernel(x, w_xy, w_xh, w_hy, kh, ky):
    B, NX = x.shape
    NY = w_xy.shape[1]
    NH = w_xh.shape[1]
    RB = 128

    xb = x.astype(jnp.bfloat16)
    wxy = w_xy.astype(jnp.bfloat16)
    wxh = w_xh.astype(jnp.bfloat16)
    why = w_hy.astype(jnp.bfloat16)
    ks = jnp.stack([jnp.asarray(kh, jnp.int32), jnp.asarray(ky, jnp.int32)])

    rows = lambda i, ks: (i, 0)
    full = lambda i, ks: (0, 0)

    sh, y0 = pl.pallas_call(
        _tc1_body,
        grid_spec=pltpu.PrefetchScalarGridSpec(
            num_scalar_prefetch=1,
            grid=(B // RB,),
            in_specs=[
                pl.BlockSpec((RB, NX), rows),
                pl.BlockSpec((NX, NH), full),
                pl.BlockSpec((NX, NY), full),
            ],
            out_specs=[
                pl.BlockSpec((RB, NH), rows),
                pl.BlockSpec((RB, NY), rows),
            ],
        ),
        out_shape=[
            jax.ShapeDtypeStruct((B, NH), jnp.float32),
            jax.ShapeDtypeStruct((B, NY), jnp.float32),
        ],
        compiler_params=pltpu.CompilerParams(
            dimension_semantics=("arbitrary",),
        ),
    )(ks, xb, wxh, wxy)

    k16h = jnp.full((16,), jnp.asarray(kh, jnp.int32))
    kap_h = _sc_threshold(NH, B, 0)(sh, k16h)

    mgh_np, l2h_np = _prefix_mats(NH)
    mgy_np, l2y_np = _prefix_mats(NY)
    mgh = jnp.asarray(mgh_np, jnp.bfloat16)
    l2h = jnp.asarray(l2h_np, jnp.bfloat16)
    mgy = jnp.asarray(mgy_np, jnp.bfloat16)
    l2y = jnp.asarray(l2y_np, jnp.bfloat16)

    h, d = pl.pallas_call(
        functools.partial(_tc2_body, nh=NH),
        grid_spec=pltpu.PrefetchScalarGridSpec(
            num_scalar_prefetch=1,
            grid=(B // RB,),
            in_specs=[
                pl.BlockSpec((RB, NH), rows),
                pl.BlockSpec((RB, 1), rows),
                pl.BlockSpec((RB, NY), rows),
                pl.BlockSpec((NH, NY), full),
                pl.BlockSpec((NH, 128), full),
                pl.BlockSpec((NH, 128), full),
            ],
            out_specs=[
                pl.BlockSpec((RB, NH), rows),
                pl.BlockSpec((RB, NY), rows),
            ],
        ),
        out_shape=[
            jax.ShapeDtypeStruct((B, NH), jnp.float32),
            jax.ShapeDtypeStruct((B, NY), jnp.float32),
        ],
        compiler_params=pltpu.CompilerParams(
            dimension_semantics=("arbitrary",),
        ),
    )(ks, sh, kap_h.reshape(B, 1), y0, why, mgh, l2h)

    k16y = jnp.full((16,), jnp.asarray(ky, jnp.int32))
    kap_y = _sc_threshold(NY, B, NH)(d, k16y)

    (y,) = pl.pallas_call(
        functools.partial(_tc3_body, ny=NY),
        grid_spec=pltpu.PrefetchScalarGridSpec(
            num_scalar_prefetch=1,
            grid=(B // RB,),
            in_specs=[
                pl.BlockSpec((RB, NY), rows),
                pl.BlockSpec((RB, 1), rows),
                pl.BlockSpec((NY, 128), full),
                pl.BlockSpec((NY, 128), full),
            ],
            out_specs=[pl.BlockSpec((RB, NY), rows)],
        ),
        out_shape=[jax.ShapeDtypeStruct((B, NY), jnp.float32)],
        compiler_params=pltpu.CompilerParams(
            dimension_semantics=("arbitrary",),
        ),
    )(ks, d, kap_y.reshape(B, 1), mgy, l2y)

    return h, y

# --- scband reference (transcript-rebuilt; emitter-appended) ---
"""Pipeline reference for scband-wtainterface-30459908063894 (READ-ONLY COPY).

The authoritative reference and input builder live on the scoring server;
editing this copy changes nothing except your own understanding.
"""

import jax, jax.numpy as jnp
import numpy as np

B, NX, NH, NY = 4096, 2048, 4096, 2048
KH, KY = 205, 102


def kwta(x, k):
    # k-winners-take-all: binary SDR with 1s at the top-k positions per row
    # (torch: scatter_(1, x.topk(k).indices, 1))
    order = jnp.argsort(-x, axis=1)
    rows = jnp.arange(x.shape[0])[:, None]
    ranks = jnp.zeros(x.shape, jnp.int32).at[rows, order].set(
        jnp.arange(x.shape[1])[None, :]
    )
    sdr = (ranks < k).astype(x.dtype)
    return sdr


def setup_inputs(seed: int = 0) -> dict:
    key = jax.random.key(seed)
    k1, k2, k3, k4 = jax.random.split(key, 4)
    # binary SDR input and binary (ParameterBinary-style) weights, ~10% density
    x = (jax.random.uniform(k1, (B, NX)) < 0.1).astype(jnp.float32)
    w_xy = (jax.random.uniform(k2, (NX, NY)) < 0.1).astype(jnp.float32)
    w_xh = (jax.random.uniform(k3, (NX, NH)) < 0.1).astype(jnp.float32)
    w_hy = (jax.random.uniform(k4, (NH, NY)) < 0.1).astype(jnp.float32)
    return {"x": x, "w_xy": w_xy, "w_xh": w_xh, "w_hy": w_hy, "kh": KH, "ky": KY}


def reference(x, w_xy, w_xh, w_hy, kh, ky):
    # KWTANet forward (canonical WTAInterface subclass):
    #   y0 = x @ w_xy
    #   h  = kWTA(x @ w_xh, kh)          # inhibitory layer winners
    #   y  = kWTA(y0 - h @ w_hy, ky)     # excitatory minus inhibition, then kWTA
    y0 = x @ w_xy
    h = kwta(x @ w_xh, kh)
    y = kwta(y0 - h @ w_hy, ky)
    return h, y

if __name__ == "__main__":
    import jax
    _d = setup_inputs()
    print(jax.jit(kernel)(*tuple(_d.values())))

</pallas_src>

<mosaic_0001>
#map = affine_map<(d0, d1) -> (0, 0)>
#map1 = affine_map<(d0, d1) -> (0)>
module attributes {stable_mosaic.version = 14 : i64} {
  func.func @body(%arg0: i32, %arg1: i32, %arg2: memref<4096x2048xf32, #tpu.memory_space<hbm>>, %arg3: memref<16xi32, #tpu.memory_space<hbm>>, %arg4: memref<4096xf32, #tpu.memory_space<hbm>>, %arg5: memref<2048xf32, #tpu.memory_space<vmem>>, %arg6: memref<2048xf32, #tpu.memory_space<vmem>>, %arg7: memref<98432xi32, #tpu.memory_space<vmem>>, %arg8: memref<16xi32, #tpu.memory_space<vmem>>, %arg9: memref<128xf32, #tpu.memory_space<vmem>>, %arg10: memref<!tpu.dma_semaphore, #tpu.memory_space<semaphore_mem>>, %arg11: memref<!tpu.dma_semaphore, #tpu.memory_space<semaphore_mem>>) attributes {dimension_semantics = [#tpu.dimension_semantics<core_parallel>, #tpu.dimension_semantics<subcore_parallel>], iteration_bounds = array<i64: 2, 16>, scalar_prefetch = 0 : i64, scratch_operands = 7 : i64, tpu.core_type = #tpu.core_type<sc_vector_subcore>, window_params = [{transform_indices = #map}, {transform_indices = #map1}, {transform_indices = #map1}]} {
    %mul3A = arith.constant 2 : i32
    %mul3A_0 = arith.muli %arg1, %mul3A : i32
    %add3A = arith.addi %mul3A_0, %arg0 : i32
    %mul3A_1 = arith.constant 128 : i32
    %mul3A_2 = arith.muli %add3A, %mul3A_1 : i32
    "tpu.region"() ({
      %run_scoped3A = tpu.sem_alloc : memref<!tpu.dma_semaphore, #tpu.memory_space<semaphore_mem>>
      tpu.enqueue_dma source(%arg3 : memref<16xi32, #tpu.memory_space<hbm>>) target(%arg8 : memref<16xi32, #tpu.memory_space<vmem>>) target_semaphore(%run_scoped3A : memref<!tpu.dma_semaphore, #tpu.memory_space<semaphore_mem>>)
      tpu.wait_dma2 semaphore(%run_scoped3A : memref<!tpu.dma_semaphore, #tpu.memory_space<semaphore_mem>>) src(%arg3 : memref<16xi32, #tpu.memory_space<hbm>>) dst(%arg8 : memref<16xi32, #tpu.memory_space<vmem>>)
      tpu.yield
    }) : () -> ()
    %get3A = arith.constant 0 : index
    %get3A_3 = tpu.vector_load %arg8[%get3A] {strides = array<i32>} : memref<16xi32, #tpu.memory_space<vmem>>, vector<16xi32>,
    %slice3A = vector.extract_strided_slice %get3A_3 {offsets = [0], sizes = [1], strides = [1]} : vector<16xi32> to vector<1xi32>
    %squeeze3A = vector.extract %slice3A[0] : i32 from vector<1xi32>
    %iota3A = tpu.iota {dimensions = array<i32: 0>} : vector<16xi32>
    %broadcast_in_dim3A = arith.constant 0 : i32
    %broadcast_in_dim3A_4 = vector.broadcast %broadcast_in_dim3A : i32 to vector<16xi32>
    %broadcast_in_dim3A_5 = arith.constant 1 : i32
    %broadcast_in_dim3A_6 = vector.broadcast %broadcast_in_dim3A_5 : i32 to vector<16xi32>
    %broadcast_in_dim3A_7 = arith.constant 4096 : i32
    %broadcast_in_dim3A_8 = vector.broadcast %broadcast_in_dim3A_7 : i32 to vector<16xi32>
    %scan3A = arith.constant 0 : i32
    %scan3A_9 = arith.constant 0 : i32
    %scan3A_10 = arith.constant 769 : i32
    %scan3A_11 = arith.addi %scan3A_9, %scan3A_10 : i32
    %scan3A_12 = arith.constant 1 : i32
    scf.for %scan3A_30 = %scan3A_9 to %scan3A_11 step %scan3A_12  : i32 {
      %mul3A_31 = arith.constant 8 : i32
      %mul3A_32 = arith.muli %scan3A_30, %mul3A_31 : i32
      %add3A_33 = arith.constant 0 : i32
      %add3A_34 = arith.addi %mul3A_32, %add3A_33 : i32
      %mul3A_35 = arith.constant 16 : i32
      %mul3A_36 = arith.muli %add3A_34, %mul3A_35 : i32
      %swap3A = arith.index_cast %mul3A_36 : i32 to index
      %swap3A_37 = tpu.vector_load %arg7[%swap3A] {strides = array<i32>} : memref<98432xi32, #tpu.memory_space<vmem>>, vector<16xi32>,
      tpu.vector_store %arg7[%swap3A], %broadcast_in_dim3A_4 {strides = array<i32>} : memref<98432xi32, #tpu.memory_space<vmem>>, vector<16xi32>,
      %mul3A_38 = arith.constant 8 : i32
      %mul3A_39 = arith.muli %scan3A_30, %mul3A_38 : i32
      %add3A_40 = arith.constant 1 : i32
      %add3A_41 = arith.addi %mul3A_39, %add3A_40 : i32
      %mul3A_42 = arith.constant 16 : i32
      %mul3A_43 = arith.muli %add3A_41, %mul3A_42 : i32
      %swap3A_44 = arith.index_cast %mul3A_43 : i32 to index
      %swap3A_45 = tpu.vector_load %arg7[%swap3A_44] {strides = array<i32>} : memref<98432xi32, #tpu.memory_space<vmem>>, vector<16xi32>,
      tpu.vector_store %arg7[%swap3A_44], %broadcast_in_dim3A_4 {strides = array<i32>} : memref<98432xi32, #tpu.memory_space<vmem>>, vector<16xi32>,
      %mul3A_46 = arith.constant 8 : i32
      %mul3A_47 = arith.muli %scan3A_30, %mul3A_46 : i32
      %add3A_48 = arith.constant 2 : i32
      %add3A_49 = arith.addi %mul3A_47, %add3A_48 : i32
      %mul3A_50 = arith.constant 16 : i32
      %mul3A_51 = arith.muli %add3A_49, %mul3A_50 : i32
      %swap3A_52 = arith.index_cast %mul3A_51 : i32 to index
      %swap3A_53 = tpu.vector_load %arg7[%swap3A_52] {strides = array<i32>} : memref<98432xi32, #tpu.memory_space<vmem>>, vector<16xi32>,
      tpu.vector_store %arg7[%swap3A_52], %broadcast_in_dim3A_4 {strides = array<i32>} : memref<98432xi32, #tpu.memory_space<vmem>>, vector<16xi32>,
      %mul3A_54 = arith.constant 8 : i32
      %mul3A_55 = arith.muli %scan3A_30, %mul3A_54 : i32
      %add3A_56 = arith.constant 3 : i32
      %add3A_57 = arith.addi %mul3A_55, %add3A_56 : i32
      %mul3A_58 = arith.constant 16 : i32
      %mul3A_59 = arith.muli %add3A_57, %mul3A_58 : i32
      %swap3A_60 = arith.index_cast %mul3A_59 : i32 to index
      %swap3A_61 = tpu.vector_load %arg7[%swap3A_60] {strides = array<i32>} : memref<98432xi32, #tpu.memory_space<vmem>>, vector<16xi32>,
      tpu.vector_store %arg7[%swap3A_60], %broadcast_in_dim3A_4 {strides = array<i32>} : memref<98432xi32, #tpu.memory_space<vmem>>, vector<16xi32>,
      %mul3A_62 = arith.constant 8 : i32
      %mul3A_63 = arith.muli %scan3A_30, %mul3A_62 : i32
      %add3A_64 = arith.constant 4 : i32
      %add3A_65 = arith.addi %mul3A_63, %add3A_64 : i32
      %mul3A_66 = arith.constant 16 : i32
      %mul3A_67 = arith.muli %add3A_65, %mul3A_66 : i32
      %swap3A_68 = arith.index_cast %mul3A_67 : i32 to index
      %swap3A_69 = tpu.vector_load %arg7[%swap3A_68] {strides = array<i32>} : memref<98432xi32, #tpu.memory_space<vmem>>, vector<16xi32>,
      tpu.vector_store %arg7[%swap3A_68], %broadcast_in_dim3A_4 {strides = array<i32>} : memref<98432xi32, #tpu.memory_space<vmem>>, vector<16xi32>,
      %mul3A_70 = arith.constant 8 : i32
      %mul3A_71 = arith.muli %scan3A_30, %mul3A_70 : i32
      %add3A_72 = arith.constant 5 : i32
      %add3A_73 = arith.addi %mul3A_71, %add3A_72 : i32
      %mul3A_74 = arith.constant 16 : i32
      %mul3A_75 = arith.muli %add3A_73, %mul3A_74 : i32
      %swap3A_76 = arith.index_cast %mul3A_75 : i32 to index
      %swap3A_77 = tpu.vector_load %arg7[%swap3A_76] {strides = array<i32>} : memref<98432xi32, #tpu.memory_space<vmem>>, vector<16xi32>,
      tpu.vector_store %arg7[%swap3A_76], %broadcast_in_dim3A_4 {strides = array<i32>} : memref<98432xi32, #tpu.memory_space<vmem>>, vector<16xi32>,
      %mul3A_78 = arith.constant 8 : i32
      %mul3A_79 = arith.muli %scan3A_30, %mul3A_78 : i32
      %add3A_80 = arith.constant 6 : i32
      %add3A_81 = arith.addi %mul3A_79, %add3A_80 : i32
      %mul3A_82 = arith.constant 16 : i32
      %mul3A_83 = arith.muli %add3A_81, %mul3A_82 : i32
      %swap3A_84 = arith.index_cast %mul3A_83 : i32 to index
      %swap3A_85 = tpu.vector_load %arg7[%swap3A_84] {strides = array<i32>} : memref<98432xi32, #tpu.memory_space<vmem>>, vector<16xi32>,
      tpu.vector_store %arg7[%swap3A_84], %broadcast_in_dim3A_4 {strides = array<i32>} : memref<98432xi32, #tpu.memory_space<vmem>>, vector<16xi32>,
      %mul3A_86 = arith.constant 8 : i32
      %mul3A_87 = arith.muli %scan3A_30, %mul3A_86 : i32
      %add3A_88 = arith.constant 7 : i32
      %add3A_89 = arith.addi %mul3A_87, %add3A_88 : i32
      %mul3A_90 = arith.constant 16 : i32
      %mul3A_91 = arith.muli %add3A_89, %mul3A_90 : i32
      %swap3A_92 = arith.index_cast %mul3A_91 : i32 to index
      %swap3A_93 = tpu.vector_load %arg7[%swap3A_92] {strides = array<i32>} : memref<98432xi32, #tpu.memory_space<vmem>>, vector<16xi32>,
      tpu.vector_store %arg7[%swap3A_92], %broadcast_in_dim3A_4 {strides = array<i32>} : memref<98432xi32, #tpu.memory_space<vmem>>, vector<16xi32>,
    }
    %scan3A_13 = arith.constant 769 : i32
    %dma_start3A = arith.constant 0 : i32
    %dma_start3A_14 = tpu.memref_slice %arg2[%mul3A_2, %dma_start3A] : memref<4096x2048xf32, #tpu.memory_space<hbm>> -> memref<1x2048xf32, #tpu.memory_space<hbm>>
    %dma_start3A_15 = tpu.memref_squeeze %dma_start3A_14 : memref<1x2048xf32, #tpu.memory_space<hbm>> -> memref<2048xf32, #tpu.memory_space<hbm>>
    %dma_start3A_16 = arith.constant 0 : i32
    %dma_start3A_17 = tpu.memref_slice %arg2[%mul3A_2, %dma_start3A_16] : memref<4096x2048xf32, #tpu.memory_space<hbm>> -> memref<1x2048xf32, #tpu.memory_space<hbm>>
    %dma_start3A_18 = tpu.memref_squeeze %dma_start3A_17 : memref<1x2048xf32, #tpu.memory_space<hbm>> -> memref<2048xf32, #tpu.memory_space<hbm>>
    tpu.enqueue_dma source(%dma_start3A_18 : memref<2048xf32, #tpu.memory_space<hbm>>) target(%arg5 : memref<2048xf32, #tpu.memory_space<vmem>>) target_semaphore(%arg10 : memref<!tpu.dma_semaphore, #tpu.memory_space<semaphore_mem>>)
    %scan3A_19 = arith.constant 0 : i32
    %scan3A_20 = arith.constant 0 : i32
    %scan3A_21 = arith.constant 64 : i32
    %scan3A_22 = arith.addi %scan3A_20, %scan3A_21 : i32
    %scan3A_23 = arith.constant 1 : i32
    scf.for %scan3A_30 = %scan3A_20 to %scan3A_22 step %scan3A_23  : i32 {
      %mul3A_31 = arith.constant 2 : i32
      %mul3A_32 = arith.muli %scan3A_30, %mul3A_31 : i32
      %add3A_33 = arith.constant 0 : i32
      %add3A_34 = arith.addi %mul3A_32, %add3A_33 : i32
      %add3A_35 = arith.addi %mul3A_2, %add3A_34 : i32
      %dma_wait3A_36 = arith.constant 0 : i32
      %dma_wait3A_37 = tpu.memref_slice %arg2[%add3A_35, %dma_wait3A_36] : memref<4096x2048xf32, #tpu.memory_space<hbm>> -> memref<1x2048xf32, #tpu.memory_space<hbm>>
      %dma_wait3A_38 = tpu.memref_squeeze %dma_wait3A_37 : memref<1x2048xf32, #tpu.memory_space<hbm>> -> memref<2048xf32, #tpu.memory_space<hbm>>
      %dma_wait3A_39 = arith.constant 0 : i32
      %dma_wait3A_40 = tpu.memref_slice %arg2[%add3A_35, %dma_wait3A_39] : memref<4096x2048xf32, #tpu.memory_space<hbm>> -> memref<1x2048xf32, #tpu.memory_space<hbm>>
      %dma_wait3A_41 = tpu.memref_squeeze %dma_wait3A_40 : memref<1x2048xf32, #tpu.memory_space<hbm>> -> memref<2048xf32, #tpu.memory_space<hbm>>
      tpu.wait_dma2 semaphore(%arg10 : memref<!tpu.dma_semaphore, #tpu.memory_space<semaphore_mem>>) src(%dma_wait3A_41 : memref<2048xf32, #tpu.memory_space<hbm>>) dst(%arg5 : memref<2048xf32, #tpu.memory_space<vmem>>)
      %add3A_42 = arith.constant 1 : i32
      %add3A_43 = arith.addi %add3A_34, %add3A_42 : i32
      %min3A = arith.constant 127 : i32
      %min3A_44 = arith.minsi %add3A_43, %min3A : i32
      %add3A_45 = arith.addi %mul3A_2, %min3A_44 : i32
      %dma_start3A_46 = arith.constant 0 : i32
      %dma_start3A_47 = tpu.memref_slice %arg2[%add3A_45, %dma_start3A_46] : memref<4096x2048xf32, #tpu.memory_space<hbm>> -> memref<1x2048xf32, #tpu.memory_space<hbm>>
      %dma_start3A_48 = tpu.memref_squeeze %dma_start3A_47 : memref<1x2048xf32, #tpu.memory_space<hbm>> -> memref<2048xf32, #tpu.memory_space<hbm>>
      %dma_start3A_49 = arith.constant 0 : i32
      %dma_start3A_50 = tpu.memref_slice %arg2[%add3A_45, %dma_start3A_49] : memref<4096x2048xf32, #tpu.memory_space<hbm>> -> memref<1x2048xf32, #tpu.memory_space<hbm>>
      %dma_start3A_51 = tpu.memref_squeeze %dma_start3A_50 : memref<1x2048xf32, #tpu.memory_space<hbm>> -> memref<2048xf32, #tpu.memory_space<hbm>>
      tpu.enqueue_dma source(%dma_start3A_51 : memref<2048xf32, #tpu.memory_space<hbm>>) target(%arg6 : memref<2048xf32, #tpu.memory_space<vmem>>) target_semaphore(%arg11 : memref<!tpu.dma_semaphore, #tpu.memory_space<semaphore_mem>>)
      %get3A_52 = arith.constant 0 : index
      %get3A_53 = tpu.vector_load %arg5[%get3A_52] {strides = array<i32>} : memref<2048xf32, #tpu.memory_space<vmem>>, vector<16xf32>,
      %scan3A_54 = arith.constant 0 : i32
      %scan3A_55 = arith.constant 16 : i32
      %scan3A_56 = arith.addi %scan3A_54, %scan3A_55 : i32
      %scan3A_57 = arith.constant 1 : i32
      %scan3A_58 = scf.for %scan3A_166 = %scan3A_54 to %scan3A_56 step %scan3A_57 iter_args(%scan3A_167 = %get3A_53) -> (vector<16xf32>)  : i32 {
        %mul3A_168 = arith.constant 8 : i32
        %mul3A_169 = arith.muli %scan3A_166, %mul3A_168 : i32
        %add3A_170 = arith.constant 0 : i32
        %add3A_171 = arith.addi %mul3A_169, %add3A_170 : i32
        %mul3A_172 = arith.constant 16 : i32
        %mul3A_173 = arith.muli %add3A_171, %mul3A_172 : i32
        %get3A_174 = arith.index_cast %mul3A_173 : i32 to index
        %get3A_175 = tpu.vector_load %arg5[%get3A_174] {strides = array<i32>} : memref<2048xf32, #tpu.memory_space<vmem>>, vector<16xf32>,
        %max3A = arith.maximumf %scan3A_167, %get3A_175 : vector<16xf32>
        %convert_element_type3A_176 = arith.fptosi %get3A_175 : vector<16xf32> to vector<16xi32>
        %add3A_177 = arith.addi %convert_element_type3A_176, %broadcast_in_dim3A_8 : vector<16xi32>
        %mul3A_178 = arith.constant 16 : i32
        %mul3A_179 = vector.broadcast %mul3A_178 : i32 to vector<16xi32>
        %mul3A_180 = arith.muli %add3A_177, %mul3A_179 : vector<16xi32>
        %add3A_181 = arith.addi %mul3A_180, %iota3A : vector<16xi32>
        tpu.vector_store_idx %arg7[%add3A_181], %broadcast_in_dim3A_6 {add = true} : memref<98432xi32, #tpu.memory_space<vmem>>[vector<16xi32>], vector<16xi32>,
        %mul3A_182 = arith.constant 8 : i32
        %mul3A_183 = arith.muli %scan3A_166, %mul3A_182 : i32
        %add3A_184 = arith.constant 1 : i32
        %add3A_185 = arith.addi %mul3A_183, %add3A_184 : i32
        %mul3A_186 = arith.constant 16 : i32
        %mul3A_187 = arith.muli %add3A_185, %mul3A_186 : i32
        %get3A_188 = arith.index_cast %mul3A_187 : i32 to index
        %get3A_189 = tpu.vector_load %arg5[%get3A_188] {strides = array<i32>} : memref<2048xf32, #tpu.memory_space<vmem>>, vector<16xf32>,
        %max3A_190 = arith.maximumf %max3A, %get3A_189 : vector<16xf32>
        %convert_element_type3A_191 = arith.fptosi %get3A_189 : vector<16xf32> to vector<16xi32>
        %add3A_192 = arith.addi %convert_element_type3A_191, %broadcast_in_dim3A_8 : vector<16xi32>
        %mul3A_193 = arith.constant 16 : i32
        %mul3A_194 = vector.broadcast %mul3A_193 : i32 to vector<16xi32>
        %mul3A_195 = arith.muli %add3A_192, %mul3A_194 : vector<16xi32>
        %add3A_196 = arith.addi %mul3A_195, %iota3A : vector<16xi32>
        tpu.vector_store_idx %arg7[%add3A_196], %broadcast_in_dim3A_6 {add = true} : memref<98432xi32, #tpu.memory_space<vmem>>[vector<16xi32>], vector<16xi32>,
        %mul3A_197 = arith.constant 8 : i32
        %mul3A_198 = arith.muli %scan3A_166, %mul3A_197 : i32
        %add3A_199 = arith.constant 2 : i32
        %add3A_200 = arith.addi %mul3A_198, %add3A_199 : i32
        %mul3A_201 = arith.constant 16 : i32
        %mul3A_202 = arith.muli %add3A_200, %mul3A_201 : i32
        %get3A_203 = arith.index_cast %mul3A_202 : i32 to index
        %get3A_204 = tpu.vector_load %arg5[%get3A_203] {strides = array<i32>} : memref<2048xf32, #tpu.memory_space<vmem>>, vector<16xf32>,
        %max3A_205 = arith.maximumf %max3A_190, %get3A_204 : vector<16xf32>
        %convert_element_type3A_206 = arith.fptosi %get3A_204 : vector<16xf32> to vector<16xi32>
        %add3A_207 = arith.addi %convert_element_type3A_206, %broadcast_in_dim3A_8 : vector<16xi32>
        %mul3A_208 = arith.constant 16 : i32
        %mul3A_209 = vector.broadcast %mul3A_208 : i32 to vector<16xi32>
        %mul3A_210 = arith.muli %add3A_207, %mul3A_209 : vector<16xi32>
        %add3A_211 = arith.addi %mul3A_210, %iota3A : vector<16xi32>
        tpu.vector_store_idx %arg7[%add3A_211], %broadcast_in_dim3A_6 {add = true} : memref<98432xi32, #tpu.memory_space<vmem>>[vector<16xi32>], vector<16xi32>,
        %mul3A_212 = arith.constant 8 : i32
        %mul3A_213 = arith.muli %scan3A_166, %mul3A_212 : i32
        %add3A_214 = arith.constant 3 : i32
        %add3A_215 = arith.addi %mul3A_213, %add3A_214 : i32
        %mul3A_216 = arith.constant 16 : i32
        %mul3A_217 = arith.muli %add3A_215, %mul3A_216 : i32
        %get3A_218 = arith.index_cast %mul3A_217 : i32 to index
        %get3A_219 = tpu.vector_load %arg5[%get3A_218] {strides = array<i32>} : memref<2048xf32, #tpu.memory_space<vmem>>, vector<16xf32>,
        %max3A_220 = arith.maximumf %max3A_205, %get3A_219 : vector<16xf32>
        %convert_element_type3A_221 = arith.fptosi %get3A_219 : vector<16xf32> to vector<16xi32>
        %add3A_222 = arith.addi %convert_element_type3A_221, %broadcast_in_dim3A_8 : vector<16xi32>
        %mul3A_223 = arith.constant 16 : i32
        %mul3A_224 = vector.broadcast %mul3A_223 : i32 to vector<16xi32>
        %mul3A_225 = arith.muli %add3A_222, %mul3A_224 : vector<16xi32>
        %add3A_226 = arith.addi %mul3A_225, %iota3A : vector<16xi32>
        tpu.vector_store_idx %arg7[%add3A_226], %broadcast_in_dim3A_6 {add = true} : memref<98432xi32, #tpu.memory_space<vmem>>[vector<16xi32>], vector<16xi32>,
        %mul3A_227 = arith.constant 8 : i32
        %mul3A_228 = arith.muli %scan3A_166, %mul3A_227 : i32
        %add3A_229 = arith.constant 4 : i32
        %add3A_230 = arith.addi %mul3A_228, %add3A_229 : i32
        %mul3A_231 = arith.constant 16 : i32
        %mul3A_232 = arith.muli %add3A_230, %mul3A_231 : i32
        %get3A_233 = arith.index_cast %mul3A_232 : i32 to index
        %get3A_234 = tpu.vector_load %arg5[%get3A_233] {strides = array<i32>} : memref<2048xf32, #tpu.memory_space<vmem>>, vector<16xf32>,
        %max3A_235 = arith.maximumf %max3A_220, %get3A_234 : vector<16xf32>
        %convert_element_type3A_236 = arith.fptosi %get3A_234 : vector<16xf32> to vector<16xi32>
        %add3A_237 = arith.addi %convert_element_type3A_236, %broadcast_in_dim3A_8 : vector<16xi32>
        %mul3A_238 = arith.constant 16 : i32
        %mul3A_239 = vector.broadcast %mul3A_238 : i32 to vector<16xi32>
        %mul3A_240 = arith.muli %add3A_237, %mul3A_239 : vector<16xi32>
        %add3A_241 = arith.addi %mul3A_240, %iota3A : vector<16xi32>
        tpu.vector_store_idx %arg7[%add3A_241], %broadcast_in_dim3A_6 {add = true} : memref<98432xi32, #tpu.memory_space<vmem>>[vector<16xi32>], vector<16xi32>,
        %mul3A_242 = arith.constant 8 : i32
        %mul3A_243 = arith.muli %scan3A_166, %mul3A_242 : i32
        %add3A_244 = arith.constant 5 : i32
        %add3A_245 = arith.addi %mul3A_243, %add3A_244 : i32
        %mul3A_246 = arith.constant 16 : i32
        %mul3A_247 = arith.muli %add3A_245, %mul3A_246 : i32
        %get3A_248 = arith.index_cast %mul3A_247 : i32 to index
        %get3A_249 = tpu.vector_load %arg5[%get3A_248] {strides = array<i32>} : memref<2048xf32, #tpu.memory_space<vmem>>, vector<16xf32>,
        %max3A_250 = arith.maximumf %max3A_235, %get3A_249 : vector<16xf32>
        %convert_element_type3A_251 = arith.fptosi %get3A_249 : vector<16xf32> to vector<16xi32>
        %add3A_252 = arith.addi %convert_element_type3A_251, %broadcast_in_dim3A_8 : vector<16xi32>
        %mul3A_253 = arith.constant 16 : i32
        %mul3A_254 = vector.broadcast %mul3A_253 : i32 to vector<16xi32>
        %mul3A_255 = arith.muli %add3A_252, %mul3A_254 : vector<16xi32>
        %add3A_256 = arith.addi %mul3A_255, %iota3A : vector<16xi32>
        tpu.vector_store_idx %arg7[%add3A_256], %broadcast_in_dim3A_6 {add = true} : memref<98432xi32, #tpu.memory_space<vmem>>[vector<16xi32>], vector<16xi32>,
        %mul3A_257 = arith.constant 8 : i32
        %mul3A_258 = arith.muli %scan3A_166, %mul3A_257 : i32
        %add3A_259 = arith.constant 6 : i32
        %add3A_260 = arith.addi %mul3A_258, %add3A_259 : i32
        %mul3A_261 = arith.constant 16 : i32
        %mul3A_262 = arith.muli %add3A_260, %mul3A_261 : i32
        %get3A_263 = arith.index_cast %mul3A_262 : i32 to index
        %get3A_264 = tpu.vector_load %arg5[%get3A_263] {strides = array<i32>} : memref<2048xf32, #tpu.memory_space<vmem>>, vector<16xf32>,
        %max3A_265 = arith.maximumf %max3A_250, %get3A_264 : vector<16xf32>
        %convert_element_type3A_266 = arith.fptosi %get3A_264 : vector<16xf32> to vector<16xi32>
        %add3A_267 = arith.addi %convert_element_type3A_266, %broadcast_in_dim3A_8 : vector<16xi32>
        %mul3A_268 = arith.constant 16 : i32
        %mul3A_269 = vector.broadcast %mul3A_268 : i32 to vector<16xi32>
        %mul3A_270 = arith.muli %add3A_267, %mul3A_269 : vector<16xi32>
        %add3A_271 = arith.addi %mul3A_270, %iota3A : vector<16xi32>
        tpu.vector_store_idx %arg7[%add3A_271], %broadcast_in_dim3A_6 {add = true} : memref<98432xi32, #tpu.memory_space<vmem>>[vector<16xi32>], vector<16xi32>,
        %mul3A_272 = arith.constant 8 : i32
        %mul3A_273 = arith.muli %scan3A_166, %mul3A_272 : i32
        %add3A_274 = arith.constant 7 : i32
        %add3A_275 = arith.addi %mul3A_273, %add3A_274 : i32
        %mul3A_276 = arith.constant 16 : i32
        %mul3A_277 = arith.muli %add3A_275, %mul3A_276 : i32
        %get3A_278 = arith.index_cast %mul3A_277 : i32 to index
        %get3A_279 = tpu.vector_load %arg5[%get3A_278] {strides = array<i32>} : memref<2048xf32, #tpu.memory_space<vmem>>, vector<16xf32>,
        %max3A_280 = arith.maximumf %max3A_265, %get3A_279 : vector<16xf32>
        %convert_element_type3A_281 = arith.fptosi %get3A_279 : vector<16xf32> to vector<16xi32>
        %add3A_282 = arith.addi %convert_element_type3A_281, %broadcast_in_dim3A_8 : vector<16xi32>
        %mul3A_283 = arith.constant 16 : i32
        %mul3A_284 = vector.broadcast %mul3A_283 : i32 to vector<16xi32>
        %mul3A_285 = arith.muli %add3A_282, %mul3A_284 : vector<16xi32>
        %add3A_286 = arith.addi %mul3A_285, %iota3A : vector<16xi32>
        tpu.vector_store_idx %arg7[%add3A_286], %broadcast_in_dim3A_6 {add = true} : memref<98432xi32, #tpu.memory_space<vmem>>[vector<16xi32>], vector<16xi32>,
        scf.yield %max3A_280 : vector<16xf32>
      }
      %scan3A_59 = arith.constant 16 : i32
      %masked_sort3A = arith.constant dense<true> : vector<16xi1>
      %masked_sort3A_60, %masked_sort3A_61, %masked_sort3A_62 = tpu.sort %scan3A_58, %scan3A_58 masked %masked_sort3A {descending = true} : (vector<16xf32>, vector<16xf32>, vector<16xi1>) -> (vector<16xi1>, vector<16xf32>, vector<16xf32>)
      %slice3A_63 = vector.extract_strided_slice %masked_sort3A_61 {offsets = [0], sizes = [1], strides = [1]} : vector<16xf32> to vector<1xf32>
      %squeeze3A_64 = vector.extract %slice3A_63[0] : f32 from vector<1xf32>
      %convert_element_type3A = arith.fptosi %squeeze3A_64 : f32 to i32
      %add3A_65 = arith.constant 4096 : i32
      %add3A_66 = arith.addi %convert_element_type3A, %add3A_65 : i32
      %while3A = arith.constant 0 : i32
      %while3A_67:2 = scf.while (%while3A_166 = %while3A, %while3A_167 = %add3A_66) : (i32, i32) -> (i32, i32) {
        %lt3A = arith.cmpi slt, %while3A_166, %squeeze3A : i32
        scf.condition(%lt3A) %while3A_166, %while3A_167 : i32, i32
      } do {
      ^bb0(%while3A_166: i32, %while3A_167: i32):
        %mul3A_168 = arith.constant 16 : i32
        %mul3A_169 = arith.muli %while3A_167, %mul3A_168 : i32
        %get3A_170 = arith.index_cast %mul3A_169 : i32 to index
        %get3A_171 = tpu.vector_load %arg7[%get3A_170] {strides = array<i32>} : memref<98432xi32, #tpu.memory_space<vmem>>, vector<16xi32>,
        %reduce_sum3A_172 = arith.constant true
        %reduce_sum3A_173 = vector.broadcast %reduce_sum3A_172 : i1 to vector<16xi1>
        %reduce_sum3A_174 = tpu.scan <sum>, %get3A_171 masked %reduce_sum3A_173 : vector<16xi32>, vector<16xi1> -> vector<16xi32>
        %reduce_sum3A_175 = vector.extract %reduce_sum3A_174[15] : i32 from vector<16xi32>
        %add3A_176 = arith.addi %while3A_166, %reduce_sum3A_175 : i32
        %sub3A_177 = arith.constant 1 : i32
        %sub3A_178 = arith.subi %while3A_167, %sub3A_177 : i32
        scf.yield %add3A_176, %sub3A_178 : i32, i32
      }
      %add3A_68 = arith.constant 1 : i32
      %add3A_69 = arith.addi %while3A_67#1, %add3A_68 : i32
      %mul3A_70 = arith.constant 16 : i32
      %mul3A_71 = arith.muli %add3A_69, %mul3A_70 : i32
      %get3A_72 = arith.index_cast %mul3A_71 : i32 to index
      %get3A_73 = tpu.vector_load %arg7[%get3A_72] {strides = array<i32>} : memref<98432xi32, #tpu.memory_space<vmem>>, vector<16xi32>,
      %reduce_sum3A = arith.constant true
      %reduce_sum3A_74 = vector.broadcast %reduce_sum3A : i1 to vector<16xi1>
      %reduce_sum3A_75 = tpu.scan <sum>, %get3A_73 masked %reduce_sum3A_74 : vector<16xi32>, vector<16xi1> -> vector<16xi32>
      %reduce_sum3A_76 = vector.extract %reduce_sum3A_75[15] : i32 from vector<16xi32>
      %sub3A = arith.subi %while3A_67#0, %reduce_sum3A_76 : i32
      %sub3A_77 = arith.constant 4096 : i32
      %sub3A_78 = arith.subi %add3A_69, %sub3A_77 : i32
      %convert_element_type3A_79 = arith.sitofp %sub3A_78 : i32 to f32
      %mul3A_80 = arith.constant 2.048000e+03 : f32
      %mul3A_81 = arith.mulf %convert_element_type3A_79, %mul3A_80 : f32
      %broadcast_in_dim3A_82 = vector.broadcast %mul3A_81 : f32 to vector<16xf32>
      %convert_element_type3A_83 = arith.sitofp %sub3A : i32 to f32
      %add3A_84 = vector.broadcast %convert_element_type3A_83 : f32 to vector<16xf32>
      %add3A_85 = arith.addf %broadcast_in_dim3A_82, %add3A_84 : vector<16xf32>
      %broadcast_in_dim3A_86 = vector.broadcast %add3A_34 : i32 to vector<16xi32>
      %eq3A = arith.constant 0 : i32
      %eq3A_87 = vector.broadcast %eq3A : i32 to vector<16xi32>
      %eq3A_88 = arith.cmpi eq, %iota3A, %eq3A_87 : vector<16xi32>
      tpu.vector_store_idx %arg9[%broadcast_in_dim3A_86], %add3A_85 masked %eq3A_88 : memref<128xf32, #tpu.memory_space<vmem>>[vector<16xi32>], vector<16xf32>, vector<16xi1>
      %scan3A_89 = arith.constant 0 : i32
      %scan3A_90 = arith.constant 0 : i32
      %scan3A_91 = arith.constant 16 : i32
      %scan3A_92 = arith.addi %scan3A_90, %scan3A_91 : i32
      %scan3A_93 = arith.constant 1 : i32
      scf.for %scan3A_166 = %scan3A_90 to %scan3A_92 step %scan3A_93  : i32 {
        %mul3A_167 = arith.constant 8 : i32
        %mul3A_168 = arith.muli %scan3A_166, %mul3A_167 : i32
        %add3A_169 = arith.constant 0 : i32
        %add3A_170 = arith.addi %mul3A_168, %add3A_169 : i32
        %mul3A_171 = arith.constant 16 : i32
        %mul3A_172 = arith.muli %add3A_170, %mul3A_171 : i32
        %get3A_173 = arith.index_cast %mul3A_172 : i32 to index
        %get3A_174 = tpu.vector_load %arg5[%get3A_173] {strides = array<i32>} : memref<2048xf32, #tpu.memory_space<vmem>>, vector<16xf32>,
        %convert_element_type3A_175 = arith.fptosi %get3A_174 : vector<16xf32> to vector<16xi32>
        %add3A_176 = arith.addi %convert_element_type3A_175, %broadcast_in_dim3A_8 : vector<16xi32>
        %mul3A_177 = arith.constant 16 : i32
        %mul3A_178 = vector.broadcast %mul3A_177 : i32 to vector<16xi32>
        %mul3A_179 = arith.muli %add3A_176, %mul3A_178 : vector<16xi32>
        %add3A_180 = arith.addi %mul3A_179, %iota3A : vector<16xi32>
        tpu.vector_store_idx %arg7[%add3A_180], %broadcast_in_dim3A_4 : memref<98432xi32, #tpu.memory_space<vmem>>[vector<16xi32>], vector<16xi32>,
        %mul3A_181 = arith.constant 8 : i32
        %mul3A_182 = arith.muli %scan3A_166, %mul3A_181 : i32
        %add3A_183 = arith.constant 1 : i32
        %add3A_184 = arith.addi %mul3A_182, %add3A_183 : i32
        %mul3A_185 = arith.constant 16 : i32
        %mul3A_186 = arith.muli %add3A_184, %mul3A_185 : i32
        %get3A_187 = arith.index_cast %mul3A_186 : i32 to index
        %get3A_188 = tpu.vector_load %arg5[%get3A_187] {strides = array<i32>} : memref<2048xf32, #tpu.memory_space<vmem>>, vector<16xf32>,
        %convert_element_type3A_189 = arith.fptosi %get3A_188 : vector<16xf32> to vector<16xi32>
        %add3A_190 = arith.addi %convert_element_type3A_189, %broadcast_in_dim3A_8 : vector<16xi32>
        %mul3A_191 = arith.constant 16 : i32
        %mul3A_192 = vector.broadcast %mul3A_191 : i32 to vector<16xi32>
        %mul3A_193 = arith.muli %add3A_190, %mul3A_192 : vector<16xi32>
        %add3A_194 = arith.addi %mul3A_193, %iota3A : vector<16xi32>
        tpu.vector_store_idx %arg7[%add3A_194], %broadcast_in_dim3A_4 : memref<98432xi32, #tpu.memory_space<vmem>>[vector<16xi32>], vector<16xi32>,
        %mul3A_195 = arith.constant 8 : i32
        %mul3A_196 = arith.muli %scan3A_166, %mul3A_195 : i32
        %add3A_197 = arith.constant 2 : i32
        %add3A_198 = arith.addi %mul3A_196, %add3A_197 : i32
        %mul3A_199 = arith.constant 16 : i32
        %mul3A_200 = arith.muli %add3A_198, %mul3A_199 : i32
        %get3A_201 = arith.index_cast %mul3A_200 : i32 to index
        %get3A_202 = tpu.vector_load %arg5[%get3A_201] {strides = array<i32>} : memref<2048xf32, #tpu.memory_space<vmem>>, vector<16xf32>,
        %convert_element_type3A_203 = arith.fptosi %get3A_202 : vector<16xf32> to vector<16xi32>
        %add3A_204 = arith.addi %convert_element_type3A_203, %broadcast_in_dim3A_8 : vector<16xi32>
        %mul3A_205 = arith.constant 16 : i32
        %mul3A_206 = vector.broadcast %mul3A_205 : i32 to vector<16xi32>
        %mul3A_207 = arith.muli %add3A_204, %mul3A_206 : vector<16xi32>
        %add3A_208 = arith.addi %mul3A_207, %iota3A : vector<16xi32>
        tpu.vector_store_idx %arg7[%add3A_208], %broadcast_in_dim3A_4 : memref<98432xi32, #tpu.memory_space<vmem>>[vector<16xi32>], vector<16xi32>,
        %mul3A_209 = arith.constant 8 : i32
        %mul3A_210 = arith.muli %scan3A_166, %mul3A_209 : i32
        %add3A_211 = arith.constant 3 : i32
        %add3A_212 = arith.addi %mul3A_210, %add3A_211 : i32
        %mul3A_213 = arith.constant 16 : i32
        %mul3A_214 = arith.muli %add3A_212, %mul3A_213 : i32
        %get3A_215 = arith.index_cast %mul3A_214 : i32 to index
        %get3A_216 = tpu.vector_load %arg5[%get3A_215] {strides = array<i32>} : memref<2048xf32, #tpu.memory_space<vmem>>, vector<16xf32>,
        %convert_element_type3A_217 = arith.fptosi %get3A_216 : vector<16xf32> to vector<16xi32>
        %add3A_218 = arith.addi %convert_element_type3A_217, %broadcast_in_dim3A_8 : vector<16xi32>
        %mul3A_219 = arith.constant 16 : i32
        %mul3A_220 = vector.broadcast %mul3A_219 : i32 to vector<16xi32>
        %mul3A_221 = arith.muli %add3A_218, %mul3A_220 : vector<16xi32>
        %add3A_222 = arith.addi %mul3A_221, %iota3A : vector<16xi32>
        tpu.vector_store_idx %arg7[%add3A_222], %broadcast_in_dim3A_4 : memref<98432xi32, #tpu.memory_space<vmem>>[vector<16xi32>], vector<16xi32>,
        %mul3A_223 = arith.constant 8 : i32
        %mul3A_224 = arith.muli %scan3A_166, %mul3A_223 : i32
        %add3A_225 = arith.constant 4 : i32
        %add3A_226 = arith.addi %mul3A_224, %add3A_225 : i32
        %mul3A_227 = arith.constant 16 : i32
        %mul3A_228 = arith.muli %add3A_226, %mul3A_227 : i32
        %get3A_229 = arith.index_cast %mul3A_228 : i32 to index
        %get3A_230 = tpu.vector_load %arg5[%get3A_229] {strides = array<i32>} : memref<2048xf32, #tpu.memory_space<vmem>>, vector<16xf32>,
        %convert_element_type3A_231 = arith.fptosi %get3A_230 : vector<16xf32> to vector<16xi32>
        %add3A_232 = arith.addi %convert_element_type3A_231, %broadcast_in_dim3A_8 : vector<16xi32>
        %mul3A_233 = arith.constant 16 : i32
        %mul3A_234 = vector.broadcast %mul3A_233 : i32 to vector<16xi32>
        %mul3A_235 = arith.muli %add3A_232, %mul3A_234 : vector<16xi32>
        %add3A_236 = arith.addi %mul3A_235, %iota3A : vector<16xi32>
        tpu.vector_store_idx %arg7[%add3A_236], %broadcast_in_dim3A_4 : memref<98432xi32, #tpu.memory_space<vmem>>[vector<16xi32>], vector<16xi32>,
        %mul3A_237 = arith.constant 8 : i32
        %mul3A_238 = arith.muli %scan3A_166, %mul3A_237 : i32
        %add3A_239 = arith.constant 5 : i32
        %add3A_240 = arith.addi %mul3A_238, %add3A_239 : i32
        %mul3A_241 = arith.constant 16 : i32
        %mul3A_242 = arith.muli %add3A_240, %mul3A_241 : i32
        %get3A_243 = arith.index_cast %mul3A_242 : i32 to index
        %get3A_244 = tpu.vector_load %arg5[%get3A_243] {strides = array<i32>} : memref<2048xf32, #tpu.memory_space<vmem>>, vector<16xf32>,
        %convert_element_type3A_245 = arith.fptosi %get3A_244 : vector<16xf32> to vector<16xi32>
        %add3A_246 = arith.addi %convert_element_type3A_245, %broadcast_in_dim3A_8 : vector<16xi32>
        %mul3A_247 = arith.constant 16 : i32
        %mul3A_248 = vector.broadcast %mul3A_247 : i32 to vector<16xi32>
        %mul3A_249 = arith.muli %add3A_246, %mul3A_248 : vector<16xi32>
        %add3A_250 = arith.addi %mul3A_249, %iota3A : vector<16xi32>
        tpu.vector_store_idx %arg7[%add3A_250], %broadcast_in_dim3A_4 : memref<98432xi32, #tpu.memory_space<vmem>>[vector<16xi32>], vector<16xi32>,
        %mul3A_251 = arith.constant 8 : i32
        %mul3A_252 = arith.muli %scan3A_166, %mul3A_251 : i32
        %add3A_253 = arith.constant 6 : i32
        %add3A_254 = arith.addi %mul3A_252, %add3A_253 : i32
        %mul3A_255 = arith.constant 16 : i32
        %mul3A_256 = arith.muli %add3A_254, %mul3A_255 : i32
        %get3A_257 = arith.index_cast %mul3A_256 : i32 to index
        %get3A_258 = tpu.vector_load %arg5[%get3A_257] {strides = array<i32>} : memref<2048xf32, #tpu.memory_space<vmem>>, vector<16xf32>,
        %convert_element_type3A_259 = arith.fptosi %get3A_258 : vector<16xf32> to vector<16xi32>
        %add3A_260 = arith.addi %convert_element_type3A_259, %broadcast_in_dim3A_8 : vector<16xi32>
        %mul3A_261 = arith.constant 16 : i32
        %mul3A_262 = vector.broadcast %mul3A_261 : i32 to vector<16xi32>
        %mul3A_263 = arith.muli %add3A_260, %mul3A_262 : vector<16xi32>
        %add3A_264 = arith.addi %mul3A_263, %iota3A : vector<16xi32>
        tpu.vector_store_idx %arg7[%add3A_264], %broadcast_in_dim3A_4 : memref<98432xi32, #tpu.memory_space<vmem>>[vector<16xi32>], vector<16xi32>,
        %mul3A_265 = arith.constant 8 : i32
        %mul3A_266 = arith.muli %scan3A_166, %mul3A_265 : i32
        %add3A_267 = arith.constant 7 : i32
        %add3A_268 = arith.addi %mul3A_266, %add3A_267 : i32
        %mul3A_269 = arith.constant 16 : i32
        %mul3A_270 = arith.muli %add3A_268, %mul3A_269 : i32
        %get3A_271 = arith.index_cast %mul3A_270 : i32 to index
        %get3A_272 = tpu.vector_load %arg5[%get3A_271] {strides = array<i32>} : memref<2048xf32, #tpu.memory_space<vmem>>, vector<16xf32>,
        %convert_element_type3A_273 = arith.fptosi %get3A_272 : vector<16xf32> to vector<16xi32>
        %add3A_274 = arith.addi %convert_element_type3A_273, %broadcast_in_dim3A_8 : vector<16xi32>
        %mul3A_275 = arith.constant 16 : i32
        %mul3A_276 = vector.broadcast %mul3A_275 : i32 to vector<16xi32>
        %mul3A_277 = arith.muli %add3A_274, %mul3A_276 : vector<16xi32>
        %add3A_278 = arith.addi %mul3A_277, %iota3A : vector<16xi32>
        tpu.vector_store_idx %arg7[%add3A_278], %broadcast_in_dim3A_4 : memref<98432xi32, #tpu.memory_space<vmem>>[vector<16xi32>], vector<16xi32>,
      }
      %scan3A_94 = arith.constant 16 : i32
      %mul3A_95 = arith.constant 2 : i32
      %mul3A_96 = arith.muli %scan3A_30, %mul3A_95 : i32
      %add3A_97 = arith.constant 1 : i32
      %add3A_98 = arith.addi %mul3A_96, %add3A_97 : i32
      %add3A_99 = arith.addi %mul3A_2, %add3A_98 : i32
      %dma_wait3A_100 = arith.constant 0 : i32
      %dma_wait3A_101 = tpu.memref_slice %arg2[%add3A_99, %dma_wait3A_100] : memref<4096x2048xf32, #tpu.memory_space<hbm>> -> memref<1x2048xf32, #tpu.memory_space<hbm>>
      %dma_wait3A_102 = tpu.memref_squeeze %dma_wait3A_101 : memref<1x2048xf32, #tpu.memory_space<hbm>> -> memref<2048xf32, #tpu.memory_space<hbm>>
      %dma_wait3A_103 = arith.constant 0 : i32
      %dma_wait3A_104 = tpu.memref_slice %arg2[%add3A_99, %dma_wait3A_103] : memref<4096x2048xf32, #tpu.memory_space<hbm>> -> memref<1x2048xf32, #tpu.memory_space<hbm>>
      %dma_wait3A_105 = tpu.memref_squeeze %dma_wait3A_104 : memref<1x2048xf32, #tpu.memory_space<hbm>> -> memref<2048xf32, #tpu.memory_space<hbm>>
      tpu.wait_dma2 semaphore(%arg11 : memref<!tpu.dma_semaphore, #tpu.memory_space<semaphore_mem>>) src(%dma_wait3A_105 : memref<2048xf32, #tpu.memory_space<hbm>>) dst(%arg6 : memref<2048xf32, #tpu.memory_space<vmem>>)
      %add3A_106 = arith.constant 1 : i32
      %add3A_107 = arith.addi %add3A_98, %add3A_106 : i32
      %min3A_108 = arith.constant 127 : i32
      %min3A_109 = arith.minsi %add3A_107, %min3A_108 : i32
      %add3A_110 = arith.addi %mul3A_2, %min3A_109 : i32
      %dma_start3A_111 = arith.constant 0 : i32
      %dma_start3A_112 = tpu.memref_slice %arg2[%add3A_110, %dma_start3A_111] : memref<4096x2048xf32, #tpu.memory_space<hbm>> -> memref<1x2048xf32, #tpu.memory_space<hbm>>
      %dma_start3A_113 = tpu.memref_squeeze %dma_start3A_112 : memref<1x2048xf32, #tpu.memory_space<hbm>> -> memref<2048xf32, #tpu.memory_space<hbm>>
      %dma_start3A_114 = arith.constant 0 : i32
      %dma_start3A_115 = tpu.memref_slice %arg2[%add3A_110, %dma_start3A_114] : memref<4096x2048xf32, #tpu.memory_space<hbm>> -> memref<1x2048xf32, #tpu.memory_space<hbm>>
      %dma_start3A_116 = tpu.memref_squeeze %dma_start3A_115 : memref<1x2048xf32, #tpu.memory_space<hbm>> -> memref<2048xf32, #tpu.memory_space<hbm>>
      tpu.enqueue_dma source(%dma_start3A_116 : memref<2048xf32, #tpu.memory_space<hbm>>) target(%arg5 : memref<2048xf32, #tpu.memory_space<vmem>>) target_semaphore(%arg10 : memref<!tpu.dma_semaphore, #tpu.memory_space<semaphore_mem>>)
      %get3A_117 = arith.constant 0 : index
      %get3A_118 = tpu.vector_load %arg6[%get3A_117] {strides = array<i32>} : memref<2048xf32, #tpu.memory_space<vmem>>, vector<16xf32>,
      %scan3A_119 = arith.constant 0 : i32
      %scan3A_120 = arith.constant 16 : i32
      %scan3A_121 = arith.addi %scan3A_119, %scan3A_120 : i32
      %scan3A_122 = arith.constant 1 : i32
      %scan3A_123 = scf.for %scan3A_166 = %scan3A_119 to %scan3A_121 step %scan3A_122 iter_args(%scan3A_167 = %get3A_118) -> (vector<16xf32>)  : i32 {
        %mul3A_168 = arith.constant 8 : i32
        %mul3A_169 = arith.muli %scan3A_166, %mul3A_168 : i32
        %add3A_170 = arith.constant 0 : i32
        %add3A_171 = arith.addi %mul3A_169, %add3A_170 : i32
        %mul3A_172 = arith.constant 16 : i32
        %mul3A_173 = arith.muli %add3A_171, %mul3A_172 : i32
        %get3A_174 = arith.index_cast %mul3A_173 : i32 to index
        %get3A_175 = tpu.vector_load %arg6[%get3A_174] {strides = array<i32>} : memref<2048xf32, #tpu.memory_space<vmem>>, vector<16xf32>,
        %max3A = arith.maximumf %scan3A_167, %get3A_175 : vector<16xf32>
        %convert_element_type3A_176 = arith.fptosi %get3A_175 : vector<16xf32> to vector<16xi32>
        %add3A_177 = arith.addi %convert_element_type3A_176, %broadcast_in_dim3A_8 : vector<16xi32>
        %mul3A_178 = arith.constant 16 : i32
        %mul3A_179 = vector.broadcast %mul3A_178 : i32 to vector<16xi32>
        %mul3A_180 = arith.muli %add3A_177, %mul3A_179 : vector<16xi32>
        %add3A_181 = arith.addi %mul3A_180, %iota3A : vector<16xi32>
        tpu.vector_store_idx %arg7[%add3A_181], %broadcast_in_dim3A_6 {add = true} : memref<98432xi32, #tpu.memory_space<vmem>>[vector<16xi32>], vector<16xi32>,
        %mul3A_182 = arith.constant 8 : i32
        %mul3A_183 = arith.muli %scan3A_166, %mul3A_182 : i32
        %add3A_184 = arith.constant 1 : i32
        %add3A_185 = arith.addi %mul3A_183, %add3A_184 : i32
        %mul3A_186 = arith.constant 16 : i32
        %mul3A_187 = arith.muli %add3A_185, %mul3A_186 : i32
        %get3A_188 = arith.index_cast %mul3A_187 : i32 to index
        %get3A_189 = tpu.vector_load %arg6[%get3A_188] {strides = array<i32>} : memref<2048xf32, #tpu.memory_space<vmem>>, vector<16xf32>,
        %max3A_190 = arith.maximumf %max3A, %get3A_189 : vector<16xf32>
        %convert_element_type3A_191 = arith.fptosi %get3A_189 : vector<16xf32> to vector<16xi32>
        %add3A_192 = arith.addi %convert_element_type3A_191, %broadcast_in_dim3A_8 : vector<16xi32>
        %mul3A_193 = arith.constant 16 : i32
        %mul3A_194 = vector.broadcast %mul3A_193 : i32 to vector<16xi32>
        %mul3A_195 = arith.muli %add3A_192, %mul3A_194 : vector<16xi32>
        %add3A_196 = arith.addi %mul3A_195, %iota3A : vector<16xi32>
        tpu.vector_store_idx %arg7[%add3A_196], %broadcast_in_dim3A_6 {add = true} : memref<98432xi32, #tpu.memory_space<vmem>>[vector<16xi32>], vector<16xi32>,
        %mul3A_197 = arith.constant 8 : i32
        %mul3A_198 = arith.muli %scan3A_166, %mul3A_197 : i32
        %add3A_199 = arith.constant 2 : i32
        %add3A_200 = arith.addi %mul3A_198, %add3A_199 : i32
        %mul3A_201 = arith.constant 16 : i32
        %mul3A_202 = arith.muli %add3A_200, %mul3A_201 : i32
        %get3A_203 = arith.index_cast %mul3A_202 : i32 to index
        %get3A_204 = tpu.vector_load %arg6[%get3A_203] {strides = array<i32>} : memref<2048xf32, #tpu.memory_space<vmem>>, vector<16xf32>,
        %max3A_205 = arith.maximumf %max3A_190, %get3A_204 : vector<16xf32>
        %convert_element_type3A_206 = arith.fptosi %get3A_204 : vector<16xf32> to vector<16xi32>
        %add3A_207 = arith.addi %convert_element_type3A_206, %broadcast_in_dim3A_8 : vector<16xi32>
        %mul3A_208 = arith.constant 16 : i32
        %mul3A_209 = vector.broadcast %mul3A_208 : i32 to vector<16xi32>
        %mul3A_210 = arith.muli %add3A_207, %mul3A_209 : vector<16xi32>
        %add3A_211 = arith.addi %mul3A_210, %iota3A : vector<16xi32>
        tpu.vector_store_idx %arg7[%add3A_211], %broadcast_in_dim3A_6 {add = true} : memref<98432xi32, #tpu.memory_space<vmem>>[vector<16xi32>], vector<16xi32>,
        %mul3A_212 = arith.constant 8 : i32
        %mul3A_213 = arith.muli %scan3A_166, %mul3A_212 : i32
        %add3A_214 = arith.constant 3 : i32
        %add3A_215 = arith.addi %mul3A_213, %add3A_214 : i32
        %mul3A_216 = arith.constant 16 : i32
        %mul3A_217 = arith.muli %add3A_215, %mul3A_216 : i32
        %get3A_218 = arith.index_cast %mul3A_217 : i32 to index
        %get3A_219 = tpu.vector_load %arg6[%get3A_218] {strides = array<i32>} : memref<2048xf32, #tpu.memory_space<vmem>>, vector<16xf32>,
        %max3A_220 = arith.maximumf %max3A_205, %get3A_219 : vector<16xf32>
        %convert_element_type3A_221 = arith.fptosi %get3A_219 : vector<16xf32> to vector<16xi32>
        %add3A_222 = arith.addi %convert_element_type3A_221, %broadcast_in_dim3A_8 : vector<16xi32>
        %mul3A_223 = arith.constant 16 : i32
        %mul3A_224 = vector.broadcast %mul3A_223 : i32 to vector<16xi32>
        %mul3A_225 = arith.muli %add3A_222, %mul3A_224 : vector<16xi32>
        %add3A_226 = arith.addi %mul3A_225, %iota3A : vector<16xi32>
        tpu.vector_store_idx %arg7[%add3A_226], %broadcast_in_dim3A_6 {add = true} : memref<98432xi32, #tpu.memory_space<vmem>>[vector<16xi32>], vector<16xi32>,
        %mul3A_227 = arith.constant 8 : i32
        %mul3A_228 = arith.muli %scan3A_166, %mul3A_227 : i32
        %add3A_229 = arith.constant 4 : i32
        %add3A_230 = arith.addi %mul3A_228, %add3A_229 : i32
        %mul3A_231 = arith.constant 16 : i32
        %mul3A_232 = arith.muli %add3A_230, %mul3A_231 : i32
        %get3A_233 = arith.index_cast %mul3A_232 : i32 to index
        %get3A_234 = tpu.vector_load %arg6[%get3A_233] {strides = array<i32>} : memref<2048xf32, #tpu.memory_space<vmem>>, vector<16xf32>,
        %max3A_235 = arith.maximumf %max3A_220, %get3A_234 : vector<16xf32>
        %convert_element_type3A_236 = arith.fptosi %get3A_234 : vector<16xf32> to vector<16xi32>
        %add3A_237 = arith.addi %convert_element_type3A_236, %broadcast_in_dim3A_8 : vector<16xi32>
        %mul3A_238 = arith.constant 16 : i32
        %mul3A_239 = vector.broadcast %mul3A_238 : i32 to vector<16xi32>
        %mul3A_240 = arith.muli %add3A_237, %mul3A_239 : vector<16xi32>
        %add3A_241 = arith.addi %mul3A_240, %iota3A : vector<16xi32>
        tpu.vector_store_idx %arg7[%add3A_241], %broadcast_in_dim3A_6 {add = true} : memref<98432xi32, #tpu.memory_space<vmem>>[vector<16xi32>], vector<16xi32>,
        %mul3A_242 = arith.constant 8 : i32
        %mul3A_243 = arith.muli %scan3A_166, %mul3A_242 : i32
        %add3A_244 = arith.constant 5 : i32
        %add3A_245 = arith.addi %mul3A_243, %add3A_244 : i32
        %mul3A_246 = arith.constant 16 : i32
        %mul3A_247 = arith.muli %add3A_245, %mul3A_246 : i32
        %get3A_248 = arith.index_cast %mul3A_247 : i32 to index
        %get3A_249 = tpu.vector_load %arg6[%get3A_248] {strides = array<i32>} : memref<2048xf32, #tpu.memory_space<vmem>>, vector<16xf32>,
        %max3A_250 = arith.maximumf %max3A_235, %get3A_249 : vector<16xf32>
        %convert_element_type3A_251 = arith.fptosi %get3A_249 : vector<16xf32> to vector<16xi32>
        %add3A_252 = arith.addi %convert_element_type3A_251, %broadcast_in_dim3A_8 : vector<16xi32>
        %mul3A_253 = arith.constant 16 : i32
        %mul3A_254 = vector.broadcast %mul3A_253 : i32 to vector<16xi32>
        %mul3A_255 = arith.muli %add3A_252, %mul3A_254 : vector<16xi32>
        %add3A_256 = arith.addi %mul3A_255, %iota3A : vector<16xi32>
        tpu.vector_store_idx %arg7[%add3A_256], %broadcast_in_dim3A_6 {add = true} : memref<98432xi32, #tpu.memory_space<vmem>>[vector<16xi32>], vector<16xi32>,
        %mul3A_257 = arith.constant 8 : i32
        %mul3A_258 = arith.muli %scan3A_166, %mul3A_257 : i32
        %add3A_259 = arith.constant 6 : i32
        %add3A_260 = arith.addi %mul3A_258, %add3A_259 : i32
        %mul3A_261 = arith.constant 16 : i32
        %mul3A_262 = arith.muli %add3A_260, %mul3A_261 : i32
        %get3A_263 = arith.index_cast %mul3A_262 : i32 to index
        %get3A_264 = tpu.vector_load %arg6[%get3A_263] {strides = array<i32>} : memref<2048xf32, #tpu.memory_space<vmem>>, vector<16xf32>,
        %max3A_265 = arith.maximumf %max3A_250, %get3A_264 : vector<16xf32>
        %convert_element_type3A_266 = arith.fptosi %get3A_264 : vector<16xf32> to vector<16xi32>
        %add3A_267 = arith.addi %convert_element_type3A_266, %broadcast_in_dim3A_8 : vector<16xi32>
        %mul3A_268 = arith.constant 16 : i32
        %mul3A_269 = vector.broadcast %mul3A_268 : i32 to vector<16xi32>
        %mul3A_270 = arith.muli %add3A_267, %mul3A_269 : vector<16xi32>
        %add3A_271 = arith.addi %mul3A_270, %iota3A : vector<16xi32>
        tpu.vector_store_idx %arg7[%add3A_271], %broadcast_in_dim3A_6 {add = true} : memref<98432xi32, #tpu.memory_space<vmem>>[vector<16xi32>], vector<16xi32>,
        %mul3A_272 = arith.constant 8 : i32
        %mul3A_273 = arith.muli %scan3A_166, %mul3A_272 : i32
        %add3A_274 = arith.constant 7 : i32
        %add3A_275 = arith.addi %mul3A_273, %add3A_274 : i32
        %mul3A_276 = arith.constant 16 : i32
        %mul3A_277 = arith.muli %add3A_275, %mul3A_276 : i32
        %get3A_278 = arith.index_cast %mul3A_277 : i32 to index
        %get3A_279 = tpu.vector_load %arg6[%get3A_278] {strides = array<i32>} : memref<2048xf32, #tpu.memory_space<vmem>>, vector<16xf32>,
        %max3A_280 = arith.maximumf %max3A_265, %get3A_279 : vector<16xf32>
        %convert_element_type3A_281 = arith.fptosi %get3A_279 : vector<16xf32> to vector<16xi32>
        %add3A_282 = arith.addi %convert_element_type3A_281, %broadcast_in_dim3A_8 : vector<16xi32>
        %mul3A_283 = arith.constant 16 : i32
        %mul3A_284 = vector.broadcast %mul3A_283 : i32 to vector<16xi32>
        %mul3A_285 = arith.muli %add3A_282, %mul3A_284 : vector<16xi32>
        %add3A_286 = arith.addi %mul3A_285, %iota3A : vector<16xi32>
        tpu.vector_store_idx %arg7[%add3A_286], %broadcast_in_dim3A_6 {add = true} : memref<98432xi32, #tpu.memory_space<vmem>>[vector<16xi32>], vector<16xi32>,
        scf.yield %max3A_280 : vector<16xf32>
      }
      %scan3A_124 = arith.constant 16 : i32
      %masked_sort3A_125 = arith.constant dense<true> : vector<16xi1>
      %masked_sort3A_126, %masked_sort3A_127, %masked_sort3A_128 = tpu.sort %scan3A_123, %scan3A_123 masked %masked_sort3A_125 {descending = true} : (vector<16xf32>, vector<16xf32>, vector<16xi1>) -> (vector<16xi1>, vector<16xf32>, vector<16xf32>)
      %slice3A_129 = vector.extract_strided_slice %masked_sort3A_127 {offsets = [0], sizes = [1], strides = [1]} : vector<16xf32> to vector<1xf32>
      %squeeze3A_130 = vector.extract %slice3A_129[0] : f32 from vector<1xf32>
      %convert_element_type3A_131 = arith.fptosi %squeeze3A_130 : f32 to i32
      %add3A_132 = arith.constant 4096 : i32
      %add3A_133 = arith.addi %convert_element_type3A_131, %add3A_132 : i32
      %while3A_134 = arith.constant 0 : i32
      %while3A_135:2 = scf.while (%while3A_166 = %while3A_134, %while3A_167 = %add3A_133) : (i32, i32) -> (i32, i32) {
        %lt3A = arith.cmpi slt, %while3A_166, %squeeze3A : i32
        scf.condition(%lt3A) %while3A_166, %while3A_167 : i32, i32
      } do {
      ^bb0(%while3A_166: i32, %while3A_167: i32):
        %mul3A_168 = arith.constant 16 : i32
        %mul3A_169 = arith.muli %while3A_167, %mul3A_168 : i32
        %get3A_170 = arith.index_cast %mul3A_169 : i32 to index
        %get3A_171 = tpu.vector_load %arg7[%get3A_170] {strides = array<i32>} : memref<98432xi32, #tpu.memory_space<vmem>>, vector<16xi32>,
        %reduce_sum3A_172 = arith.constant true
        %reduce_sum3A_173 = vector.broadcast %reduce_sum3A_172 : i1 to vector<16xi1>
        %reduce_sum3A_174 = tpu.scan <sum>, %get3A_171 masked %reduce_sum3A_173 : vector<16xi32>, vector<16xi1> -> vector<16xi32>
        %reduce_sum3A_175 = vector.extract %reduce_sum3A_174[15] : i32 from vector<16xi32>
        %add3A_176 = arith.addi %while3A_166, %reduce_sum3A_175 : i32
        %sub3A_177 = arith.constant 1 : i32
        %sub3A_178 = arith.subi %while3A_167, %sub3A_177 : i32
        scf.yield %add3A_176, %sub3A_178 : i32, i32
      }
      %add3A_136 = arith.constant 1 : i32
      %add3A_137 = arith.addi %while3A_135#1, %add3A_136 : i32
      %mul3A_138 = arith.constant 16 : i32
      %mul3A_139 = arith.muli %add3A_137, %mul3A_138 : i32
      %get3A_140 = arith.index_cast %mul3A_139 : i32 to index
      %get3A_141 = tpu.vector_load %arg7[%get3A_140] {strides = array<i32>} : memref<98432xi32, #tpu.memory_space<vmem>>, vector<16xi32>,
      %reduce_sum3A_142 = arith.constant true
      %reduce_sum3A_143 = vector.broadcast %reduce_sum3A_142 : i1 to vector<16xi1>
      %reduce_sum3A_144 = tpu.scan <sum>, %get3A_141 masked %reduce_sum3A_143 : vector<16xi32>, vector<16xi1> -> vector<16xi32>
      %reduce_sum3A_145 = vector.extract %reduce_sum3A_144[15] : i32 from vector<16xi32>
      %sub3A_146 = arith.subi %while3A_135#0, %reduce_sum3A_145 : i32
      %sub3A_147 = arith.constant 4096 : i32
      %sub3A_148 = arith.subi %add3A_137, %sub3A_147 : i32
      %convert_element_type3A_149 = arith.sitofp %sub3A_148 : i32 to f32
      %mul3A_150 = arith.constant 2.048000e+03 : f32
      %mul3A_151 = arith.mulf %convert_element_type3A_149, %mul3A_150 : f32
      %broadcast_in_dim3A_152 = vector.broadcast %mul3A_151 : f32 to vector<16xf32>
      %convert_element_type3A_153 = arith.sitofp %sub3A_146 : i32 to f32
      %add3A_154 = vector.broadcast %convert_element_type3A_153 : f32 to vector<16xf32>
      %add3A_155 = arith.addf %broadcast_in_dim3A_152, %add3A_154 : vector<16xf32>
      %broadcast_in_dim3A_156 = vector.broadcast %add3A_98 : i32 to vector<16xi32>
      %eq3A_157 = arith.constant 0 : i32
      %eq3A_158 = vector.broadcast %eq3A_157 : i32 to vector<16xi32>
      %eq3A_159 = arith.cmpi eq, %iota3A, %eq3A_158 : vector<16xi32>
      tpu.vector_store_idx %arg9[%broadcast_in_dim3A_156], %add3A_155 masked %eq3A_159 : memref<128xf32, #tpu.memory_space<vmem>>[vector<16xi32>], vector<16xf32>, vector<16xi1>
      %scan3A_160 = arith.constant 0 : i32
      %scan3A_161 = arith.constant 0 : i32
      %scan3A_162 = arith.constant 16 : i32
      %scan3A_163 = arith.addi %scan3A_161, %scan3A_162 : i32
      %scan3A_164 = arith.constant 1 : i32
      scf.for %scan3A_166 = %scan3A_161 to %scan3A_163 step %scan3A_164  : i32 {
        %mul3A_167 = arith.constant 8 : i32
        %mul3A_168 = arith.muli %scan3A_166, %mul3A_167 : i32
        %add3A_169 = arith.constant 0 : i32
        %add3A_170 = arith.addi %mul3A_168, %add3A_169 : i32
        %mul3A_171 = arith.constant 16 : i32
        %mul3A_172 = arith.muli %add3A_170, %mul3A_171 : i32
        %get3A_173 = arith.index_cast %mul3A_172 : i32 to index
        %get3A_174 = tpu.vector_load %arg6[%get3A_173] {strides = array<i32>} : memref<2048xf32, #tpu.memory_space<vmem>>, vector<16xf32>,
        %convert_element_type3A_175 = arith.fptosi %get3A_174 : vector<16xf32> to vector<16xi32>
        %add3A_176 = arith.addi %convert_element_type3A_175, %broadcast_in_dim3A_8 : vector<16xi32>
        %mul3A_177 = arith.constant 16 : i32
        %mul3A_178 = vector.broadcast %mul3A_177 : i32 to vector<16xi32>
        %mul3A_179 = arith.muli %add3A_176, %mul3A_178 : vector<16xi32>
        %add3A_180 = arith.addi %mul3A_179, %iota3A : vector<16xi32>
        tpu.vector_store_idx %arg7[%add3A_180], %broadcast_in_dim3A_4 : memref<98432xi32, #tpu.memory_space<vmem>>[vector<16xi32>], vector<16xi32>,
        %mul3A_181 = arith.constant 8 : i32
        %mul3A_182 = arith.muli %scan3A_166, %mul3A_181 : i32
        %add3A_183 = arith.constant 1 : i32
        %add3A_184 = arith.addi %mul3A_182, %add3A_183 : i32
        %mul3A_185 = arith.constant 16 : i32
        %mul3A_186 = arith.muli %add3A_184, %mul3A_185 : i32
        %get3A_187 = arith.index_cast %mul3A_186 : i32 to index
        %get3A_188 = tpu.vector_load %arg6[%get3A_187] {strides = array<i32>} : memref<2048xf32, #tpu.memory_space<vmem>>, vector<16xf32>,
        %convert_element_type3A_189 = arith.fptosi %get3A_188 : vector<16xf32> to vector<16xi32>
        %add3A_190 = arith.addi %convert_element_type3A_189, %broadcast_in_dim3A_8 : vector<16xi32>
        %mul3A_191 = arith.constant 16 : i32
        %mul3A_192 = vector.broadcast %mul3A_191 : i32 to vector<16xi32>
        %mul3A_193 = arith.muli %add3A_190, %mul3A_192 : vector<16xi32>
        %add3A_194 = arith.addi %mul3A_193, %iota3A : vector<16xi32>
        tpu.vector_store_idx %arg7[%add3A_194], %broadcast_in_dim3A_4 : memref<98432xi32, #tpu.memory_space<vmem>>[vector<16xi32>], vector<16xi32>,
        %mul3A_195 = arith.constant 8 : i32
        %mul3A_196 = arith.muli %scan3A_166, %mul3A_195 : i32
        %add3A_197 = arith.constant 2 : i32
        %add3A_198 = arith.addi %mul3A_196, %add3A_197 : i32
        %mul3A_199 = arith.constant 16 : i32
        %mul3A_200 = arith.muli %add3A_198, %mul3A_199 : i32
        %get3A_201 = arith.index_cast %mul3A_200 : i32 to index
        %get3A_202 = tpu.vector_load %arg6[%get3A_201] {strides = array<i32>} : memref<2048xf32, #tpu.memory_space<vmem>>, vector<16xf32>,
        %convert_element_type3A_203 = arith.fptosi %get3A_202 : vector<16xf32> to vector<16xi32>
        %add3A_204 = arith.addi %convert_element_type3A_203, %broadcast_in_dim3A_8 : vector<16xi32>
        %mul3A_205 = arith.constant 16 : i32
        %mul3A_206 = vector.broadcast %mul3A_205 : i32 to vector<16xi32>
        %mul3A_207 = arith.muli %add3A_204, %mul3A_206 : vector<16xi32>
        %add3A_208 = arith.addi %mul3A_207, %iota3A : vector<16xi32>
        tpu.vector_store_idx %arg7[%add3A_208], %broadcast_in_dim3A_4 : memref<98432xi32, #tpu.memory_space<vmem>>[vector<16xi32>], vector<16xi32>,
        %mul3A_209 = arith.constant 8 : i32
        %mul3A_210 = arith.muli %scan3A_166, %mul3A_209 : i32
        %add3A_211 = arith.constant 3 : i32
        %add3A_212 = arith.addi %mul3A_210, %add3A_211 : i32
        %mul3A_213 = arith.constant 16 : i32
        %mul3A_214 = arith.muli %add3A_212, %mul3A_213 : i32
        %get3A_215 = arith.index_cast %mul3A_214 : i32 to index
        %get3A_216 = tpu.vector_load %arg6[%get3A_215] {strides = array<i32>} : memref<2048xf32, #tpu.memory_space<vmem>>, vector<16xf32>,
        %convert_element_type3A_217 = arith.fptosi %get3A_216 : vector<16xf32> to vector<16xi32>
        %add3A_218 = arith.addi %convert_element_type3A_217, %broadcast_in_dim3A_8 : vector<16xi32>
        %mul3A_219 = arith.constant 16 : i32
        %mul3A_220 = vector.broadcast %mul3A_219 : i32 to vector<16xi32>
        %mul3A_221 = arith.muli %add3A_218, %mul3A_220 : vector<16xi32>
        %add3A_222 = arith.addi %mul3A_221, %iota3A : vector<16xi32>
        tpu.vector_store_idx %arg7[%add3A_222], %broadcast_in_dim3A_4 : memref<98432xi32, #tpu.memory_space<vmem>>[vector<16xi32>], vector<16xi32>,
        %mul3A_223 = arith.constant 8 : i32
        %mul3A_224 = arith.muli %scan3A_166, %mul3A_223 : i32
        %add3A_225 = arith.constant 4 : i32
        %add3A_226 = arith.addi %mul3A_224, %add3A_225 : i32
        %mul3A_227 = arith.constant 16 : i32
        %mul3A_228 = arith.muli %add3A_226, %mul3A_227 : i32
        %get3A_229 = arith.index_cast %mul3A_228 : i32 to index
        %get3A_230 = tpu.vector_load %arg6[%get3A_229] {strides = array<i32>} : memref<2048xf32, #tpu.memory_space<vmem>>, vector<16xf32>,
        %convert_element_type3A_231 = arith.fptosi %get3A_230 : vector<16xf32> to vector<16xi32>
        %add3A_232 = arith.addi %convert_element_type3A_231, %broadcast_in_dim3A_8 : vector<16xi32>
        %mul3A_233 = arith.constant 16 : i32
        %mul3A_234 = vector.broadcast %mul3A_233 : i32 to vector<16xi32>
        %mul3A_235 = arith.muli %add3A_232, %mul3A_234 : vector<16xi32>
        %add3A_236 = arith.addi %mul3A_235, %iota3A : vector<16xi32>
        tpu.vector_store_idx %arg7[%add3A_236], %broadcast_in_dim3A_4 : memref<98432xi32, #tpu.memory_space<vmem>>[vector<16xi32>], vector<16xi32>,
        %mul3A_237 = arith.constant 8 : i32
        %mul3A_238 = arith.muli %scan3A_166, %mul3A_237 : i32
        %add3A_239 = arith.constant 5 : i32
        %add3A_240 = arith.addi %mul3A_238, %add3A_239 : i32
        %mul3A_241 = arith.constant 16 : i32
        %mul3A_242 = arith.muli %add3A_240, %mul3A_241 : i32
        %get3A_243 = arith.index_cast %mul3A_242 : i32 to index
        %get3A_244 = tpu.vector_load %arg6[%get3A_243] {strides = array<i32>} : memref<2048xf32, #tpu.memory_space<vmem>>, vector<16xf32>,
        %convert_element_type3A_245 = arith.fptosi %get3A_244 : vector<16xf32> to vector<16xi32>
        %add3A_246 = arith.addi %convert_element_type3A_245, %broadcast_in_dim3A_8 : vector<16xi32>
        %mul3A_247 = arith.constant 16 : i32
        %mul3A_248 = vector.broadcast %mul3A_247 : i32 to vector<16xi32>
        %mul3A_249 = arith.muli %add3A_246, %mul3A_248 : vector<16xi32>
        %add3A_250 = arith.addi %mul3A_249, %iota3A : vector<16xi32>
        tpu.vector_store_idx %arg7[%add3A_250], %broadcast_in_dim3A_4 : memref<98432xi32, #tpu.memory_space<vmem>>[vector<16xi32>], vector<16xi32>,
        %mul3A_251 = arith.constant 8 : i32
        %mul3A_252 = arith.muli %scan3A_166, %mul3A_251 : i32
        %add3A_253 = arith.constant 6 : i32
        %add3A_254 = arith.addi %mul3A_252, %add3A_253 : i32
        %mul3A_255 = arith.constant 16 : i32
        %mul3A_256 = arith.muli %add3A_254, %mul3A_255 : i32
        %get3A_257 = arith.index_cast %mul3A_256 : i32 to index
        %get3A_258 = tpu.vector_load %arg6[%get3A_257] {strides = array<i32>} : memref<2048xf32, #tpu.memory_space<vmem>>, vector<16xf32>,
        %convert_element_type3A_259 = arith.fptosi %get3A_258 : vector<16xf32> to vector<16xi32>
        %add3A_260 = arith.addi %convert_element_type3A_259, %broadcast_in_dim3A_8 : vector<16xi32>
        %mul3A_261 = arith.constant 16 : i32
        %mul3A_262 = vector.broadcast %mul3A_261 : i32 to vector<16xi32>
        %mul3A_263 = arith.muli %add3A_260, %mul3A_262 : vector<16xi32>
        %add3A_264 = arith.addi %mul3A_263, %iota3A : vector<16xi32>
        tpu.vector_store_idx %arg7[%add3A_264], %broadcast_in_dim3A_4 : memref<98432xi32, #tpu.memory_space<vmem>>[vector<16xi32>], vector<16xi32>,
        %mul3A_265 = arith.constant 8 : i32
        %mul3A_266 = arith.muli %scan3A_166, %mul3A_265 : i32
        %add3A_267 = arith.constant 7 : i32
        %add3A_268 = arith.addi %mul3A_266, %add3A_267 : i32
        %mul3A_269 = arith.constant 16 : i32
        %mul3A_270 = arith.muli %add3A_268, %mul3A_269 : i32
        %get3A_271 = arith.index_cast %mul3A_270 : i32 to index
        %get3A_272 = tpu.vector_load %arg6[%get3A_271] {strides = array<i32>} : memref<2048xf32, #tpu.memory_space<vmem>>, vector<16xf32>,
        %convert_element_type3A_273 = arith.fptosi %get3A_272 : vector<16xf32> to vector<16xi32>
        %add3A_274 = arith.addi %convert_element_type3A_273, %broadcast_in_dim3A_8 : vector<16xi32>
        %mul3A_275 = arith.constant 16 : i32
        %mul3A_276 = vector.broadcast %mul3A_275 : i32 to vector<16xi32>
        %mul3A_277 = arith.muli %add3A_274, %mul3A_276 : vector<16xi32>
        %add3A_278 = arith.addi %mul3A_277, %iota3A : vector<16xi32>
        tpu.vector_store_idx %arg7[%add3A_278], %broadcast_in_dim3A_4 : memref<98432xi32, #tpu.memory_space<vmem>>[vector<16xi32>], vector<16xi32>,
      }
      %scan3A_165 = arith.constant 16 : i32
    }
    %scan3A_24 = arith.constant 64 : i32
    %dma_wait3A = arith.constant 0 : i32
    %dma_wait3A_25 = tpu.memref_slice %arg2[%mul3A_2, %dma_wait3A] : memref<4096x2048xf32, #tpu.memory_space<hbm>> -> memref<1x2048xf32, #tpu.memory_space<hbm>>
    %dma_wait3A_26 = tpu.memref_squeeze %dma_wait3A_25 : memref<1x2048xf32, #tpu.memory_space<hbm>> -> memref<2048xf32, #tpu.memory_space<hbm>>
    %dma_wait3A_27 = arith.constant 0 : i32
    %dma_wait3A_28 = tpu.memref_slice %arg2[%mul3A_2, %dma_wait3A_27] : memref<4096x2048xf32, #tpu.memory_space<hbm>> -> memref<1x2048xf32, #tpu.memory_space<hbm>>
    %dma_wait3A_29 = tpu.memref_squeeze %dma_wait3A_28 : memref<1x2048xf32, #tpu.memory_space<hbm>> -> memref<2048xf32, #tpu.memory_space<hbm>>
    tpu.wait_dma2 semaphore(%arg10 : memref<!tpu.dma_semaphore, #tpu.memory_space<semaphore_mem>>) src(%dma_wait3A_29 : memref<2048xf32, #tpu.memory_space<hbm>>) dst(%arg5 : memref<2048xf32, #tpu.memory_space<vmem>>)
    "tpu.region"() ({
      %run_scoped3A = tpu.sem_alloc : memref<!tpu.dma_semaphore, #tpu.memory_space<semaphore_mem>>
      %dma_start3A_30 = tpu.memref_slice %arg4[%mul3A_2] : memref<4096xf32, #tpu.memory_space<hbm>> -> memref<128xf32, #tpu.memory_space<hbm>>
      %dma_start3A_31 = tpu.memref_slice %arg4[%mul3A_2] : memref<4096xf32, #tpu.memory_space<hbm>> -> memref<128xf32, #tpu.memory_space<hbm>>
      tpu.enqueue_dma source(%arg9 : memref<128xf32, #tpu.memory_space<vmem>>) target(%dma_start3A_31 : memref<128xf32, #tpu.memory_space<hbm>>) target_semaphore(%run_scoped3A : memref<!tpu.dma_semaphore, #tpu.memory_space<semaphore_mem>>)
      %dma_wait3A_32 = tpu.memref_slice %arg4[%mul3A_2] : memref<4096xf32, #tpu.memory_space<hbm>> -> memref<128xf32, #tpu.memory_space<hbm>>
      %dma_wait3A_33 = tpu.memref_slice %arg4[%mul3A_2] : memref<4096xf32, #tpu.memory_space<hbm>> -> memref<128xf32, #tpu.memory_space<hbm>>
      tpu.wait_dma2 semaphore(%run_scoped3A : memref<!tpu.dma_semaphore, #tpu.memory_space<semaphore_mem>>) src(%arg9 : memref<128xf32, #tpu.memory_space<vmem>>) dst(%dma_wait3A_33 : memref<128xf32, #tpu.memory_space<hbm>>)
      tpu.yield
    }) : () -> ()
    return
  }
}

#map = affine_map<(d0, d1) -> (0, 0)>
#map1 = affine_map<(d0, d1) -> (0)>
module attributes {stable_mosaic.version = 14 : i64} {
  func.func @body(%arg0: i32, %arg1: i32, %arg2: memref<4096x4096xf32, #tpu.memory_space<hbm>>, %arg3: memref<16xi32, #tpu.memory_space<hbm>>, %arg4: memref<4096xf32, #tpu.memory_space<hbm>>, %arg5: memref<4096xf32, #tpu.memory_space<vmem>>, %arg6: memref<4096xf32, #tpu.memory_space<vmem>>, %arg7: memref<65664xi32, #tpu.memory_space<vmem>>, %arg8: memref<16xi32, #tpu.memory_space<vmem>>, %arg9: memref<128xf32, #tpu.memory_space<vmem>>, %arg10: memref<!tpu.dma_semaphore, #tpu.memory_space<semaphore_mem>>, %arg11: memref<!tpu.dma_semaphore, #tpu.memory_space<semaphore_mem>>) attributes {dimension_semantics = [#tpu.dimension_semantics<core_parallel>, #tpu.dimension_semantics<subcore_parallel>], iteration_bounds = array<i64: 2, 16>, scalar_prefetch = 0 : i64, scratch_operands = 7 : i64, tpu.core_type = #tpu.core_type<sc_vector_subcore>, window_params = [{transform_indices = #map}, {transform_indices = #map1}, {transform_indices = #map1}]} {
    %mul3A = arith.constant 2 : i32
    %mul3A_0 = arith.muli %arg1, %mul3A : i32
    %add3A = arith.addi %mul3A_0, %arg0 : i32
    %mul3A_1 = arith.constant 128 : i32
    %mul3A_2 = arith.muli %add3A, %mul3A_1 : i32
    "tpu.region"() ({
      %run_scoped3A = tpu.sem_alloc : memref<!tpu.dma_semaphore, #tpu.memory_space<semaphore_mem>>
      tpu.enqueue_dma source(%arg3 : memref<16xi32, #tpu.memory_space<hbm>>) target(%arg8 : memref<16xi32, #tpu.memory_space<vmem>>) target_semaphore(%run_scoped3A : memref<!tpu.dma_semaphore, #tpu.memory_space<semaphore_mem>>)
      tpu.wait_dma2 semaphore(%run_scoped3A : memref<!tpu.dma_semaphore, #tpu.memory_space<semaphore_mem>>) src(%arg3 : memref<16xi32, #tpu.memory_space<hbm>>) dst(%arg8 : memref<16xi32, #tpu.memory_space<vmem>>)
      tpu.yield
    }) : () -> ()
    %get3A = arith.constant 0 : index
    %get3A_3 = tpu.vector_load %arg8[%get3A] {strides = array<i32>} : memref<16xi32, #tpu.memory_space<vmem>>, vector<16xi32>,
    %slice3A = vector.extract_strided_slice %get3A_3 {offsets = [0], sizes = [1], strides = [1]} : vector<16xi32> to vector<1xi32>
    %squeeze3A = vector.extract %slice3A[0] : i32 from vector<1xi32>
    %iota3A = tpu.iota {dimensions = array<i32: 0>} : vector<16xi32>
    %broadcast_in_dim3A = arith.constant 0 : i32
    %broadcast_in_dim3A_4 = vector.broadcast %broadcast_in_dim3A : i32 to vector<16xi32>
    %broadcast_in_dim3A_5 = arith.constant 1 : i32
    %broadcast_in_dim3A_6 = vector.broadcast %broadcast_in_dim3A_5 : i32 to vector<16xi32>
    %broadcast_in_dim3A_7 = arith.constant 0 : i32
    %broadcast_in_dim3A_8 = vector.broadcast %broadcast_in_dim3A_7 : i32 to vector<16xi32>
    %scan3A = arith.constant 0 : i32
    %scan3A_9 = arith.constant 0 : i32
    %scan3A_10 = arith.constant 513 : i32
    %scan3A_11 = arith.addi %scan3A_9, %scan3A_10 : i32
    %scan3A_12 = arith.constant 1 : i32
    scf.for %scan3A_30 = %scan3A_9 to %scan3A_11 step %scan3A_12  : i32 {
      %mul3A_31 = arith.constant 8 : i32
      %mul3A_32 = arith.muli %scan3A_30, %mul3A_31 : i32
      %add3A_33 = arith.constant 0 : i32
      %add3A_34 = arith.addi %mul3A_32, %add3A_33 : i32
      %mul3A_35 = arith.constant 16 : i32
      %mul3A_36 = arith.muli %add3A_34, %mul3A_35 : i32
      %swap3A = arith.index_cast %mul3A_36 : i32 to index
      %swap3A_37 = tpu.vector_load %arg7[%swap3A] {strides = array<i32>} : memref<65664xi32, #tpu.memory_space<vmem>>, vector<16xi32>,
      tpu.vector_store %arg7[%swap3A], %broadcast_in_dim3A_4 {strides = array<i32>} : memref<65664xi32, #tpu.memory_space<vmem>>, vector<16xi32>,
      %mul3A_38 = arith.constant 8 : i32
      %mul3A_39 = arith.muli %scan3A_30, %mul3A_38 : i32
      %add3A_40 = arith.constant 1 : i32
      %add3A_41 = arith.addi %mul3A_39, %add3A_40 : i32
      %mul3A_42 = arith.constant 16 : i32
      %mul3A_43 = arith.muli %add3A_41, %mul3A_42 : i32
      %swap3A_44 = arith.index_cast %mul3A_43 : i32 to index
      %swap3A_45 = tpu.vector_load %arg7[%swap3A_44] {strides = array<i32>} : memref<65664xi32, #tpu.memory_space<vmem>>, vector<16xi32>,
      tpu.vector_store %arg7[%swap3A_44], %broadcast_in_dim3A_4 {strides = array<i32>} : memref<65664xi32, #tpu.memory_space<vmem>>, vector<16xi32>,
      %mul3A_46 = arith.constant 8 : i32
      %mul3A_47 = arith.muli %scan3A_30, %mul3A_46 : i32
      %add3A_48 = arith.constant 2 : i32
      %add3A_49 = arith.addi %mul3A_47, %add3A_48 : i32
      %mul3A_50 = arith.constant 16 : i32
      %mul3A_51 = arith.muli %add3A_49, %mul3A_50 : i32
      %swap3A_52 = arith.index_cast %mul3A_51 : i32 to index
      %swap3A_53 = tpu.vector_load %arg7[%swap3A_52] {strides = array<i32>} : memref<65664xi32, #tpu.memory_space<vmem>>, vector<16xi32>,
      tpu.vector_store %arg7[%swap3A_52], %broadcast_in_dim3A_4 {strides = array<i32>} : memref<65664xi32, #tpu.memory_space<vmem>>, vector<16xi32>,
      %mul3A_54 = arith.constant 8 : i32
      %mul3A_55 = arith.muli %scan3A_30, %mul3A_54 : i32
      %add3A_56 = arith.constant 3 : i32
      %add3A_57 = arith.addi %mul3A_55, %add3A_56 : i32
      %mul3A_58 = arith.constant 16 : i32
      %mul3A_59 = arith.muli %add3A_57, %mul3A_58 : i32
      %swap3A_60 = arith.index_cast %mul3A_59 : i32 to index
      %swap3A_61 = tpu.vector_load %arg7[%swap3A_60] {strides = array<i32>} : memref<65664xi32, #tpu.memory_space<vmem>>, vector<16xi32>,
      tpu.vector_store %arg7[%swap3A_60], %broadcast_in_dim3A_4 {strides = array<i32>} : memref<65664xi32, #tpu.memory_space<vmem>>, vector<16xi32>,
      %mul3A_62 = arith.constant 8 : i32
      %mul3A_63 = arith.muli %scan3A_30, %mul3A_62 : i32
      %add3A_64 = arith.constant 4 : i32
      %add3A_65 = arith.addi %mul3A_63, %add3A_64 : i32
      %mul3A_66 = arith.constant 16 : i32
      %mul3A_67 = arith.muli %add3A_65, %mul3A_66 : i32
      %swap3A_68 = arith.index_cast %mul3A_67 : i32 to index
      %swap3A_69 = tpu.vector_load %arg7[%swap3A_68] {strides = array<i32>} : memref<65664xi32, #tpu.memory_space<vmem>>, vector<16xi32>,
      tpu.vector_store %arg7[%swap3A_68], %broadcast_in_dim3A_4 {strides = array<i32>} : memref<65664xi32, #tpu.memory_space<vmem>>, vector<16xi32>,
      %mul3A_70 = arith.constant 8 : i32
      %mul3A_71 = arith.muli %scan3A_30, %mul3A_70 : i32
      %add3A_72 = arith.constant 5 : i32
      %add3A_73 = arith.addi %mul3A_71, %add3A_72 : i32
      %mul3A_74 = arith.constant 16 : i32
      %mul3A_75 = arith.muli %add3A_73, %mul3A_74 : i32
      %swap3A_76 = arith.index_cast %mul3A_75 : i32 to index
      %swap3A_77 = tpu.vector_load %arg7[%swap3A_76] {strides = array<i32>} : memref<65664xi32, #tpu.memory_space<vmem>>, vector<16xi32>,
      tpu.vector_store %arg7[%swap3A_76], %broadcast_in_dim3A_4 {strides = array<i32>} : memref<65664xi32, #tpu.memory_space<vmem>>, vector<16xi32>,
      %mul3A_78 = arith.constant 8 : i32
      %mul3A_79 = arith.muli %scan3A_30, %mul3A_78 : i32
      %add3A_80 = arith.constant 6 : i32
      %add3A_81 = arith.addi %mul3A_79, %add3A_80 : i32
      %mul3A_82 = arith.constant 16 : i32
      %mul3A_83 = arith.muli %add3A_81, %mul3A_82 : i32
      %swap3A_84 = arith.index_cast %mul3A_83 : i32 to index
      %swap3A_85 = tpu.vector_load %arg7[%swap3A_84] {strides = array<i32>} : memref<65664xi32, #tpu.memory_space<vmem>>, vector<16xi32>,
      tpu.vector_store %arg7[%swap3A_84], %broadcast_in_dim3A_4 {strides = array<i32>} : memref<65664xi32, #tpu.memory_space<vmem>>, vector<16xi32>,
      %mul3A_86 = arith.constant 8 : i32
      %mul3A_87 = arith.muli %scan3A_30, %mul3A_86 : i32
      %add3A_88 = arith.constant 7 : i32
      %add3A_89 = arith.addi %mul3A_87, %add3A_88 : i32
      %mul3A_90 = arith.constant 16 : i32
      %mul3A_91 = arith.muli %add3A_89, %mul3A_90 : i32
      %swap3A_92 = arith.index_cast %mul3A_91 : i32 to index
      %swap3A_93 = tpu.vector_load %arg7[%swap3A_92] {strides = array<i32>} : memref<65664xi32, #tpu.memory_space<vmem>>, vector<16xi32>,
      tpu.vector_store %arg7[%swap3A_92], %broadcast_in_dim3A_4 {strides = array<i32>} : memref<65664xi32, #tpu.memory_space<vmem>>, vector<16xi32>,
    }
    %scan3A_13 = arith.constant 513 : i32
    %dma_start3A = arith.constant 0 : i32
    %dma_start3A_14 = tpu.memref_slice %arg2[%mul3A_2, %dma_start3A] : memref<4096x4096xf32, #tpu.memory_space<hbm>> -> memref<1x4096xf32, #tpu.memory_space<hbm>>
    %dma_start3A_15 = tpu.memref_squeeze %dma_start3A_14 : memref<1x4096xf32, #tpu.memory_space<hbm>> -> memref<4096xf32, #tpu.memory_space<hbm>>
    %dma_start3A_16 = arith.constant 0 : i32
    %dma_start3A_17 = tpu.memref_slice %arg2[%mul3A_2, %dma_start3A_16] : memref<4096x4096xf32, #tpu.memory_space<hbm>> -> memref<1x4096xf32, #tpu.memory_space<hbm>>
    %dma_start3A_18 = tpu.memref_squeeze %dma_start3A_17 : memref<1x4096xf32, #tpu.memory_space<hbm>> -> memref<4096xf32, #tpu.memory_space<hbm>>
    tpu.enqueue_dma source(%dma_start3A_18 : memref<4096xf32, #tpu.memory_space<hbm>>) target(%arg5 : memref<4096xf32, #tpu.memory_space<vmem>>) target_semaphore(%arg10 : memref<!tpu.dma_semaphore, #tpu.memory_space<semaphore_mem>>)
    %scan3A_19 = arith.constant 0 : i32
    %scan3A_20 = arith.constant 0 : i32
    %scan3A_21 = arith.constant 64 : i32
    %scan3A_22 = arith.addi %scan3A_20, %scan3A_21 : i32
    %scan3A_23 = arith.constant 1 : i32
    scf.for %scan3A_30 = %scan3A_20 to %scan3A_22 step %scan3A_23  : i32 {
      %mul3A_31 = arith.constant 2 : i32
      %mul3A_32 = arith.muli %scan3A_30, %mul3A_31 : i32
      %add3A_33 = arith.constant 0 : i32
      %add3A_34 = arith.addi %mul3A_32, %add3A_33 : i32
      %add3A_35 = arith.addi %mul3A_2, %add3A_34 : i32
      %dma_wait3A_36 = arith.constant 0 : i32
      %dma_wait3A_37 = tpu.memref_slice %arg2[%add3A_35, %dma_wait3A_36] : memref<4096x4096xf32, #tpu.memory_space<hbm>> -> memref<1x4096xf32, #tpu.memory_space<hbm>>
      %dma_wait3A_38 = tpu.memref_squeeze %dma_wait3A_37 : memref<1x4096xf32, #tpu.memory_space<hbm>> -> memref<4096xf32, #tpu.memory_space<hbm>>
      %dma_wait3A_39 = arith.constant 0 : i32
      %dma_wait3A_40 = tpu.memref_slice %arg2[%add3A_35, %dma_wait3A_39] : memref<4096x4096xf32, #tpu.memory_space<hbm>> -> memref<1x4096xf32, #tpu.memory_space<hbm>>
      %dma_wait3A_41 = tpu.memref_squeeze %dma_wait3A_40 : memref<1x4096xf32, #tpu.memory_space<hbm>> -> memref<4096xf32, #tpu.memory_space<hbm>>
      tpu.wait_dma2 semaphore(%arg10 : memref<!tpu.dma_semaphore, #tpu.memory_space<semaphore_mem>>) src(%dma_wait3A_41 : memref<4096xf32, #tpu.memory_space<hbm>>) dst(%arg5 : memref<4096xf32, #tpu.memory_space<vmem>>)
      %add3A_42 = arith.constant 1 : i32
      %add3A_43 = arith.addi %add3A_34, %add3A_42 : i32
      %min3A = arith.constant 127 : i32
      %min3A_44 = arith.minsi %add3A_43, %min3A : i32
      %add3A_45 = arith.addi %mul3A_2, %min3A_44 : i32
      %dma_start3A_46 = arith.constant 0 : i32
      %dma_start3A_47 = tpu.memref_slice %arg2[%add3A_45, %dma_start3A_46] : memref<4096x4096xf32, #tpu.memory_space<hbm>> -> memref<1x4096xf32, #tpu.memory_space<hbm>>
      %dma_start3A_48 = tpu.memref_squeeze %dma_start3A_47 : memref<1x4096xf32, #tpu.memory_space<hbm>> -> memref<4096xf32, #tpu.memory_space<hbm>>
      %dma_start3A_49 = arith.constant 0 : i32
      %dma_start3A_50 = tpu.memref_slice %arg2[%add3A_45, %dma_start3A_49] : memref<4096x4096xf32, #tpu.memory_space<hbm>> -> memref<1x4096xf32, #tpu.memory_space<hbm>>
      %dma_start3A_51 = tpu.memref_squeeze %dma_start3A_50 : memref<1x4096xf32, #tpu.memory_space<hbm>> -> memref<4096xf32, #tpu.memory_space<hbm>>
      tpu.enqueue_dma source(%dma_start3A_51 : memref<4096xf32, #tpu.memory_space<hbm>>) target(%arg6 : memref<4096xf32, #tpu.memory_space<vmem>>) target_semaphore(%arg11 : memref<!tpu.dma_semaphore, #tpu.memory_space<semaphore_mem>>)
      %get3A_52 = arith.constant 0 : index
      %get3A_53 = tpu.vector_load %arg5[%get3A_52] {strides = array<i32>} : memref<4096xf32, #tpu.memory_space<vmem>>, vector<16xf32>,
      %scan3A_54 = arith.constant 0 : i32
      %scan3A_55 = arith.constant 32 : i32
      %scan3A_56 = arith.addi %scan3A_54, %scan3A_55 : i32
      %scan3A_57 = arith.constant 1 : i32
      %scan3A_58 = scf.for %scan3A_166 = %scan3A_54 to %scan3A_56 step %scan3A_57 iter_args(%scan3A_167 = %get3A_53) -> (vector<16xf32>)  : i32 {
        %mul3A_168 = arith.constant 8 : i32
        %mul3A_169 = arith.muli %scan3A_166, %mul3A_168 : i32
        %add3A_170 = arith.constant 0 : i32
        %add3A_171 = arith.addi %mul3A_169, %add3A_170 : i32
        %mul3A_172 = arith.constant 16 : i32
        %mul3A_173 = arith.muli %add3A_171, %mul3A_172 : i32
        %get3A_174 = arith.index_cast %mul3A_173 : i32 to index
        %get3A_175 = tpu.vector_load %arg5[%get3A_174] {strides = array<i32>} : memref<4096xf32, #tpu.memory_space<vmem>>, vector<16xf32>,
        %max3A = arith.maximumf %scan3A_167, %get3A_175 : vector<16xf32>
        %convert_element_type3A_176 = arith.fptosi %get3A_175 : vector<16xf32> to vector<16xi32>
        %add3A_177 = arith.addi %convert_element_type3A_176, %broadcast_in_dim3A_8 : vector<16xi32>
        %mul3A_178 = arith.constant 16 : i32
        %mul3A_179 = vector.broadcast %mul3A_178 : i32 to vector<16xi32>
        %mul3A_180 = arith.muli %add3A_177, %mul3A_179 : vector<16xi32>
        %add3A_181 = arith.addi %mul3A_180, %iota3A : vector<16xi32>
        tpu.vector_store_idx %arg7[%add3A_181], %broadcast_in_dim3A_6 {add = true} : memref<65664xi32, #tpu.memory_space<vmem>>[vector<16xi32>], vector<16xi32>,
        %mul3A_182 = arith.constant 8 : i32
        %mul3A_183 = arith.muli %scan3A_166, %mul3A_182 : i32
        %add3A_184 = arith.constant 1 : i32
        %add3A_185 = arith.addi %mul3A_183, %add3A_184 : i32
        %mul3A_186 = arith.constant 16 : i32
        %mul3A_187 = arith.muli %add3A_185, %mul3A_186 : i32
        %get3A_188 = arith.index_cast %mul3A_187 : i32 to index
        %get3A_189 = tpu.vector_load %arg5[%get3A_188] {strides = array<i32>} : memref<4096xf32, #tpu.memory_space<vmem>>, vector<16xf32>,
        %max3A_190 = arith.maximumf %max3A, %get3A_189 : vector<16xf32>
        %convert_element_type3A_191 = arith.fptosi %get3A_189 : vector<16xf32> to vector<16xi32>
        %add3A_192 = arith.addi %convert_element_type3A_191, %broadcast_in_dim3A_8 : vector<16xi32>
        %mul3A_193 = arith.constant 16 : i32
        %mul3A_194 = vector.broadcast %mul3A_193 : i32 to vector<16xi32>
        %mul3A_195 = arith.muli %add3A_192, %mul3A_194 : vector<16xi32>
        %add3A_196 = arith.addi %mul3A_195, %iota3A : vector<16xi32>
        tpu.vector_store_idx %arg7[%add3A_196], %broadcast_in_dim3A_6 {add = true} : memref<65664xi32, #tpu.memory_space<vmem>>[vector<16xi32>], vector<16xi32>,
        %mul3A_197 = arith.constant 8 : i32
        %mul3A_198 = arith.muli %scan3A_166, %mul3A_197 : i32
        %add3A_199 = arith.constant 2 : i32
        %add3A_200 = arith.addi %mul3A_198, %add3A_199 : i32
        %mul3A_201 = arith.constant 16 : i32
        %mul3A_202 = arith.muli %add3A_200, %mul3A_201 : i32
        %get3A_203 = arith.index_cast %mul3A_202 : i32 to index
        %get3A_204 = tpu.vector_load %arg5[%get3A_203] {strides = array<i32>} : memref<4096xf32, #tpu.memory_space<vmem>>, vector<16xf32>,
        %max3A_205 = arith.maximumf %max3A_190, %get3A_204 : vector<16xf32>
        %convert_element_type3A_206 = arith.fptosi %get3A_204 : vector<16xf32> to vector<16xi32>
        %add3A_207 = arith.addi %convert_element_type3A_206, %broadcast_in_dim3A_8 : vector<16xi32>
        %mul3A_208 = arith.constant 16 : i32
        %mul3A_209 = vector.broadcast %mul3A_208 : i32 to vector<16xi32>
        %mul3A_210 = arith.muli %add3A_207, %mul3A_209 : vector<16xi32>
        %add3A_211 = arith.addi %mul3A_210, %iota3A : vector<16xi32>
        tpu.vector_store_idx %arg7[%add3A_211], %broadcast_in_dim3A_6 {add = true} : memref<65664xi32, #tpu.memory_space<vmem>>[vector<16xi32>], vector<16xi32>,
        %mul3A_212 = arith.constant 8 : i32
        %mul3A_213 = arith.muli %scan3A_166, %mul3A_212 : i32
        %add3A_214 = arith.constant 3 : i32
        %add3A_215 = arith.addi %mul3A_213, %add3A_214 : i32
        %mul3A_216 = arith.constant 16 : i32
        %mul3A_217 = arith.muli %add3A_215, %mul3A_216 : i32
        %get3A_218 = arith.index_cast %mul3A_217 : i32 to index
        %get3A_219 = tpu.vector_load %arg5[%get3A_218] {strides = array<i32>} : memref<4096xf32, #tpu.memory_space<vmem>>, vector<16xf32>,
        %max3A_220 = arith.maximumf %max3A_205, %get3A_219 : vector<16xf32>
        %convert_element_type3A_221 = arith.fptosi %get3A_219 : vector<16xf32> to vector<16xi32>
        %add3A_222 = arith.addi %convert_element_type3A_221, %broadcast_in_dim3A_8 : vector<16xi32>
        %mul3A_223 = arith.constant 16 : i32
        %mul3A_224 = vector.broadcast %mul3A_223 : i32 to vector<16xi32>
        %mul3A_225 = arith.muli %add3A_222, %mul3A_224 : vector<16xi32>
        %add3A_226 = arith.addi %mul3A_225, %iota3A : vector<16xi32>
        tpu.vector_store_idx %arg7[%add3A_226], %broadcast_in_dim3A_6 {add = true} : memref<65664xi32, #tpu.memory_space<vmem>>[vector<16xi32>], vector<16xi32>,
        %mul3A_227 = arith.constant 8 : i32
        %mul3A_228 = arith.muli %scan3A_166, %mul3A_227 : i32
        %add3A_229 = arith.constant 4 : i32
        %add3A_230 = arith.addi %mul3A_228, %add3A_229 : i32
        %mul3A_231 = arith.constant 16 : i32
        %mul3A_232 = arith.muli %add3A_230, %mul3A_231 : i32
        %get3A_233 = arith.index_cast %mul3A_232 : i32 to index
        %get3A_234 = tpu.vector_load %arg5[%get3A_233] {strides = array<i32>} : memref<4096xf32, #tpu.memory_space<vmem>>, vector<16xf32>,
        %max3A_235 = arith.maximumf %max3A_220, %get3A_234 : vector<16xf32>
        %convert_element_type3A_236 = arith.fptosi %get3A_234 : vector<16xf32> to vector<16xi32>
        %add3A_237 = arith.addi %convert_element_type3A_236, %broadcast_in_dim3A_8 : vector<16xi32>
        %mul3A_238 = arith.constant 16 : i32
        %mul3A_239 = vector.broadcast %mul3A_238 : i32 to vector<16xi32>
        %mul3A_240 = arith.muli %add3A_237, %mul3A_239 : vector<16xi32>
        %add3A_241 = arith.addi %mul3A_240, %iota3A : vector<16xi32>
        tpu.vector_store_idx %arg7[%add3A_241], %broadcast_in_dim3A_6 {add = true} : memref<65664xi32, #tpu.memory_space<vmem>>[vector<16xi32>], vector<16xi32>,
        %mul3A_242 = arith.constant 8 : i32
        %mul3A_243 = arith.muli %scan3A_166, %mul3A_242 : i32
        %add3A_244 = arith.constant 5 : i32
        %add3A_245 = arith.addi %mul3A_243, %add3A_244 : i32
        %mul3A_246 = arith.constant 16 : i32
        %mul3A_247 = arith.muli %add3A_245, %mul3A_246 : i32
        %get3A_248 = arith.index_cast %mul3A_247 : i32 to index
        %get3A_249 = tpu.vector_load %arg5[%get3A_248] {strides = array<i32>} : memref<4096xf32, #tpu.memory_space<vmem>>, vector<16xf32>,
        %max3A_250 = arith.maximumf %max3A_235, %get3A_249 : vector<16xf32>
        %convert_element_type3A_251 = arith.fptosi %get3A_249 : vector<16xf32> to vector<16xi32>
        %add3A_252 = arith.addi %convert_element_type3A_251, %broadcast_in_dim3A_8 : vector<16xi32>
        %mul3A_253 = arith.constant 16 : i32
        %mul3A_254 = vector.broadcast %mul3A_253 : i32 to vector<16xi32>
        %mul3A_255 = arith.muli %add3A_252, %mul3A_254 : vector<16xi32>
        %add3A_256 = arith.addi %mul3A_255, %iota3A : vector<16xi32>
        tpu.vector_store_idx %arg7[%add3A_256], %broadcast_in_dim3A_6 {add = true} : memref<65664xi32, #tpu.memory_space<vmem>>[vector<16xi32>], vector<16xi32>,
        %mul3A_257 = arith.constant 8 : i32
        %mul3A_258 = arith.muli %scan3A_166, %mul3A_257 : i32
        %add3A_259 = arith.constant 6 : i32
        %add3A_260 = arith.addi %mul3A_258, %add3A_259 : i32
        %mul3A_261 = arith.constant 16 : i32
        %mul3A_262 = arith.muli %add3A_260, %mul3A_261 : i32
        %get3A_263 = arith.index_cast %mul3A_262 : i32 to index
        %get3A_264 = tpu.vector_load %arg5[%get3A_263] {strides = array<i32>} : memref<4096xf32, #tpu.memory_space<vmem>>, vector<16xf32>,
        %max3A_265 = arith.maximumf %max3A_250, %get3A_264 : vector<16xf32>
        %convert_element_type3A_266 = arith.fptosi %get3A_264 : vector<16xf32> to vector<16xi32>
        %add3A_267 = arith.addi %convert_element_type3A_266, %broadcast_in_dim3A_8 : vector<16xi32>
        %mul3A_268 = arith.constant 16 : i32
        %mul3A_269 = vector.broadcast %mul3A_268 : i32 to vector<16xi32>
        %mul3A_270 = arith.muli %add3A_267, %mul3A_269 : vector<16xi32>
        %add3A_271 = arith.addi %mul3A_270, %iota3A : vector<16xi32>
        tpu.vector_store_idx %arg7[%add3A_271], %broadcast_in_dim3A_6 {add = true} : memref<65664xi32, #tpu.memory_space<vmem>>[vector<16xi32>], vector<16xi32>,
        %mul3A_272 = arith.constant 8 : i32
        %mul3A_273 = arith.muli %scan3A_166, %mul3A_272 : i32
        %add3A_274 = arith.constant 7 : i32
        %add3A_275 = arith.addi %mul3A_273, %add3A_274 : i32
        %mul3A_276 = arith.constant 16 : i32
        %mul3A_277 = arith.muli %add3A_275, %mul3A_276 : i32
        %get3A_278 = arith.index_cast %mul3A_277 : i32 to index
        %get3A_279 = tpu.vector_load %arg5[%get3A_278] {strides = array<i32>} : memref<4096xf32, #tpu.memory_space<vmem>>, vector<16xf32>,
        %max3A_280 = arith.maximumf %max3A_265, %get3A_279 : vector<16xf32>
        %convert_element_type3A_281 = arith.fptosi %get3A_279 : vector<16xf32> to vector<16xi32>
        %add3A_282 = arith.addi %convert_element_type3A_281, %broadcast_in_dim3A_8 : vector<16xi32>
        %mul3A_283 = arith.constant 16 : i32
        %mul3A_284 = vector.broadcast %mul3A_283 : i32 to vector<16xi32>
        %mul3A_285 = arith.muli %add3A_282, %mul3A_284 : vector<16xi32>
        %add3A_286 = arith.addi %mul3A_285, %iota3A : vector<16xi32>
        tpu.vector_store_idx %arg7[%add3A_286], %broadcast_in_dim3A_6 {add = true} : memref<65664xi32, #tpu.memory_space<vmem>>[vector<16xi32>], vector<16xi32>,
        scf.yield %max3A_280 : vector<16xf32>
      }
      %scan3A_59 = arith.constant 32 : i32
      %masked_sort3A = arith.constant dense<true> : vector<16xi1>
      %masked_sort3A_60, %masked_sort3A_61, %masked_sort3A_62 = tpu.sort %scan3A_58, %scan3A_58 masked %masked_sort3A {descending = true} : (vector<16xf32>, vector<16xf32>, vector<16xi1>) -> (vector<16xi1>, vector<16xf32>, vector<16xf32>)
      %slice3A_63 = vector.extract_strided_slice %masked_sort3A_61 {offsets = [0], sizes = [1], strides = [1]} : vector<16xf32> to vector<1xf32>
      %squeeze3A_64 = vector.extract %slice3A_63[0] : f32 from vector<1xf32>
      %convert_element_type3A = arith.fptosi %squeeze3A_64 : f32 to i32
      %add3A_65 = arith.constant 0 : i32
      %add3A_66 = arith.addi %convert_element_type3A, %add3A_65 : i32
      %while3A = arith.constant 0 : i32
      %while3A_67:2 = scf.while (%while3A_166 = %while3A, %while3A_167 = %add3A_66) : (i32, i32) -> (i32, i32) {
        %lt3A = arith.cmpi slt, %while3A_166, %squeeze3A : i32
        scf.condition(%lt3A) %while3A_166, %while3A_167 : i32, i32
      } do {
      ^bb0(%while3A_166: i32, %while3A_167: i32):
        %mul3A_168 = arith.constant 16 : i32
        %mul3A_169 = arith.muli %while3A_167, %mul3A_168 : i32
        %get3A_170 = arith.index_cast %mul3A_169 : i32 to index
        %get3A_171 = tpu.vector_load %arg7[%get3A_170] {strides = array<i32>} : memref<65664xi32, #tpu.memory_space<vmem>>, vector<16xi32>,
        %reduce_sum3A_172 = arith.constant true
        %reduce_sum3A_173 = vector.broadcast %reduce_sum3A_172 : i1 to vector<16xi1>
        %reduce_sum3A_174 = tpu.scan <sum>, %get3A_171 masked %reduce_sum3A_173 : vector<16xi32>, vector<16xi1> -> vector<16xi32>
        %reduce_sum3A_175 = vector.extract %reduce_sum3A_174[15] : i32 from vector<16xi32>
        %add3A_176 = arith.addi %while3A_166, %reduce_sum3A_175 : i32
        %sub3A_177 = arith.constant 1 : i32
        %sub3A_178 = arith.subi %while3A_167, %sub3A_177 : i32
        scf.yield %add3A_176, %sub3A_178 : i32, i32
      }
      %add3A_68 = arith.constant 1 : i32
      %add3A_69 = arith.addi %while3A_67#1, %add3A_68 : i32
      %mul3A_70 = arith.constant 16 : i32
      %mul3A_71 = arith.muli %add3A_69, %mul3A_70 : i32
      %get3A_72 = arith.index_cast %mul3A_71 : i32 to index
      %get3A_73 = tpu.vector_load %arg7[%get3A_72] {strides = array<i32>} : memref<65664xi32, #tpu.memory_space<vmem>>, vector<16xi32>,
      %reduce_sum3A = arith.constant true
      %reduce_sum3A_74 = vector.broadcast %reduce_sum3A : i1 to vector<16xi1>
      %reduce_sum3A_75 = tpu.scan <sum>, %get3A_73 masked %reduce_sum3A_74 : vector<16xi32>, vector<16xi1> -> vector<16xi32>
      %reduce_sum3A_76 = vector.extract %reduce_sum3A_75[15] : i32 from vector<16xi32>
      %sub3A = arith.subi %while3A_67#0, %reduce_sum3A_76 : i32
      %sub3A_77 = arith.constant 0 : i32
      %sub3A_78 = arith.subi %add3A_69, %sub3A_77 : i32
      %convert_element_type3A_79 = arith.sitofp %sub3A_78 : i32 to f32
      %mul3A_80 = arith.constant 4.096000e+03 : f32
      %mul3A_81 = arith.mulf %convert_element_type3A_79, %mul3A_80 : f32
      %broadcast_in_dim3A_82 = vector.broadcast %mul3A_81 : f32 to vector<16xf32>
      %convert_element_type3A_83 = arith.sitofp %sub3A : i32 to f32
      %add3A_84 = vector.broadcast %convert_element_type3A_83 : f32 to vector<16xf32>
      %add3A_85 = arith.addf %broadcast_in_dim3A_82, %add3A_84 : vector<16xf32>
      %broadcast_in_dim3A_86 = vector.broadcast %add3A_34 : i32 to vector<16xi32>
      %eq3A = arith.constant 0 : i32
      %eq3A_87 = vector.broadcast %eq3A : i32 to vector<16xi32>
      %eq3A_88 = arith.cmpi eq, %iota3A, %eq3A_87 : vector<16xi32>
      tpu.vector_store_idx %arg9[%broadcast_in_dim3A_86], %add3A_85 masked %eq3A_88 : memref<128xf32, #tpu.memory_space<vmem>>[vector<16xi32>], vector<16xf32>, vector<16xi1>
      %scan3A_89 = arith.constant 0 : i32
      %scan3A_90 = arith.constant 0 : i32
      %scan3A_91 = arith.constant 32 : i32
      %scan3A_92 = arith.addi %scan3A_90, %scan3A_91 : i32
      %scan3A_93 = arith.constant 1 : i32
      scf.for %scan3A_166 = %scan3A_90 to %scan3A_92 step %scan3A_93  : i32 {
        %mul3A_167 = arith.constant 8 : i32
        %mul3A_168 = arith.muli %scan3A_166, %mul3A_167 : i32
        %add3A_169 = arith.constant 0 : i32
        %add3A_170 = arith.addi %mul3A_168, %add3A_169 : i32
        %mul3A_171 = arith.constant 16 : i32
        %mul3A_172 = arith.muli %add3A_170, %mul3A_171 : i32
        %get3A_173 = arith.index_cast %mul3A_172 : i32 to index
        %get3A_174 = tpu.vector_load %arg5[%get3A_173] {strides = array<i32>} : memref<4096xf32, #tpu.memory_space<vmem>>, vector<16xf32>,
        %convert_element_type3A_175 = arith.fptosi %get3A_174 : vector<16xf32> to vector<16xi32>
        %add3A_176 = arith.addi %convert_element_type3A_175, %broadcast_in_dim3A_8 : vector<16xi32>
        %mul3A_177 = arith.constant 16 : i32
        %mul3A_178 = vector.broadcast %mul3A_177 : i32 to vector<16xi32>
        %mul3A_179 = arith.muli %add3A_176, %mul3A_178 : vector<16xi32>
        %add3A_180 = arith.addi %mul3A_179, %iota3A : vector<16xi32>
        tpu.vector_store_idx %arg7[%add3A_180], %broadcast_in_dim3A_4 : memref<65664xi32, #tpu.memory_space<vmem>>[vector<16xi32>], vector<16xi32>,
        %mul3A_181 = arith.constant 8 : i32
        %mul3A_182 = arith.muli %scan3A_166, %mul3A_181 : i32
        %add3A_183 = arith.constant 1 : i32
        %add3A_184 = arith.addi %mul3A_182, %add3A_183 : i32
        %mul3A_185 = arith.constant 16 : i32
        %mul3A_186 = arith.muli %add3A_184, %mul3A_185 : i32
        %get3A_187 = arith.index_cast %mul3A_186 : i32 to index
        %get3A_188 = tpu.vector_load %arg5[%get3A_187] {strides = array<i32>} : memref<4096xf32, #tpu.memory_space<vmem>>, vector<16xf32>,
        %convert_element_type3A_189 = arith.fptosi %get3A_188 : vector<16xf32> to vector<16xi32>
        %add3A_190 = arith.addi %convert_element_type3A_189, %broadcast_in_dim3A_8 : vector<16xi32>
        %mul3A_191 = arith.constant 16 : i32
        %mul3A_192 = vector.broadcast %mul3A_191 : i32 to vector<16xi32>
        %mul3A_193 = arith.muli %add3A_190, %mul3A_192 : vector<16xi32>
        %add3A_194 = arith.addi %mul3A_193, %iota3A : vector<16xi32>
        tpu.vector_store_idx %arg7[%add3A_194], %broadcast_in_dim3A_4 : memref<65664xi32, #tpu.memory_space<vmem>>[vector<16xi32>], vector<16xi32>,
        %mul3A_195 = arith.constant 8 : i32
        %mul3A_196 = arith.muli %scan3A_166, %mul3A_195 : i32
        %add3A_197 = arith.constant 2 : i32
        %add3A_198 = arith.addi %mul3A_196, %add3A_197 : i32
        %mul3A_199 = arith.constant 16 : i32
        %mul3A_200 = arith.muli %add3A_198, %mul3A_199 : i32
        %get3A_201 = arith.index_cast %mul3A_200 : i32 to index
        %get3A_202 = tpu.vector_load %arg5[%get3A_201] {strides = array<i32>} : memref<4096xf32, #tpu.memory_space<vmem>>, vector<16xf32>,
        %convert_element_type3A_203 = arith.fptosi %get3A_202 : vector<16xf32> to vector<16xi32>
        %add3A_204 = arith.addi %convert_element_type3A_203, %broadcast_in_dim3A_8 : vector<16xi32>
        %mul3A_205 = arith.constant 16 : i32
        %mul3A_206 = vector.broadcast %mul3A_205 : i32 to vector<16xi32>
        %mul3A_207 = arith.muli %add3A_204, %mul3A_206 : vector<16xi32>
        %add3A_208 = arith.addi %mul3A_207, %iota3A : vector<16xi32>
        tpu.vector_store_idx %arg7[%add3A_208], %broadcast_in_dim3A_4 : memref<65664xi32, #tpu.memory_space<vmem>>[vector<16xi32>], vector<16xi32>,
        %mul3A_209 = arith.constant 8 : i32
        %mul3A_210 = arith.muli %scan3A_166, %mul3A_209 : i32
        %add3A_211 = arith.constant 3 : i32
        %add3A_212 = arith.addi %mul3A_210, %add3A_211 : i32
        %mul3A_213 = arith.constant 16 : i32
        %mul3A_214 = arith.muli %add3A_212, %mul3A_213 : i32
        %get3A_215 = arith.index_cast %mul3A_214 : i32 to index
        %get3A_216 = tpu.vector_load %arg5[%get3A_215] {strides = array<i32>} : memref<4096xf32, #tpu.memory_space<vmem>>, vector<16xf32>,
        %convert_element_type3A_217 = arith.fptosi %get3A_216 : vector<16xf32> to vector<16xi32>
        %add3A_218 = arith.addi %convert_element_type3A_217, %broadcast_in_dim3A_8 : vector<16xi32>
        %mul3A_219 = arith.constant 16 : i32
        %mul3A_220 = vector.broadcast %mul3A_219 : i32 to vector<16xi32>
        %mul3A_221 = arith.muli %add3A_218, %mul3A_220 : vector<16xi32>
        %add3A_222 = arith.addi %mul3A_221, %iota3A : vector<16xi32>
        tpu.vector_store_idx %arg7[%add3A_222], %broadcast_in_dim3A_4 : memref<65664xi32, #tpu.memory_space<vmem>>[vector<16xi32>], vector<16xi32>,
        %mul3A_223 = arith.constant 8 : i32
        %mul3A_224 = arith.muli %scan3A_166, %mul3A_223 : i32
        %add3A_225 = arith.constant 4 : i32
        %add3A_226 = arith.addi %mul3A_224, %add3A_225 : i32
        %mul3A_227 = arith.constant 16 : i32
        %mul3A_228 = arith.muli %add3A_226, %mul3A_227 : i32
        %get3A_229 = arith.index_cast %mul3A_228 : i32 to index
        %get3A_230 = tpu.vector_load %arg5[%get3A_229] {strides = array<i32>} : memref<4096xf32, #tpu.memory_space<vmem>>, vector<16xf32>,
        %convert_element_type3A_231 = arith.fptosi %get3A_230 : vector<16xf32> to vector<16xi32>
        %add3A_232 = arith.addi %convert_element_type3A_231, %broadcast_in_dim3A_8 : vector<16xi32>
        %mul3A_233 = arith.constant 16 : i32
        %mul3A_234 = vector.broadcast %mul3A_233 : i32 to vector<16xi32>
        %mul3A_235 = arith.muli %add3A_232, %mul3A_234 : vector<16xi32>
        %add3A_236 = arith.addi %mul3A_235, %iota3A : vector<16xi32>
        tpu.vector_store_idx %arg7[%add3A_236], %broadcast_in_dim3A_4 : memref<65664xi32, #tpu.memory_space<vmem>>[vector<16xi32>], vector<16xi32>,
        %mul3A_237 = arith.constant 8 : i32
        %mul3A_238 = arith.muli %scan3A_166, %mul3A_237 : i32
        %add3A_239 = arith.constant 5 : i32
        %add3A_240 = arith.addi %mul3A_238, %add3A_239 : i32
        %mul3A_241 = arith.constant 16 : i32
        %mul3A_242 = arith.muli %add3A_240, %mul3A_241 : i32
        %get3A_243 = arith.index_cast %mul3A_242 : i32 to index
        %get3A_244 = tpu.vector_load %arg5[%get3A_243] {strides = array<i32>} : memref<4096xf32, #tpu.memory_space<vmem>>, vector<16xf32>,
        %convert_element_type3A_245 = arith.fptosi %get3A_244 : vector<16xf32> to vector<16xi32>
        %add3A_246 = arith.addi %convert_element_type3A_245, %broadcast_in_dim3A_8 : vector<16xi32>
        %mul3A_247 = arith.constant 16 : i32
        %mul3A_248 = vector.broadcast %mul3A_247 : i32 to vector<16xi32>
        %mul3A_249 = arith.muli %add3A_246, %mul3A_248 : vector<16xi32>
        %add3A_250 = arith.addi %mul3A_249, %iota3A : vector<16xi32>
        tpu.vector_store_idx %arg7[%add3A_250], %broadcast_in_dim3A_4 : memref<65664xi32, #tpu.memory_space<vmem>>[vector<16xi32>], vector<16xi32>,
        %mul3A_251 = arith.constant 8 : i32
        %mul3A_252 = arith.muli %scan3A_166, %mul3A_251 : i32
        %add3A_253 = arith.constant 6 : i32
        %add3A_254 = arith.addi %mul3A_252, %add3A_253 : i32
        %mul3A_255 = arith.constant 16 : i32
        %mul3A_256 = arith.muli %add3A_254, %mul3A_255 : i32
        %get3A_257 = arith.index_cast %mul3A_256 : i32 to index
        %get3A_258 = tpu.vector_load %arg5[%get3A_257] {strides = array<i32>} : memref<4096xf32, #tpu.memory_space<vmem>>, vector<16xf32>,
        %convert_element_type3A_259 = arith.fptosi %get3A_258 : vector<16xf32> to vector<16xi32>
        %add3A_260 = arith.addi %convert_element_type3A_259, %broadcast_in_dim3A_8 : vector<16xi32>
        %mul3A_261 = arith.constant 16 : i32
        %mul3A_262 = vector.broadcast %mul3A_261 : i32 to vector<16xi32>
        %mul3A_263 = arith.muli %add3A_260, %mul3A_262 : vector<16xi32>
        %add3A_264 = arith.addi %mul3A_263, %iota3A : vector<16xi32>
        tpu.vector_store_idx %arg7[%add3A_264], %broadcast_in_dim3A_4 : memref<65664xi32, #tpu.memory_space<vmem>>[vector<16xi32>], vector<16xi32>,
        %mul3A_265 = arith.constant 8 : i32
        %mul3A_266 = arith.muli %scan3A_166, %mul3A_265 : i32
        %add3A_267 = arith.constant 7 : i32
        %add3A_268 = arith.addi %mul3A_266, %add3A_267 : i32
        %mul3A_269 = arith.constant 16 : i32
        %mul3A_270 = arith.muli %add3A_268, %mul3A_269 : i32
        %get3A_271 = arith.index_cast %mul3A_270 : i32 to index
        %get3A_272 = tpu.vector_load %arg5[%get3A_271] {strides = array<i32>} : memref<4096xf32, #tpu.memory_space<vmem>>, vector<16xf32>,
        %convert_element_type3A_273 = arith.fptosi %get3A_272 : vector<16xf32> to vector<16xi32>
        %add3A_274 = arith.addi %convert_element_type3A_273, %broadcast_in_dim3A_8 : vector<16xi32>
        %mul3A_275 = arith.constant 16 : i32
        %mul3A_276 = vector.broadcast %mul3A_275 : i32 to vector<16xi32>
        %mul3A_277 = arith.muli %add3A_274, %mul3A_276 : vector<16xi32>
        %add3A_278 = arith.addi %mul3A_277, %iota3A : vector<16xi32>
        tpu.vector_store_idx %arg7[%add3A_278], %broadcast_in_dim3A_4 : memref<65664xi32, #tpu.memory_space<vmem>>[vector<16xi32>], vector<16xi32>,
      }
      %scan3A_94 = arith.constant 32 : i32
      %mul3A_95 = arith.constant 2 : i32
      %mul3A_96 = arith.muli %scan3A_30, %mul3A_95 : i32
      %add3A_97 = arith.constant 1 : i32
      %add3A_98 = arith.addi %mul3A_96, %add3A_97 : i32
      %add3A_99 = arith.addi %mul3A_2, %add3A_98 : i32
      %dma_wait3A_100 = arith.constant 0 : i32
      %dma_wait3A_101 = tpu.memref_slice %arg2[%add3A_99, %dma_wait3A_100] : memref<4096x4096xf32, #tpu.memory_space<hbm>> -> memref<1x4096xf32, #tpu.memory_space<hbm>>
      %dma_wait3A_102 = tpu.memref_squeeze %dma_wait3A_101 : memref<1x4096xf32, #tpu.memory_space<hbm>> -> memref<4096xf32, #tpu.memory_space<hbm>>
      %dma_wait3A_103 = arith.constant 0 : i32
      %dma_wait3A_104 = tpu.memref_slice %arg2[%add3A_99, %dma_wait3A_103] : memref<4096x4096xf32, #tpu.memory_space<hbm>> -> memref<1x4096xf32, #tpu.memory_space<hbm>>
      %dma_wait3A_105 = tpu.memref_squeeze %dma_wait3A_104 : memref<1x4096xf32, #tpu.memory_space<hbm>> -> memref<4096xf32, #tpu.memory_space<hbm>>
      tpu.wait_dma2 semaphore(%arg11 : memref<!tpu.dma_semaphore, #tpu.memory_space<semaphore_mem>>) src(%dma_wait3A_105 : memref<4096xf32, #tpu.memory_space<hbm>>) dst(%arg6 : memref<4096xf32, #tpu.memory_space<vmem>>)
      %add3A_106 = arith.constant 1 : i32
      %add3A_107 = arith.addi %add3A_98, %add3A_106 : i32
      %min3A_108 = arith.constant 127 : i32
      %min3A_109 = arith.minsi %add3A_107, %min3A_108 : i32
      %add3A_110 = arith.addi %mul3A_2, %min3A_109 : i32
      %dma_start3A_111 = arith.constant 0 : i32
      %dma_start3A_112 = tpu.memref_slice %arg2[%add3A_110, %dma_start3A_111] : memref<4096x4096xf32, #tpu.memory_space<hbm>> -> memref<1x4096xf32, #tpu.memory_space<hbm>>
      %dma_start3A_113 = tpu.memref_squeeze %dma_start3A_112 : memref<1x4096xf32, #tpu.memory_space<hbm>> -> memref<4096xf32, #tpu.memory_space<hbm>>
      %dma_start3A_114 = arith.constant 0 : i32
      %dma_start3A_115 = tpu.memref_slice %arg2[%add3A_110, %dma_start3A_114] : memref<4096x4096xf32, #tpu.memory_space<hbm>> -> memref<1x4096xf32, #tpu.memory_space<hbm>>
      %dma_start3A_116 = tpu.memref_squeeze %dma_start3A_115 : memref<1x4096xf32, #tpu.memory_space<hbm>> -> memref<4096xf32, #tpu.memory_space<hbm>>
      tpu.enqueue_dma source(%dma_start3A_116 : memref<4096xf32, #tpu.memory_space<hbm>>) target(%arg5 : memref<4096xf32, #tpu.memory_space<vmem>>) target_semaphore(%arg10 : memref<!tpu.dma_semaphore, #tpu.memory_space<semaphore_mem>>)
      %get3A_117 = arith.constant 0 : index
      %get3A_118 = tpu.vector_load %arg6[%get3A_117] {strides = array<i32>} : memref<4096xf32, #tpu.memory_space<vmem>>, vector<16xf32>,
      %scan3A_119 = arith.constant 0 : i32
      %scan3A_120 = arith.constant 32 : i32
      %scan3A_121 = arith.addi %scan3A_119, %scan3A_120 : i32
      %scan3A_122 = arith.constant 1 : i32
      %scan3A_123 = scf.for %scan3A_166 = %scan3A_119 to %scan3A_121 step %scan3A_122 iter_args(%scan3A_167 = %get3A_118) -> (vector<16xf32>)  : i32 {
        %mul3A_168 = arith.constant 8 : i32
        %mul3A_169 = arith.muli %scan3A_166, %mul3A_168 : i32
        %add3A_170 = arith.constant 0 : i32
        %add3A_171 = arith.addi %mul3A_169, %add3A_170 : i32
        %mul3A_172 = arith.constant 16 : i32
        %mul3A_173 = arith.muli %add3A_171, %mul3A_172 : i32
        %get3A_174 = arith.index_cast %mul3A_173 : i32 to index
        %get3A_175 = tpu.vector_load %arg6[%get3A_174] {strides = array<i32>} : memref<4096xf32, #tpu.memory_space<vmem>>, vector<16xf32>,
        %max3A = arith.maximumf %scan3A_167, %get3A_175 : vector<16xf32>
        %convert_element_type3A_176 = arith.fptosi %get3A_175 : vector<16xf32> to vector<16xi32>
        %add3A_177 = arith.addi %convert_element_type3A_176, %broadcast_in_dim3A_8 : vector<16xi32>
        %mul3A_178 = arith.constant 16 : i32
        %mul3A_179 = vector.broadcast %mul3A_178 : i32 to vector<16xi32>
        %mul3A_180 = arith.muli %add3A_177, %mul3A_179 : vector<16xi32>
        %add3A_181 = arith.addi %mul3A_180, %iota3A : vector<16xi32>
        tpu.vector_store_idx %arg7[%add3A_181], %broadcast_in_dim3A_6 {add = true} : memref<65664xi32, #tpu.memory_space<vmem>>[vector<16xi32>], vector<16xi32>,
        %mul3A_182 = arith.constant 8 : i32
        %mul3A_183 = arith.muli %scan3A_166, %mul3A_182 : i32
        %add3A_184 = arith.constant 1 : i32
        %add3A_185 = arith.addi %mul3A_183, %add3A_184 : i32
        %mul3A_186 = arith.constant 16 : i32
        %mul3A_187 = arith.muli %add3A_185, %mul3A_186 : i32
        %get3A_188 = arith.index_cast %mul3A_187 : i32 to index
        %get3A_189 = tpu.vector_load %arg6[%get3A_188] {strides = array<i32>} : memref<4096xf32, #tpu.memory_space<vmem>>, vector<16xf32>,
        %max3A_190 = arith.maximumf %max3A, %get3A_189 : vector<16xf32>
        %convert_element_type3A_191 = arith.fptosi %get3A_189 : vector<16xf32> to vector<16xi32>
        %add3A_192 = arith.addi %convert_element_type3A_191, %broadcast_in_dim3A_8 : vector<16xi32>
        %mul3A_193 = arith.constant 16 : i32
        %mul3A_194 = vector.broadcast %mul3A_193 : i32 to vector<16xi32>
        %mul3A_195 = arith.muli %add3A_192, %mul3A_194 : vector<16xi32>
        %add3A_196 = arith.addi %mul3A_195, %iota3A : vector<16xi32>
        tpu.vector_store_idx %arg7[%add3A_196], %broadcast_in_dim3A_6 {add = true} : memref<65664xi32, #tpu.memory_space<vmem>>[vector<16xi32>], vector<16xi32>,
        %mul3A_197 = arith.constant 8 : i32
        %mul3A_198 = arith.muli %scan3A_166, %mul3A_197 : i32
        %add3A_199 = arith.constant 2 : i32
        %add3A_200 = arith.addi %mul3A_198, %add3A_199 : i32
        %mul3A_201 = arith.constant 16 : i32
        %mul3A_202 = arith.muli %add3A_200, %mul3A_201 : i32
        %get3A_203 = arith.index_cast %mul3A_202 : i32 to index
        %get3A_204 = tpu.vector_load %arg6[%get3A_203] {strides = array<i32>} : memref<4096xf32, #tpu.memory_space<vmem>>, vector<16xf32>,
        %max3A_205 = arith.maximumf %max3A_190, %get3A_204 : vector<16xf32>
        %convert_element_type3A_206 = arith.fptosi %get3A_204 : vector<16xf32> to vector<16xi32>
        %add3A_207 = arith.addi %convert_element_type3A_206, %broadcast_in_dim3A_8 : vector<16xi32>
        %mul3A_208 = arith.constant 16 : i32
        %mul3A_209 = vector.broadcast %mul3A_208 : i32 to vector<16xi32>
        %mul3A_210 = arith.muli %add3A_207, %mul3A_209 : vector<16xi32>
        %add3A_211 = arith.addi %mul3A_210, %iota3A : vector<16xi32>
        tpu.vector_store_idx %arg7[%add3A_211], %broadcast_in_dim3A_6 {add = true} : memref<65664xi32, #tpu.memory_space<vmem>>[vector<16xi32>], vector<16xi32>,
        %mul3A_212 = arith.constant 8 : i32
        %mul3A_213 = arith.muli %scan3A_166, %mul3A_212 : i32
        %add3A_214 = arith.constant 3 : i32
        %add3A_215 = arith.addi %mul3A_213, %add3A_214 : i32
        %mul3A_216 = arith.constant 16 : i32
        %mul3A_217 = arith.muli %add3A_215, %mul3A_216 : i32
        %get3A_218 = arith.index_cast %mul3A_217 : i32 to index
        %get3A_219 = tpu.vector_load %arg6[%get3A_218] {strides = array<i32>} : memref<4096xf32, #tpu.memory_space<vmem>>, vector<16xf32>,
        %max3A_220 = arith.maximumf %max3A_205, %get3A_219 : vector<16xf32>
        %convert_element_type3A_221 = arith.fptosi %get3A_219 : vector<16xf32> to vector<16xi32>
        %add3A_222 = arith.addi %convert_element_type3A_221, %broadcast_in_dim3A_8 : vector<16xi32>
        %mul3A_223 = arith.constant 16 : i32
        %mul3A_224 = vector.broadcast %mul3A_223 : i32 to vector<16xi32>
        %mul3A_225 = arith.muli %add3A_222, %mul3A_224 : vector<16xi32>
        %add3A_226 = arith.addi %mul3A_225, %iota3A : vector<16xi32>
        tpu.vector_store_idx %arg7[%add3A_226], %broadcast_in_dim3A_6 {add = true} : memref<65664xi32, #tpu.memory_space<vmem>>[vector<16xi32>], vector<16xi32>,
        %mul3A_227 = arith.constant 8 : i32
        %mul3A_228 = arith.muli %scan3A_166, %mul3A_227 : i32
        %add3A_229 = arith.constant 4 : i32
        %add3A_230 = arith.addi %mul3A_228, %add3A_229 : i32
        %mul3A_231 = arith.constant 16 : i32
        %mul3A_232 = arith.muli %add3A_230, %mul3A_231 : i32
        %get3A_233 = arith.index_cast %mul3A_232 : i32 to index
        %get3A_234 = tpu.vector_load %arg6[%get3A_233] {strides = array<i32>} : memref<4096xf32, #tpu.memory_space<vmem>>, vector<16xf32>,
        %max3A_235 = arith.maximumf %max3A_220, %get3A_234 : vector<16xf32>
        %convert_element_type3A_236 = arith.fptosi %get3A_234 : vector<16xf32> to vector<16xi32>
        %add3A_237 = arith.addi %convert_element_type3A_236, %broadcast_in_dim3A_8 : vector<16xi32>
        %mul3A_238 = arith.constant 16 : i32
        %mul3A_239 = vector.broadcast %mul3A_238 : i32 to vector<16xi32>
        %mul3A_240 = arith.muli %add3A_237, %mul3A_239 : vector<16xi32>
        %add3A_241 = arith.addi %mul3A_240, %iota3A : vector<16xi32>
        tpu.vector_store_idx %arg7[%add3A_241], %broadcast_in_dim3A_6 {add = true} : memref<65664xi32, #tpu.memory_space<vmem>>[vector<16xi32>], vector<16xi32>,
        %mul3A_242 = arith.constant 8 : i32
        %mul3A_243 = arith.muli %scan3A_166, %mul3A_242 : i32
        %add3A_244 = arith.constant 5 : i32
        %add3A_245 = arith.addi %mul3A_243, %add3A_244 : i32
        %mul3A_246 = arith.constant 16 : i32
        %mul3A_247 = arith.muli %add3A_245, %mul3A_246 : i32
        %get3A_248 = arith.index_cast %mul3A_247 : i32 to index
        %get3A_249 = tpu.vector_load %arg6[%get3A_248] {strides = array<i32>} : memref<4096xf32, #tpu.memory_space<vmem>>, vector<16xf32>,
        %max3A_250 = arith.maximumf %max3A_235, %get3A_249 : vector<16xf32>
        %convert_element_type3A_251 = arith.fptosi %get3A_249 : vector<16xf32> to vector<16xi32>
        %add3A_252 = arith.addi %convert_element_type3A_251, %broadcast_in_dim3A_8 : vector<16xi32>
        %mul3A_253 = arith.constant 16 : i32
        %mul3A_254 = vector.broadcast %mul3A_253 : i32 to vector<16xi32>
        %mul3A_255 = arith.muli %add3A_252, %mul3A_254 : vector<16xi32>
        %add3A_256 = arith.addi %mul3A_255, %iota3A : vector<16xi32>
        tpu.vector_store_idx %arg7[%add3A_256], %broadcast_in_dim3A_6 {add = true} : memref<65664xi32, #tpu.memory_space<vmem>>[vector<16xi32>], vector<16xi32>,
        %mul3A_257 = arith.constant 8 : i32
        %mul3A_258 = arith.muli %scan3A_166, %mul3A_257 : i32
        %add3A_259 = arith.constant 6 : i32
        %add3A_260 = arith.addi %mul3A_258, %add3A_259 : i32
        %mul3A_261 = arith.constant 16 : i32
        %mul3A_262 = arith.muli %add3A_260, %mul3A_261 : i32
        %get3A_263 = arith.index_cast %mul3A_262 : i32 to index
        %get3A_264 = tpu.vector_load %arg6[%get3A_263] {strides = array<i32>} : memref<4096xf32, #tpu.memory_space<vmem>>, vector<16xf32>,
        %max3A_265 = arith.maximumf %max3A_250, %get3A_264 : vector<16xf32>
        %convert_element_type3A_266 = arith.fptosi %get3A_264 : vector<16xf32> to vector<16xi32>
        %add3A_267 = arith.addi %convert_element_type3A_266, %broadcast_in_dim3A_8 : vector<16xi32>
        %mul3A_268 = arith.constant 16 : i32
        %mul3A_269 = vector.broadcast %mul3A_268 : i32 to vector<16xi32>
        %mul3A_270 = arith.muli %add3A_267, %mul3A_269 : vector<16xi32>
        %add3A_271 = arith.addi %mul3A_270, %iota3A : vector<16xi32>
        tpu.vector_store_idx %arg7[%add3A_271], %broadcast_in_dim3A_6 {add = true} : memref<65664xi32, #tpu.memory_space<vmem>>[vector<16xi32>], vector<16xi32>,
        %mul3A_272 = arith.constant 8 : i32
        %mul3A_273 = arith.muli %scan3A_166, %mul3A_272 : i32
        %add3A_274 = arith.constant 7 : i32
        %add3A_275 = arith.addi %mul3A_273, %add3A_274 : i32
        %mul3A_276 = arith.constant 16 : i32
        %mul3A_277 = arith.muli %add3A_275, %mul3A_276 : i32
        %get3A_278 = arith.index_cast %mul3A_277 : i32 to index
        %get3A_279 = tpu.vector_load %arg6[%get3A_278] {strides = array<i32>} : memref<4096xf32, #tpu.memory_space<vmem>>, vector<16xf32>,
        %max3A_280 = arith.maximumf %max3A_265, %get3A_279 : vector<16xf32>
        %convert_element_type3A_281 = arith.fptosi %get3A_279 : vector<16xf32> to vector<16xi32>
        %add3A_282 = arith.addi %convert_element_type3A_281, %broadcast_in_dim3A_8 : vector<16xi32>
        %mul3A_283 = arith.constant 16 : i32
        %mul3A_284 = vector.broadcast %mul3A_283 : i32 to vector<16xi32>
        %mul3A_285 = arith.muli %add3A_282, %mul3A_284 : vector<16xi32>
        %add3A_286 = arith.addi %mul3A_285, %iota3A : vector<16xi32>
        tpu.vector_store_idx %arg7[%add3A_286], %broadcast_in_dim3A_6 {add = true} : memref<65664xi32, #tpu.memory_space<vmem>>[vector<16xi32>], vector<16xi32>,
        scf.yield %max3A_280 : vector<16xf32>
      }
      %scan3A_124 = arith.constant 32 : i32
      %masked_sort3A_125 = arith.constant dense<true> : vector<16xi1>
      %masked_sort3A_126, %masked_sort3A_127, %masked_sort3A_128 = tpu.sort %scan3A_123, %scan3A_123 masked %masked_sort3A_125 {descending = true} : (vector<16xf32>, vector<16xf32>, vector<16xi1>) -> (vector<16xi1>, vector<16xf32>, vector<16xf32>)
      %slice3A_129 = vector.extract_strided_slice %masked_sort3A_127 {offsets = [0], sizes = [1], strides = [1]} : vector<16xf32> to vector<1xf32>
      %squeeze3A_130 = vector.extract %slice3A_129[0] : f32 from vector<1xf32>
      %convert_element_type3A_131 = arith.fptosi %squeeze3A_130 : f32 to i32
      %add3A_132 = arith.constant 0 : i32
      %add3A_133 = arith.addi %convert_element_type3A_131, %add3A_132 : i32
      %while3A_134 = arith.constant 0 : i32
      %while3A_135:2 = scf.while (%while3A_166 = %while3A_134, %while3A_167 = %add3A_133) : (i32, i32) -> (i32, i32) {
        %lt3A = arith.cmpi slt, %while3A_166, %squeeze3A : i32
        scf.condition(%lt3A) %while3A_166, %while3A_167 : i32, i32
      } do {
      ^bb0(%while3A_166: i32, %while3A_167: i32):
        %mul3A_168 = arith.constant 16 : i32
        %mul3A_169 = arith.muli %while3A_167, %mul3A_168 : i32
        %get3A_170 = arith.index_cast %mul3A_169 : i32 to index
        %get3A_171 = tpu.vector_load %arg7[%get3A_170] {strides = array<i32>} : memref<65664xi32, #tpu.memory_space<vmem>>, vector<16xi32>,
        %reduce_sum3A_172 = arith.constant true
        %reduce_sum3A_173 = vector.broadcast %reduce_sum3A_172 : i1 to vector<16xi1>
        %reduce_sum3A_174 = tpu.scan <sum>, %get3A_171 masked %reduce_sum3A_173 : vector<16xi32>, vector<16xi1> -> vector<16xi32>
        %reduce_sum3A_175 = vector.extract %reduce_sum3A_174[15] : i32 from vector<16xi32>
        %add3A_176 = arith.addi %while3A_166, %reduce_sum3A_175 : i32
        %sub3A_177 = arith.constant 1 : i32
        %sub3A_178 = arith.subi %while3A_167, %sub3A_177 : i32
        scf.yield %add3A_176, %sub3A_178 : i32, i32
      }
      %add3A_136 = arith.constant 1 : i32
      %add3A_137 = arith.addi %while3A_135#1, %add3A_136 : i32
      %mul3A_138 = arith.constant 16 : i32
      %mul3A_139 = arith.muli %add3A_137, %mul3A_138 : i32
      %get3A_140 = arith.index_cast %mul3A_139 : i32 to index
      %get3A_141 = tpu.vector_load %arg7[%get3A_140] {strides = array<i32>} : memref<65664xi32, #tpu.memory_space<vmem>>, vector<16xi32>,
      %reduce_sum3A_142 = arith.constant true
      %reduce_sum3A_143 = vector.broadcast %reduce_sum3A_142 : i1 to vector<16xi1>
      %reduce_sum3A_144 = tpu.scan <sum>, %get3A_141 masked %reduce_sum3A_143 : vector<16xi32>, vector<16xi1> -> vector<16xi32>
      %reduce_sum3A_145 = vector.extract %reduce_sum3A_144[15] : i32 from vector<16xi32>
      %sub3A_146 = arith.subi %while3A_135#0, %reduce_sum3A_145 : i32
      %sub3A_147 = arith.constant 0 : i32
      %sub3A_148 = arith.subi %add3A_137, %sub3A_147 : i32
      %convert_element_type3A_149 = arith.sitofp %sub3A_148 : i32 to f32
      %mul3A_150 = arith.constant 4.096000e+03 : f32
      %mul3A_151 = arith.mulf %convert_element_type3A_149, %mul3A_150 : f32
      %broadcast_in_dim3A_152 = vector.broadcast %mul3A_151 : f32 to vector<16xf32>
      %convert_element_type3A_153 = arith.sitofp %sub3A_146 : i32 to f32
      %add3A_154 = vector.broadcast %convert_element_type3A_153 : f32 to vector<16xf32>
      %add3A_155 = arith.addf %broadcast_in_dim3A_152, %add3A_154 : vector<16xf32>
      %broadcast_in_dim3A_156 = vector.broadcast %add3A_98 : i32 to vector<16xi32>
      %eq3A_157 = arith.constant 0 : i32
      %eq3A_158 = vector.broadcast %eq3A_157 : i32 to vector<16xi32>
      %eq3A_159 = arith.cmpi eq, %iota3A, %eq3A_158 : vector<16xi32>
      tpu.vector_store_idx %arg9[%broadcast_in_dim3A_156], %add3A_155 masked %eq3A_159 : memref<128xf32, #tpu.memory_space<vmem>>[vector<16xi32>], vector<16xf32>, vector<16xi1>
      %scan3A_160 = arith.constant 0 : i32
      %scan3A_161 = arith.constant 0 : i32
      %scan3A_162 = arith.constant 32 : i32
      %scan3A_163 = arith.addi %scan3A_161, %scan3A_162 : i32
      %scan3A_164 = arith.constant 1 : i32
      scf.for %scan3A_166 = %scan3A_161 to %scan3A_163 step %scan3A_164  : i32 {
        %mul3A_167 = arith.constant 8 : i32
        %mul3A_168 = arith.muli %scan3A_166, %mul3A_167 : i32
        %add3A_169 = arith.constant 0 : i32
        %add3A_170 = arith.addi %mul3A_168, %add3A_169 : i32
        %mul3A_171 = arith.constant 16 : i32
        %mul3A_172 = arith.muli %add3A_170, %mul3A_171 : i32
        %get3A_173 = arith.index_cast %mul3A_172 : i32 to index
        %get3A_174 = tpu.vector_load %arg6[%get3A_173] {strides = array<i32>} : memref<4096xf32, #tpu.memory_space<vmem>>, vector<16xf32>,
        %convert_element_type3A_175 = arith.fptosi %get3A_174 : vector<16xf32> to vector<16xi32>
        %add3A_176 = arith.addi %convert_element_type3A_175, %broadcast_in_dim3A_8 : vector<16xi32>
        %mul3A_177 = arith.constant 16 : i32
        %mul3A_178 = vector.broadcast %mul3A_177 : i32 to vector<16xi32>
        %mul3A_179 = arith.muli %add3A_176, %mul3A_178 : vector<16xi32>
        %add3A_180 = arith.addi %mul3A_179, %iota3A : vector<16xi32>
        tpu.vector_store_idx %arg7[%add3A_180], %broadcast_in_dim3A_4 : memref<65664xi32, #tpu.memory_space<vmem>>[vector<16xi32>], vector<16xi32>,
        %mul3A_181 = arith.constant 8 : i32
        %mul3A_182 = arith.muli %scan3A_166, %mul3A_181 : i32
        %add3A_183 = arith.constant 1 : i32
        %add3A_184 = arith.addi %mul3A_182, %add3A_183 : i32
        %mul3A_185 = arith.constant 16 : i32
        %mul3A_186 = arith.muli %add3A_184, %mul3A_185 : i32
        %get3A_187 = arith.index_cast %mul3A_186 : i32 to index
        %get3A_188 = tpu.vector_load %arg6[%get3A_187] {strides = array<i32>} : memref<4096xf32, #tpu.memory_space<vmem>>, vector<16xf32>,
        %convert_element_type3A_189 = arith.fptosi %get3A_188 : vector<16xf32> to vector<16xi32>
        %add3A_190 = arith.addi %convert_element_type3A_189, %broadcast_in_dim3A_8 : vector<16xi32>
        %mul3A_191 = arith.constant 16 : i32
        %mul3A_192 = vector.broadcast %mul3A_191 : i32 to vector<16xi32>
        %mul3A_193 = arith.muli %add3A_190, %mul3A_192 : vector<16xi32>
        %add3A_194 = arith.addi %mul3A_193, %iota3A : vector<16xi32>
        tpu.vector_store_idx %arg7[%add3A_194], %broadcast_in_dim3A_4 : memref<65664xi32, #tpu.memory_space<vmem>>[vector<16xi32>], vector<16xi32>,
        %mul3A_195 = arith.constant 8 : i32
        %mul3A_196 = arith.muli %scan3A_166, %mul3A_195 : i32
        %add3A_197 = arith.constant 2 : i32
        %add3A_198 = arith.addi %mul3A_196, %add3A_197 : i32
        %mul3A_199 = arith.constant 16 : i32
        %mul3A_200 = arith.muli %add3A_198, %mul3A_199 : i32
        %get3A_201 = arith.index_cast %mul3A_200 : i32 to index
        %get3A_202 = tpu.vector_load %arg6[%get3A_201] {strides = array<i32>} : memref<4096xf32, #tpu.memory_space<vmem>>, vector<16xf32>,
        %convert_element_type3A_203 = arith.fptosi %get3A_202 : vector<16xf32> to vector<16xi32>
        %add3A_204 = arith.addi %convert_element_type3A_203, %broadcast_in_dim3A_8 : vector<16xi32>
        %mul3A_205 = arith.constant 16 : i32
        %mul3A_206 = vector.broadcast %mul3A_205 : i32 to vector<16xi32>
        %mul3A_207 = arith.muli %add3A_204, %mul3A_206 : vector<16xi32>
        %add3A_208 = arith.addi %mul3A_207, %iota3A : vector<16xi32>
        tpu.vector_store_idx %arg7[%add3A_208], %broadcast_in_dim3A_4 : memref<65664xi32, #tpu.memory_space<vmem>>[vector<16xi32>], vector<16xi32>,
        %mul3A_209 = arith.constant 8 : i32
        %mul3A_210 = arith.muli %scan3A_166, %mul3A_209 : i32
        %add3A_211 = arith.constant 3 : i32
        %add3A_212 = arith.addi %mul3A_210, %add3A_211 : i32
        %mul3A_213 = arith.constant 16 : i32
        %mul3A_214 = arith.muli %add3A_212, %mul3A_213 : i32
        %get3A_215 = arith.index_cast %mul3A_214 : i32 to index
        %get3A_216 = tpu.vector_load %arg6[%get3A_215] {strides = array<i32>} : memref<4096xf32, #tpu.memory_space<vmem>>, vector<16xf32>,
        %convert_element_type3A_217 = arith.fptosi %get3A_216 : vector<16xf32> to vector<16xi32>
        %add3A_218 = arith.addi %convert_element_type3A_217, %broadcast_in_dim3A_8 : vector<16xi32>
        %mul3A_219 = arith.constant 16 : i32
        %mul3A_220 = vector.broadcast %mul3A_219 : i32 to vector<16xi32>
        %mul3A_221 = arith.muli %add3A_218, %mul3A_220 : vector<16xi32>
        %add3A_222 = arith.addi %mul3A_221, %iota3A : vector<16xi32>
        tpu.vector_store_idx %arg7[%add3A_222], %broadcast_in_dim3A_4 : memref<65664xi32, #tpu.memory_space<vmem>>[vector<16xi32>], vector<16xi32>,
        %mul3A_223 = arith.constant 8 : i32
        %mul3A_224 = arith.muli %scan3A_166, %mul3A_223 : i32
        %add3A_225 = arith.constant 4 : i32
        %add3A_226 = arith.addi %mul3A_224, %add3A_225 : i32
        %mul3A_227 = arith.constant 16 : i32
        %mul3A_228 = arith.muli %add3A_226, %mul3A_227 : i32
        %get3A_229 = arith.index_cast %mul3A_228 : i32 to index
        %get3A_230 = tpu.vector_load %arg6[%get3A_229] {strides = array<i32>} : memref<4096xf32, #tpu.memory_space<vmem>>, vector<16xf32>,
        %convert_element_type3A_231 = arith.fptosi %get3A_230 : vector<16xf32> to vector<16xi32>
        %add3A_232 = arith.addi %convert_element_type3A_231, %broadcast_in_dim3A_8 : vector<16xi32>
        %mul3A_233 = arith.constant 16 : i32
        %mul3A_234 = vector.broadcast %mul3A_233 : i32 to vector<16xi32>
        %mul3A_235 = arith.muli %add3A_232, %mul3A_234 : vector<16xi32>
        %add3A_236 = arith.addi %mul3A_235, %iota3A : vector<16xi32>
        tpu.vector_store_idx %arg7[%add3A_236], %broadcast_in_dim3A_4 : memref<65664xi32, #tpu.memory_space<vmem>>[vector<16xi32>], vector<16xi32>,
        %mul3A_237 = arith.constant 8 : i32
        %mul3A_238 = arith.muli %scan3A_166, %mul3A_237 : i32
        %add3A_239 = arith.constant 5 : i32
        %add3A_240 = arith.addi %mul3A_238, %add3A_239 : i32
        %mul3A_241 = arith.constant 16 : i32
        %mul3A_242 = arith.muli %add3A_240, %mul3A_241 : i32
        %get3A_243 = arith.index_cast %mul3A_242 : i32 to index
        %get3A_244 = tpu.vector_load %arg6[%get3A_243] {strides = array<i32>} : memref<4096xf32, #tpu.memory_space<vmem>>, vector<16xf32>,
        %convert_element_type3A_245 = arith.fptosi %get3A_244 : vector<16xf32> to vector<16xi32>
        %add3A_246 = arith.addi %convert_element_type3A_245, %broadcast_in_dim3A_8 : vector<16xi32>
        %mul3A_247 = arith.constant 16 : i32
        %mul3A_248 = vector.broadcast %mul3A_247 : i32 to vector<16xi32>
        %mul3A_249 = arith.muli %add3A_246, %mul3A_248 : vector<16xi32>
        %add3A_250 = arith.addi %mul3A_249, %iota3A : vector<16xi32>
        tpu.vector_store_idx %arg7[%add3A_250], %broadcast_in_dim3A_4 : memref<65664xi32, #tpu.memory_space<vmem>>[vector<16xi32>], vector<16xi32>,
        %mul3A_251 = arith.constant 8 : i32
        %mul3A_252 = arith.muli %scan3A_166, %mul3A_251 : i32
        %add3A_253 = arith.constant 6 : i32
        %add3A_254 = arith.addi %mul3A_252, %add3A_253 : i32
        %mul3A_255 = arith.constant 16 : i32
        %mul3A_256 = arith.muli %add3A_254, %mul3A_255 : i32
        %get3A_257 = arith.index_cast %mul3A_256 : i32 to index
        %get3A_258 = tpu.vector_load %arg6[%get3A_257] {strides = array<i32>} : memref<4096xf32, #tpu.memory_space<vmem>>, vector<16xf32>,
        %convert_element_type3A_259 = arith.fptosi %get3A_258 : vector<16xf32> to vector<16xi32>
        %add3A_260 = arith.addi %convert_element_type3A_259, %broadcast_in_dim3A_8 : vector<16xi32>
        %mul3A_261 = arith.constant 16 : i32
        %mul3A_262 = vector.broadcast %mul3A_261 : i32 to vector<16xi32>
        %mul3A_263 = arith.muli %add3A_260, %mul3A_262 : vector<16xi32>
        %add3A_264 = arith.addi %mul3A_263, %iota3A : vector<16xi32>
        tpu.vector_store_idx %arg7[%add3A_264], %broadcast_in_dim3A_4 : memref<65664xi32, #tpu.memory_space<vmem>>[vector<16xi32>], vector<16xi32>,
        %mul3A_265 = arith.constant 8 : i32
        %mul3A_266 = arith.muli %scan3A_166, %mul3A_265 : i32
        %add3A_267 = arith.constant 7 : i32
        %add3A_268 = arith.addi %mul3A_266, %add3A_267 : i32
        %mul3A_269 = arith.constant 16 : i32
        %mul3A_270 = arith.muli %add3A_268, %mul3A_269 : i32
        %get3A_271 = arith.index_cast %mul3A_270 : i32 to index
        %get3A_272 = tpu.vector_load %arg6[%get3A_271] {strides = array<i32>} : memref<4096xf32, #tpu.memory_space<vmem>>, vector<16xf32>,
        %convert_element_type3A_273 = arith.fptosi %get3A_272 : vector<16xf32> to vector<16xi32>
        %add3A_274 = arith.addi %convert_element_type3A_273, %broadcast_in_dim3A_8 : vector<16xi32>
        %mul3A_275 = arith.constant 16 : i32
        %mul3A_276 = vector.broadcast %mul3A_275 : i32 to vector<16xi32>
        %mul3A_277 = arith.muli %add3A_274, %mul3A_276 : vector<16xi32>
        %add3A_278 = arith.addi %mul3A_277, %iota3A : vector<16xi32>
        tpu.vector_store_idx %arg7[%add3A_278], %broadcast_in_dim3A_4 : memref<65664xi32, #tpu.memory_space<vmem>>[vector<16xi32>], vector<16xi32>,
      }
      %scan3A_165 = arith.constant 32 : i32
    }
    %scan3A_24 = arith.constant 64 : i32
    %dma_wait3A = arith.constant 0 : i32
    %dma_wait3A_25 = tpu.memref_slice %arg2[%mul3A_2, %dma_wait3A] : memref<4096x4096xf32, #tpu.memory_space<hbm>> -> memref<1x4096xf32, #tpu.memory_space<hbm>>
    %dma_wait3A_26 = tpu.memref_squeeze %dma_wait3A_25 : memref<1x4096xf32, #tpu.memory_space<hbm>> -> memref<4096xf32, #tpu.memory_space<hbm>>
    %dma_wait3A_27 = arith.constant 0 : i32
    %dma_wait3A_28 = tpu.memref_slice %arg2[%mul3A_2, %dma_wait3A_27] : memref<4096x4096xf32, #tpu.memory_space<hbm>> -> memref<1x4096xf32, #tpu.memory_space<hbm>>
    %dma_wait3A_29 = tpu.memref_squeeze %dma_wait3A_28 : memref<1x4096xf32, #tpu.memory_space<hbm>> -> memref<4096xf32, #tpu.memory_space<hbm>>
    tpu.wait_dma2 semaphore(%arg10 : memref<!tpu.dma_semaphore, #tpu.memory_space<semaphore_mem>>) src(%dma_wait3A_29 : memref<4096xf32, #tpu.memory_space<hbm>>) dst(%arg5 : memref<4096xf32, #tpu.memory_space<vmem>>)
    "tpu.region"() ({
      %run_scoped3A = tpu.sem_alloc : memref<!tpu.dma_semaphore, #tpu.memory_space<semaphore_mem>>
      %dma_start3A_30 = tpu.memref_slice %arg4[%mul3A_2] : memref<4096xf32, #tpu.memory_space<hbm>> -> memref<128xf32, #tpu.memory_space<hbm>>
      %dma_start3A_31 = tpu.memref_slice %arg4[%mul3A_2] : memref<4096xf32, #tpu.memory_space<hbm>> -> memref<128xf32, #tpu.memory_space<hbm>>
      tpu.enqueue_dma source(%arg9 : memref<128xf32, #tpu.memory_space<vmem>>) target(%dma_start3A_31 : memref<128xf32, #tpu.memory_space<hbm>>) target_semaphore(%run_scoped3A : memref<!tpu.dma_semaphore, #tpu.memory_space<semaphore_mem>>)
      %dma_wait3A_32 = tpu.memref_slice %arg4[%mul3A_2] : memref<4096xf32, #tpu.memory_space<hbm>> -> memref<128xf32, #tpu.memory_space<hbm>>
      %dma_wait3A_33 = tpu.memref_slice %arg4[%mul3A_2] : memref<4096xf32, #tpu.memory_space<hbm>> -> memref<128xf32, #tpu.memory_space<hbm>>
      tpu.wait_dma2 semaphore(%run_scoped3A : memref<!tpu.dma_semaphore, #tpu.memory_space<semaphore_mem>>) src(%arg9 : memref<128xf32, #tpu.memory_space<vmem>>) dst(%dma_wait3A_33 : memref<128xf32, #tpu.memory_space<hbm>>)
      tpu.yield
    }) : () -> ()
    return
  }
}

module attributes {stable_mosaic.version = 14 : i64} {
  func.func @_tc1_body(%arg0: i32, %arg1: memref<2xi32, #tpu.memory_space<smem>>, %arg2: memref<128x2048xbf16, #tpu.memory_space<vmem>>, %arg3: memref<2048x4096xbf16, #tpu.memory_space<vmem>>, %arg4: memref<2048x2048xbf16, #tpu.memory_space<vmem>>, %arg5: memref<128x4096xf32, #tpu.memory_space<vmem>>, %arg6: memref<128x2048xf32, #tpu.memory_space<vmem>>) attributes {dimension_semantics = [#tpu.dimension_semantics<arbitrary>], iteration_bounds = array<i64: 32>, scalar_prefetch = 1 : i64, scratch_operands = 0 : i64, tpu.core_type = #tpu.core_type<tc>, window_params = [{transform_indices = @transform_0, window_bounds = array<i64: 128, 2048>}, {pipeline_mode = #tpu.pipeline_mode<synchronous>, transform_indices = @transform_1, window_bounds = array<i64: 2048, 4096>}, {pipeline_mode = #tpu.pipeline_mode<synchronous>, transform_indices = @transform_2, window_bounds = array<i64: 2048, 2048>}, {transform_indices = @transform_3, window_bounds = array<i64: 128, 4096>}, {transform_indices = @transform_4, window_bounds = array<i64: 128, 2048>}]} {
    %get3A = arith.constant 0 : index
    %get3A_0 = arith.constant 0 : index
    %get3A_1 = vector.load %arg2[%get3A, %get3A_0] : memref<128x2048xbf16, #tpu.memory_space<vmem>>, vector<128x2048xbf16>
    %get3A_2 = arith.constant 0 : index
    %get3A_3 = arith.constant 0 : index
    %get3A_4 = vector.load %arg3[%get3A_2, %get3A_3] : memref<2048x4096xbf16, #tpu.memory_space<vmem>>, vector<2048x4096xbf16>
    %dot_general3A = arith.constant dense<0.000000e+00> : vector<128x4096xf32>
    %dot_general3A_5 = tpu.matmul %get3A_1, %get3A_4, %dot_general3A {dimension_numbers = #tpu.dot_dimension_numbers<[1], [0], [0], [1], [0, 0, 1, 1], [], []>, transpose_lhs_hint = false} : vector<128x2048xbf16>, vector<2048x4096xbf16>, vector<128x4096xf32> -> vector<128x4096xf32>
    %swap3A = arith.constant 0 : index
    %swap3A_6 = arith.constant 0 : index
    %swap3A_7 = vector.load %arg5[%swap3A, %swap3A_6] : memref<128x4096xf32, #tpu.memory_space<vmem>>, vector<128x4096xf32>
    tpu.vector_store %arg5[%swap3A, %swap3A_6], %dot_general3A_5 {strides = array<i32>} : memref<128x4096xf32, #tpu.memory_space<vmem>>, vector<128x4096xf32>,
    %get3A_8 = arith.constant 0 : index
    %get3A_9 = arith.constant 0 : index
    %get3A_10 = vector.load %arg4[%get3A_8, %get3A_9] : memref<2048x2048xbf16, #tpu.memory_space<vmem>>, vector<2048x2048xbf16>
    %dot_general3A_11 = arith.constant dense<0.000000e+00> : vector<128x2048xf32>
    %dot_general3A_12 = tpu.matmul %get3A_1, %get3A_10, %dot_general3A_11 {dimension_numbers = #tpu.dot_dimension_numbers<[1], [0], [0], [1], [0, 0, 1, 1], [], []>, transpose_lhs_hint = false} : vector<128x2048xbf16>, vector<2048x2048xbf16>, vector<128x2048xf32> -> vector<128x2048xf32>
    %swap3A_13 = arith.constant 0 : index
    %swap3A_14 = arith.constant 0 : index
    %swap3A_15 = vector.load %arg6[%swap3A_13, %swap3A_14] : memref<128x2048xf32, #tpu.memory_space<vmem>>, vector<128x2048xf32>
    tpu.vector_store %arg6[%swap3A_13, %swap3A_14], %dot_general3A_12 {strides = array<i32>} : memref<128x2048xf32, #tpu.memory_space<vmem>>, vector<128x2048xf32>,
    return
  }
  func.func @transform_0(%arg0: i32, %arg1: memref<2xi32, #tpu.memory_space<smem>>) -> (i32, i32) {
    %c0_i32 = arith.constant 0 : i32
    %c0_i32_0 = arith.constant 0 : i32
    return %arg0, %c0_i32 : i32, i32
  }
  func.func @transform_1(%arg0: i32, %arg1: memref<2xi32, #tpu.memory_space<smem>>) -> (i32, i32) {
    %c0_i32 = arith.constant 0 : i32
    %c0_i32_0 = arith.constant 0 : i32
    %c0_i32_1 = arith.constant 0 : i32
    return %c0_i32, %c0_i32_0 : i32, i32
  }
  func.func @transform_2(%arg0: i32, %arg1: memref<2xi32, #tpu.memory_space<smem>>) -> (i32, i32) {
    %c0_i32 = arith.constant 0 : i32
    %c0_i32_0 = arith.constant 0 : i32
    %c0_i32_1 = arith.constant 0 : i32
    return %c0_i32, %c0_i32_0 : i32, i32
  }
  func.func @transform_3(%arg0: i32, %arg1: memref<2xi32, #tpu.memory_space<smem>>) -> (i32, i32) {
    %c0_i32 = arith.constant 0 : i32
    %c0_i32_0 = arith.constant 0 : i32
    return %arg0, %c0_i32 : i32, i32
  }
  func.func @transform_4(%arg0: i32, %arg1: memref<2xi32, #tpu.memory_space<smem>>) -> (i32, i32) {
    %c0_i32 = arith.constant 0 : i32
    %c0_i32_0 = arith.constant 0 : i32
    return %arg0, %c0_i32 : i32, i32
  }
}

module attributes {stable_mosaic.version = 14 : i64} {
  func.func @_tc2_body(%arg0: i32, %arg1: memref<2xi32, #tpu.memory_space<smem>>, %arg2: memref<128x4096xf32, #tpu.memory_space<vmem>>, %arg3: memref<128x1xf32, #tpu.memory_space<vmem>>, %arg4: memref<128x2048xf32, #tpu.memory_space<vmem>>, %arg5: memref<4096x2048xbf16, #tpu.memory_space<vmem>>, %arg6: memref<4096x128xbf16, #tpu.memory_space<vmem>>, %arg7: memref<4096x128xbf16, #tpu.memory_space<vmem>>, %arg8: memref<128x4096xf32, #tpu.memory_space<vmem>>, %arg9: memref<128x2048xf32, #tpu.memory_space<vmem>>) attributes {dimension_semantics = [#tpu.dimension_semantics<arbitrary>], iteration_bounds = array<i64: 32>, scalar_prefetch = 1 : i64, scratch_operands = 0 : i64, tpu.core_type = #tpu.core_type<tc>, window_params = [{transform_indices = @transform_0, window_bounds = array<i64: 128, 4096>}, {transform_indices = @transform_1, window_bounds = array<i64: 128, 1>}, {transform_indices = @transform_2, window_bounds = array<i64: 128, 2048>}, {pipeline_mode = #tpu.pipeline_mode<synchronous>, transform_indices = @transform_3, window_bounds = array<i64: 4096, 2048>}, {pipeline_mode = #tpu.pipeline_mode<synchronous>, transform_indices = @transform_4, window_bounds = array<i64: 4096, 128>}, {pipeline_mode = #tpu.pipeline_mode<synchronous>, transform_indices = @transform_5, window_bounds = array<i64: 4096, 128>}, {transform_indices = @transform_6, window_bounds = array<i64: 128, 4096>}, {transform_indices = @transform_7, window_bounds = array<i64: 128, 2048>}]} {
    %get3A = arith.constant 0 : index
    %get3A_0 = arith.constant 0 : index
    %get3A_1 = vector.load %arg2[%get3A, %get3A_0] : memref<128x4096xf32, #tpu.memory_space<vmem>>, vector<128x4096xf32>
    %get3A_2 = arith.constant 0 : index
    %get3A_3 = arith.constant 0 : index
    %get3A_4 = vector.load %arg3[%get3A_2, %get3A_3] : memref<128x1xf32, #tpu.memory_space<vmem>>, vector<128x1xf32>
    %mul3A = arith.constant 2.44140625E-4 : f32
    %mul3A_5 = vector.broadcast %mul3A : f32 to vector<128x1xf32>
    %mul3A_6 = arith.mulf %get3A_4, %mul3A_5 : vector<128x1xf32>
    %floor3A = math.floor %mul3A_6 : vector<128x1xf32>
    %mul3A_7 = arith.constant 4.096000e+03 : f32
    %mul3A_8 = vector.broadcast %mul3A_7 : f32 to vector<128x1xf32>
    %mul3A_9 = arith.mulf %floor3A, %mul3A_8 : vector<128x1xf32>
    %sub3A = arith.subf %get3A_4, %mul3A_9 : vector<128x1xf32>
    %get3A_10 = arith.constant 0 : index
    %get3A_11 = memref.load %arg1[%get3A_10] : memref<2xi32, #tpu.memory_space<smem>>
    %convert_element_type3A = arith.sitofp %get3A_11 : i32 to f32
    %sub3A_12 = vector.broadcast %convert_element_type3A : f32 to vector<128x1xf32>
    %sub3A_13 = arith.subf %sub3A_12, %sub3A : vector<128x1xf32>
    %get3A_14 = arith.constant 0 : index
    %get3A_15 = arith.constant 0 : index
    %get3A_16 = vector.load %arg6[%get3A_14, %get3A_15] : memref<4096x128xbf16, #tpu.memory_space<vmem>>, vector<4096x128xbf16>
    %get3A_17 = arith.constant 0 : index
    %get3A_18 = arith.constant 0 : index
    %get3A_19 = vector.load %arg7[%get3A_17, %get3A_18] : memref<4096x128xbf16, #tpu.memory_space<vmem>>, vector<4096x128xbf16>
    %gt3A = vector.broadcast %floor3A : vector<128x1xf32> to vector<128x4096xf32>
    %gt3A_20 = arith.cmpf ogt, %get3A_1, %gt3A : vector<128x4096xf32>
    %eq3A = vector.broadcast %floor3A : vector<128x1xf32> to vector<128x4096xf32>
    %eq3A_21 = arith.cmpf oeq, %get3A_1, %eq3A : vector<128x4096xf32>
    %jit3A = arith.constant 1.000000e+00 : f32
    %jit3A_22 = arith.constant 0.000000e+00 : f32
    %broadcast_in_dim3A = vector.broadcast %jit3A : f32 to vector<128x4096xf32>
    %broadcast_in_dim3A_23 = vector.broadcast %jit3A_22 : f32 to vector<128x4096xf32>
    %select_n3A = arith.select %eq3A_21, %broadcast_in_dim3A, %broadcast_in_dim3A_23 : vector<128x4096xi1>, vector<128x4096xf32>
    %convert_element_type3A_24 = arith.truncf %select_n3A : vector<128x4096xf32> to vector<128x4096xbf16>
    %dot_general3A = arith.constant dense<0.000000e+00> : vector<128x128xf32>
    %dot_general3A_25 = tpu.matmul %convert_element_type3A_24, %get3A_16, %dot_general3A {dimension_numbers = #tpu.dot_dimension_numbers<[1], [0], [0], [1], [0, 0, 1, 1], [], []>, transpose_lhs_hint = false} : vector<128x4096xbf16>, vector<4096x128xbf16>, vector<128x128xf32> -> vector<128x128xf32>
    %lt3A = vector.broadcast %sub3A_13 : vector<128x1xf32> to vector<128x128xf32>
    %lt3A_26 = arith.cmpf olt, %dot_general3A_25, %lt3A : vector<128x128xf32>
    %jit3A_27 = arith.constant 1.000000e+00 : f32
    %jit3A_28 = arith.constant 0.000000e+00 : f32
    %broadcast_in_dim3A_29 = vector.broadcast %jit3A_27 : f32 to vector<128x128xf32>
    %broadcast_in_dim3A_30 = vector.broadcast %jit3A_28 : f32 to vector<128x128xf32>
    %select_n3A_31 = arith.select %lt3A_26, %broadcast_in_dim3A_29, %broadcast_in_dim3A_30 : vector<128x128xi1>, vector<128x128xf32>
    %reduce_sum3A = arith.constant dense<0.000000e+00> : vector<128xf32>
    %reduce_sum3A_32 = vector.multi_reduction <add>, %select_n3A_31, %reduce_sum3A [1] : vector<128x128xf32> to vector<128xf32>
    %broadcast_in_dim3A_33 = vector.shape_cast %reduce_sum3A_32 : vector<128xf32> to vector<128x1xf32>
    %iota3A = tpu.iota {dimensions = array<i32: 1>} : vector<128x128xi32>
    %convert_element_type3A_34 = arith.sitofp %iota3A : vector<128x128xi32> to vector<128x128xf32>
    %sub3A_35 = arith.constant 1.000000e+00 : f32
    %sub3A_36 = vector.broadcast %sub3A_35 : f32 to vector<128x1xf32>
    %sub3A_37 = arith.subf %broadcast_in_dim3A_33, %sub3A_36 : vector<128x1xf32>
    %eq3A_38 = vector.broadcast %sub3A_37 : vector<128x1xf32> to vector<128x128xf32>
    %eq3A_39 = arith.cmpf oeq, %convert_element_type3A_34, %eq3A_38 : vector<128x128xf32>
    %jit3A_40 = arith.constant 0.000000e+00 : f32
    %broadcast_in_dim3A_41 = vector.broadcast %jit3A_40 : f32 to vector<128x128xf32>
    %select_n3A_42 = arith.select %eq3A_39, %dot_general3A_25, %broadcast_in_dim3A_41 : vector<128x128xi1>, vector<128x128xf32>
    %reduce_sum3A_43 = arith.constant dense<0.000000e+00> : vector<128xf32>
    %reduce_sum3A_44 = vector.multi_reduction <add>, %select_n3A_42, %reduce_sum3A_43 [1] : vector<128x128xf32> to vector<128xf32>
    %broadcast_in_dim3A_45 = vector.shape_cast %reduce_sum3A_44 : vector<128xf32> to vector<128x1xf32>
    %sub3A_46 = arith.subf %sub3A_13, %broadcast_in_dim3A_45 : vector<128x1xf32>
    %iota3A_47 = tpu.iota {dimensions = array<i32: 1>} : vector<128x4096xi32>
    %convert_element_type3A_48 = arith.sitofp %iota3A_47 : vector<128x4096xi32> to vector<128x4096xf32>
    %mul3A_49 = arith.constant 3.125000e-02 : f32
    %mul3A_50 = vector.broadcast %mul3A_49 : f32 to vector<128x4096xf32>
    %mul3A_51 = arith.mulf %convert_element_type3A_48, %mul3A_50 : vector<128x4096xf32>
    %floor3A_52 = math.floor %mul3A_51 : vector<128x4096xf32>
    %eq3A_53 = vector.broadcast %broadcast_in_dim3A_33 : vector<128x1xf32> to vector<128x4096xf32>
    %eq3A_54 = arith.cmpf oeq, %floor3A_52, %eq3A_53 : vector<128x4096xf32>
    %and3A = arith.andi %eq3A_21, %eq3A_54 : vector<128x4096xi1>
    %jit3A_55 = arith.constant 1.000000e+00 : f32
    %jit3A_56 = arith.constant 0.000000e+00 : f32
    %broadcast_in_dim3A_57 = vector.broadcast %jit3A_55 : f32 to vector<128x4096xf32>
    %broadcast_in_dim3A_58 = vector.broadcast %jit3A_56 : f32 to vector<128x4096xf32>
    %select_n3A_59 = arith.select %and3A, %broadcast_in_dim3A_57, %broadcast_in_dim3A_58 : vector<128x4096xi1>, vector<128x4096xf32>
    %convert_element_type3A_60 = arith.truncf %select_n3A_59 : vector<128x4096xf32> to vector<128x4096xbf16>
    %dot_general3A_61 = arith.constant dense<0.000000e+00> : vector<128x128xf32>
    %dot_general3A_62 = tpu.matmul %convert_element_type3A_60, %get3A_19, %dot_general3A_61 {dimension_numbers = #tpu.dot_dimension_numbers<[1], [0], [0], [1], [0, 0, 1, 1], [], []>, transpose_lhs_hint = false} : vector<128x4096xbf16>, vector<4096x128xbf16>, vector<128x128xf32> -> vector<128x128xf32>
    %lt3A_63 = arith.constant 3.200000e+01 : f32
    %lt3A_64 = vector.broadcast %lt3A_63 : f32 to vector<128x128xf32>
    %lt3A_65 = arith.cmpf olt, %convert_element_type3A_34, %lt3A_64 : vector<128x128xf32>
    %lt3A_66 = vector.broadcast %sub3A_46 : vector<128x1xf32> to vector<128x128xf32>
    %lt3A_67 = arith.cmpf olt, %dot_general3A_62, %lt3A_66 : vector<128x128xf32>
    %and3A_68 = arith.andi %lt3A_65, %lt3A_67 : vector<128x128xi1>
    %jit3A_69 = arith.constant 1.000000e+00 : f32
    %jit3A_70 = arith.constant 0.000000e+00 : f32
    %broadcast_in_dim3A_71 = vector.broadcast %jit3A_69 : f32 to vector<128x128xf32>
    %broadcast_in_dim3A_72 = vector.broadcast %jit3A_70 : f32 to vector<128x128xf32>
    %select_n3A_73 = arith.select %and3A_68, %broadcast_in_dim3A_71, %broadcast_in_dim3A_72 : vector<128x128xi1>, vector<128x128xf32>
    %reduce_sum3A_74 = arith.constant dense<0.000000e+00> : vector<128xf32>
    %reduce_sum3A_75 = vector.multi_reduction <add>, %select_n3A_73, %reduce_sum3A_74 [1] : vector<128x128xf32> to vector<128xf32>
    %broadcast_in_dim3A_76 = vector.shape_cast %reduce_sum3A_75 : vector<128xf32> to vector<128x1xf32>
    %mul3A_77 = arith.constant 3.200000e+01 : f32
    %mul3A_78 = vector.broadcast %mul3A_77 : f32 to vector<128x1xf32>
    %mul3A_79 = arith.mulf %broadcast_in_dim3A_33, %mul3A_78 : vector<128x1xf32>
    %add3A = arith.addf %mul3A_79, %broadcast_in_dim3A_76 : vector<128x1xf32>
    %le3A = vector.broadcast %add3A : vector<128x1xf32> to vector<128x4096xf32>
    %le3A_80 = arith.cmpf ole, %convert_element_type3A_48, %le3A : vector<128x4096xf32>
    %and3A_81 = arith.andi %eq3A_21, %le3A_80 : vector<128x4096xi1>
    %or3A = arith.ori %gt3A_20, %and3A_81 : vector<128x4096xi1>
    %jit3A_82 = arith.constant 1.000000e+00 : f32
    %jit3A_83 = arith.constant 0.000000e+00 : f32
    %broadcast_in_dim3A_84 = vector.broadcast %jit3A_82 : f32 to vector<128x4096xf32>
    %broadcast_in_dim3A_85 = vector.broadcast %jit3A_83 : f32 to vector<128x4096xf32>
    %select_n3A_86 = arith.select %or3A, %broadcast_in_dim3A_84, %broadcast_in_dim3A_85 : vector<128x4096xi1>, vector<128x4096xf32>
    %swap3A = arith.constant 0 : index
    %swap3A_87 = arith.constant 0 : index
    %swap3A_88 = vector.load %arg8[%swap3A, %swap3A_87] : memref<128x4096xf32, #tpu.memory_space<vmem>>, vector<128x4096xf32>
    tpu.vector_store %arg8[%swap3A, %swap3A_87], %select_n3A_86 {strides = array<i32>} : memref<128x4096xf32, #tpu.memory_space<vmem>>, vector<128x4096xf32>,
    %convert_element_type3A_89 = arith.truncf %select_n3A_86 : vector<128x4096xf32> to vector<128x4096xbf16>
    %get3A_90 = arith.constant 0 : index
    %get3A_91 = arith.constant 0 : index
    %get3A_92 = vector.load %arg5[%get3A_90, %get3A_91] : memref<4096x2048xbf16, #tpu.memory_space<vmem>>, vector<4096x2048xbf16>
    %dot_general3A_93 = arith.constant dense<0.000000e+00> : vector<128x2048xf32>
    %dot_general3A_94 = tpu.matmul %convert_element_type3A_89, %get3A_92, %dot_general3A_93 {dimension_numbers = #tpu.dot_dimension_numbers<[1], [0], [0], [1], [0, 0, 1, 1], [], []>, transpose_lhs_hint = false} : vector<128x4096xbf16>, vector<4096x2048xbf16>, vector<128x2048xf32> -> vector<128x2048xf32>
    %get3A_95 = arith.constant 0 : index
    %get3A_96 = arith.constant 0 : index
    %get3A_97 = vector.load %arg4[%get3A_95, %get3A_96] : memref<128x2048xf32, #tpu.memory_space<vmem>>, vector<128x2048xf32>
    %sub3A_98 = arith.subf %get3A_97, %dot_general3A_94 : vector<128x2048xf32>
    %swap3A_99 = arith.constant 0 : index
    %swap3A_100 = arith.constant 0 : index
    %swap3A_101 = vector.load %arg9[%swap3A_99, %swap3A_100] : memref<128x2048xf32, #tpu.memory_space<vmem>>, vector<128x2048xf32>
    tpu.vector_store %arg9[%swap3A_99, %swap3A_100], %sub3A_98 {strides = array<i32>} : memref<128x2048xf32, #tpu.memory_space<vmem>>, vector<128x2048xf32>,
    return
  }
  func.func @transform_0(%arg0: i32, %arg1: memref<2xi32, #tpu.memory_space<smem>>) -> (i32, i32) {
    %c0_i32 = arith.constant 0 : i32
    %c0_i32_0 = arith.constant 0 : i32
    return %arg0, %c0_i32 : i32, i32
  }
  func.func @transform_1(%arg0: i32, %arg1: memref<2xi32, #tpu.memory_space<smem>>) -> (i32, i32) {
    %c0_i32 = arith.constant 0 : i32
    %c0_i32_0 = arith.constant 0 : i32
    return %arg0, %c0_i32 : i32, i32
  }
  func.func @transform_2(%arg0: i32, %arg1: memref<2xi32, #tpu.memory_space<smem>>) -> (i32, i32) {
    %c0_i32 = arith.constant 0 : i32
    %c0_i32_0 = arith.constant 0 : i32
    return %arg0, %c0_i32 : i32, i32
  }
  func.func @transform_3(%arg0: i32, %arg1: memref<2xi32, #tpu.memory_space<smem>>) -> (i32, i32) {
    %c0_i32 = arith.constant 0 : i32
    %c0_i32_0 = arith.constant 0 : i32
    %c0_i32_1 = arith.constant 0 : i32
    return %c0_i32, %c0_i32_0 : i32, i32
  }
  func.func @transform_4(%arg0: i32, %arg1: memref<2xi32, #tpu.memory_space<smem>>) -> (i32, i32) {
    %c0_i32 = arith.constant 0 : i32
    %c0_i32_0 = arith.constant 0 : i32
    %c0_i32_1 = arith.constant 0 : i32
    return %c0_i32, %c0_i32_0 : i32, i32
  }
  func.func @transform_5(%arg0: i32, %arg1: memref<2xi32, #tpu.memory_space<smem>>) -> (i32, i32) {
    %c0_i32 = arith.constant 0 : i32
    %c0_i32_0 = arith.constant 0 : i32
    %c0_i32_1 = arith.constant 0 : i32
    return %c0_i32, %c0_i32_0 : i32, i32
  }
  func.func @transform_6(%arg0: i32, %arg1: memref<2xi32, #tpu.memory_space<smem>>) -> (i32, i32) {
    %c0_i32 = arith.constant 0 : i32
    %c0_i32_0 = arith.constant 0 : i32
    return %arg0, %c0_i32 : i32, i32
  }
  func.func @transform_7(%arg0: i32, %arg1: memref<2xi32, #tpu.memory_space<smem>>) -> (i32, i32) {
    %c0_i32 = arith.constant 0 : i32
    %c0_i32_0 = arith.constant 0 : i32
    return %arg0, %c0_i32 : i32, i32
  }
}

module attributes {stable_mosaic.version = 14 : i64} {
  func.func @_tc3_body(%arg0: i32, %arg1: memref<2xi32, #tpu.memory_space<smem>>, %arg2: memref<128x2048xf32, #tpu.memory_space<vmem>>, %arg3: memref<128x1xf32, #tpu.memory_space<vmem>>, %arg4: memref<2048x128xbf16, #tpu.memory_space<vmem>>, %arg5: memref<2048x128xbf16, #tpu.memory_space<vmem>>, %arg6: memref<128x2048xf32, #tpu.memory_space<vmem>>) attributes {dimension_semantics = [#tpu.dimension_semantics<arbitrary>], iteration_bounds = array<i64: 32>, scalar_prefetch = 1 : i64, scratch_operands = 0 : i64, tpu.core_type = #tpu.core_type<tc>, window_params = [{transform_indices = @transform_0, window_bounds = array<i64: 128, 2048>}, {transform_indices = @transform_1, window_bounds = array<i64: 128, 1>}, {pipeline_mode = #tpu.pipeline_mode<synchronous>, transform_indices = @transform_2, window_bounds = array<i64: 2048, 128>}, {pipeline_mode = #tpu.pipeline_mode<synchronous>, transform_indices = @transform_3, window_bounds = array<i64: 2048, 128>}, {transform_indices = @transform_4, window_bounds = array<i64: 128, 2048>}]} {
    %get3A = arith.constant 0 : index
    %get3A_0 = arith.constant 0 : index
    %get3A_1 = vector.load %arg2[%get3A, %get3A_0] : memref<128x2048xf32, #tpu.memory_space<vmem>>, vector<128x2048xf32>
    %get3A_2 = arith.constant 0 : index
    %get3A_3 = arith.constant 0 : index
    %get3A_4 = vector.load %arg3[%get3A_2, %get3A_3] : memref<128x1xf32, #tpu.memory_space<vmem>>, vector<128x1xf32>
    %mul3A = arith.constant 4.8828125E-4 : f32
    %mul3A_5 = vector.broadcast %mul3A : f32 to vector<128x1xf32>
    %mul3A_6 = arith.mulf %get3A_4, %mul3A_5 : vector<128x1xf32>
    %floor3A = math.floor %mul3A_6 : vector<128x1xf32>
    %mul3A_7 = arith.constant 2.048000e+03 : f32
    %mul3A_8 = vector.broadcast %mul3A_7 : f32 to vector<128x1xf32>
    %mul3A_9 = arith.mulf %floor3A, %mul3A_8 : vector<128x1xf32>
    %sub3A = arith.subf %get3A_4, %mul3A_9 : vector<128x1xf32>
    %get3A_10 = arith.constant 1 : index
    %get3A_11 = memref.load %arg1[%get3A_10] : memref<2xi32, #tpu.memory_space<smem>>
    %convert_element_type3A = arith.sitofp %get3A_11 : i32 to f32
    %sub3A_12 = vector.broadcast %convert_element_type3A : f32 to vector<128x1xf32>
    %sub3A_13 = arith.subf %sub3A_12, %sub3A : vector<128x1xf32>
    %get3A_14 = arith.constant 0 : index
    %get3A_15 = arith.constant 0 : index
    %get3A_16 = vector.load %arg4[%get3A_14, %get3A_15] : memref<2048x128xbf16, #tpu.memory_space<vmem>>, vector<2048x128xbf16>
    %get3A_17 = arith.constant 0 : index
    %get3A_18 = arith.constant 0 : index
    %get3A_19 = vector.load %arg5[%get3A_17, %get3A_18] : memref<2048x128xbf16, #tpu.memory_space<vmem>>, vector<2048x128xbf16>
    %gt3A = vector.broadcast %floor3A : vector<128x1xf32> to vector<128x2048xf32>
    %gt3A_20 = arith.cmpf ogt, %get3A_1, %gt3A : vector<128x2048xf32>
    %eq3A = vector.broadcast %floor3A : vector<128x1xf32> to vector<128x2048xf32>
    %eq3A_21 = arith.cmpf oeq, %get3A_1, %eq3A : vector<128x2048xf32>
    %jit3A = arith.constant 1.000000e+00 : f32
    %jit3A_22 = arith.constant 0.000000e+00 : f32
    %broadcast_in_dim3A = vector.broadcast %jit3A : f32 to vector<128x2048xf32>
    %broadcast_in_dim3A_23 = vector.broadcast %jit3A_22 : f32 to vector<128x2048xf32>
    %select_n3A = arith.select %eq3A_21, %broadcast_in_dim3A, %broadcast_in_dim3A_23 : vector<128x2048xi1>, vector<128x2048xf32>
    %convert_element_type3A_24 = arith.truncf %select_n3A : vector<128x2048xf32> to vector<128x2048xbf16>
    %dot_general3A = arith.constant dense<0.000000e+00> : vector<128x128xf32>
    %dot_general3A_25 = tpu.matmul %convert_element_type3A_24, %get3A_16, %dot_general3A {dimension_numbers = #tpu.dot_dimension_numbers<[1], [0], [0], [1], [0, 0, 1, 1], [], []>, transpose_lhs_hint = false} : vector<128x2048xbf16>, vector<2048x128xbf16>, vector<128x128xf32> -> vector<128x128xf32>
    %lt3A = vector.broadcast %sub3A_13 : vector<128x1xf32> to vector<128x128xf32>
    %lt3A_26 = arith.cmpf olt, %dot_general3A_25, %lt3A : vector<128x128xf32>
    %jit3A_27 = arith.constant 1.000000e+00 : f32
    %jit3A_28 = arith.constant 0.000000e+00 : f32
    %broadcast_in_dim3A_29 = vector.broadcast %jit3A_27 : f32 to vector<128x128xf32>
    %broadcast_in_dim3A_30 = vector.broadcast %jit3A_28 : f32 to vector<128x128xf32>
    %select_n3A_31 = arith.select %lt3A_26, %broadcast_in_dim3A_29, %broadcast_in_dim3A_30 : vector<128x128xi1>, vector<128x128xf32>
    %reduce_sum3A = arith.constant dense<0.000000e+00> : vector<128xf32>
    %reduce_sum3A_32 = vector.multi_reduction <add>, %select_n3A_31, %reduce_sum3A [1] : vector<128x128xf32> to vector<128xf32>
    %broadcast_in_dim3A_33 = vector.shape_cast %reduce_sum3A_32 : vector<128xf32> to vector<128x1xf32>
    %iota3A = tpu.iota {dimensions = array<i32: 1>} : vector<128x128xi32>
    %convert_element_type3A_34 = arith.sitofp %iota3A : vector<128x128xi32> to vector<128x128xf32>
    %sub3A_35 = arith.constant 1.000000e+00 : f32
    %sub3A_36 = vector.broadcast %sub3A_35 : f32 to vector<128x1xf32>
    %sub3A_37 = arith.subf %broadcast_in_dim3A_33, %sub3A_36 : vector<128x1xf32>
    %eq3A_38 = vector.broadcast %sub3A_37 : vector<128x1xf32> to vector<128x128xf32>
    %eq3A_39 = arith.cmpf oeq, %convert_element_type3A_34, %eq3A_38 : vector<128x128xf32>
    %jit3A_40 = arith.constant 0.000000e+00 : f32
    %broadcast_in_dim3A_41 = vector.broadcast %jit3A_40 : f32 to vector<128x128xf32>
    %select_n3A_42 = arith.select %eq3A_39, %dot_general3A_25, %broadcast_in_dim3A_41 : vector<128x128xi1>, vector<128x128xf32>
    %reduce_sum3A_43 = arith.constant dense<0.000000e+00> : vector<128xf32>
    %reduce_sum3A_44 = vector.multi_reduction <add>, %select_n3A_42, %reduce_sum3A_43 [1] : vector<128x128xf32> to vector<128xf32>
    %broadcast_in_dim3A_45 = vector.shape_cast %reduce_sum3A_44 : vector<128xf32> to vector<128x1xf32>
    %sub3A_46 = arith.subf %sub3A_13, %broadcast_in_dim3A_45 : vector<128x1xf32>
    %iota3A_47 = tpu.iota {dimensions = array<i32: 1>} : vector<128x2048xi32>
    %convert_element_type3A_48 = arith.sitofp %iota3A_47 : vector<128x2048xi32> to vector<128x2048xf32>
    %mul3A_49 = arith.constant 6.250000e-02 : f32
    %mul3A_50 = vector.broadcast %mul3A_49 : f32 to vector<128x2048xf32>
    %mul3A_51 = arith.mulf %convert_element_type3A_48, %mul3A_50 : vector<128x2048xf32>
    %floor3A_52 = math.floor %mul3A_51 : vector<128x2048xf32>
    %eq3A_53 = vector.broadcast %broadcast_in_dim3A_33 : vector<128x1xf32> to vector<128x2048xf32>
    %eq3A_54 = arith.cmpf oeq, %floor3A_52, %eq3A_53 : vector<128x2048xf32>
    %and3A = arith.andi %eq3A_21, %eq3A_54 : vector<128x2048xi1>
    %jit3A_55 = arith.constant 1.000000e+00 : f32
    %jit3A_56 = arith.constant 0.000000e+00 : f32
    %broadcast_in_dim3A_57 = vector.broadcast %jit3A_55 : f32 to vector<128x2048xf32>
    %broadcast_in_dim3A_58 = vector.broadcast %jit3A_56 : f32 to vector<128x2048xf32>
    %select_n3A_59 = arith.select %and3A, %broadcast_in_dim3A_57, %broadcast_in_dim3A_58 : vector<128x2048xi1>, vector<128x2048xf32>
    %convert_element_type3A_60 = arith.truncf %select_n3A_59 : vector<128x2048xf32> to vector<128x2048xbf16>
    %dot_general3A_61 = arith.constant dense<0.000000e+00> : vector<128x128xf32>
    %dot_general3A_62 = tpu.matmul %convert_element_type3A_60, %get3A_19, %dot_general3A_61 {dimension_numbers = #tpu.dot_dimension_numbers<[1], [0], [0], [1], [0, 0, 1, 1], [], []>, transpose_lhs_hint = false} : vector<128x2048xbf16>, vector<2048x128xbf16>, vector<128x128xf32> -> vector<128x128xf32>
    %lt3A_63 = arith.constant 1.600000e+01 : f32
    %lt3A_64 = vector.broadcast %lt3A_63 : f32 to vector<128x128xf32>
    %lt3A_65 = arith.cmpf olt, %convert_element_type3A_34, %lt3A_64 : vector<128x128xf32>
    %lt3A_66 = vector.broadcast %sub3A_46 : vector<128x1xf32> to vector<128x128xf32>
    %lt3A_67 = arith.cmpf olt, %dot_general3A_62, %lt3A_66 : vector<128x128xf32>
    %and3A_68 = arith.andi %lt3A_65, %lt3A_67 : vector<128x128xi1>
    %jit3A_69 = arith.constant 1.000000e+00 : f32
    %jit3A_70 = arith.constant 0.000000e+00 : f32
    %broadcast_in_dim3A_71 = vector.broadcast %jit3A_69 : f32 to vector<128x128xf32>
    %broadcast_in_dim3A_72 = vector.broadcast %jit3A_70 : f32 to vector<128x128xf32>
    %select_n3A_73 = arith.select %and3A_68, %broadcast_in_dim3A_71, %broadcast_in_dim3A_72 : vector<128x128xi1>, vector<128x128xf32>
    %reduce_sum3A_74 = arith.constant dense<0.000000e+00> : vector<128xf32>
    %reduce_sum3A_75 = vector.multi_reduction <add>, %select_n3A_73, %reduce_sum3A_74 [1] : vector<128x128xf32> to vector<128xf32>
    %broadcast_in_dim3A_76 = vector.shape_cast %reduce_sum3A_75 : vector<128xf32> to vector<128x1xf32>
    %mul3A_77 = arith.constant 1.600000e+01 : f32
    %mul3A_78 = vector.broadcast %mul3A_77 : f32 to vector<128x1xf32>
    %mul3A_79 = arith.mulf %broadcast_in_dim3A_33, %mul3A_78 : vector<128x1xf32>
    %add3A = arith.addf %mul3A_79, %broadcast_in_dim3A_76 : vector<128x1xf32>
    %le3A = vector.broadcast %add3A : vector<128x1xf32> to vector<128x2048xf32>
    %le3A_80 = arith.cmpf ole, %convert_element_type3A_48, %le3A : vector<128x2048xf32>
    %and3A_81 = arith.andi %eq3A_21, %le3A_80 : vector<128x2048xi1>
    %or3A = arith.ori %gt3A_20, %and3A_81 : vector<128x2048xi1>
    %jit3A_82 = arith.constant 1.000000e+00 : f32
    %jit3A_83 = arith.constant 0.000000e+00 : f32
    %broadcast_in_dim3A_84 = vector.broadcast %jit3A_82 : f32 to vector<128x2048xf32>
    %broadcast_in_dim3A_85 = vector.broadcast %jit3A_83 : f32 to vector<128x2048xf32>
    %select_n3A_86 = arith.select %or3A, %broadcast_in_dim3A_84, %broadcast_in_dim3A_85 : vector<128x2048xi1>, vector<128x2048xf32>
    %swap3A = arith.constant 0 : index
    %swap3A_87 = arith.constant 0 : index
    %swap3A_88 = vector.load %arg6[%swap3A, %swap3A_87] : memref<128x2048xf32, #tpu.memory_space<vmem>>, vector<128x2048xf32>
    tpu.vector_store %arg6[%swap3A, %swap3A_87], %select_n3A_86 {strides = array<i32>} : memref<128x2048xf32, #tpu.memory_space<vmem>>, vector<128x2048xf32>,
    return
  }
  func.func @transform_0(%arg0: i32, %arg1: memref<2xi32, #tpu.memory_space<smem>>) -> (i32, i32) {
    %c0_i32 = arith.constant 0 : i32
    %c0_i32_0 = arith.constant 0 : i32
    return %arg0, %c0_i32 : i32, i32
  }
  func.func @transform_1(%arg0: i32, %arg1: memref<2xi32, #tpu.memory_space<smem>>) -> (i32, i32) {
    %c0_i32 = arith.constant 0 : i32
    %c0_i32_0 = arith.constant 0 : i32
    return %arg0, %c0_i32 : i32, i32
  }
  func.func @transform_2(%arg0: i32, %arg1: memref<2xi32, #tpu.memory_space<smem>>) -> (i32, i32) {
    %c0_i32 = arith.constant 0 : i32
    %c0_i32_0 = arith.constant 0 : i32
    %c0_i32_1 = arith.constant 0 : i32
    return %c0_i32, %c0_i32_0 : i32, i32
  }
  func.func @transform_3(%arg0: i32, %arg1: memref<2xi32, #tpu.memory_space<smem>>) -> (i32, i32) {
    %c0_i32 = arith.constant 0 : i32
    %c0_i32_0 = arith.constant 0 : i32
    %c0_i32_1 = arith.constant 0 : i32
    return %c0_i32, %c0_i32_0 : i32, i32
  }
  func.func @transform_4(%arg0: i32, %arg1: memref<2xi32, #tpu.memory_space<smem>>) -> (i32, i32) {
    %c0_i32 = arith.constant 0 : i32
    %c0_i32_0 = arith.constant 0 : i32
    return %arg0, %c0_i32 : i32, i32
  }
}

</mosaic_0001>

<sc_bundles>
// kernel: kernel.10.cloned.1.call-start
scs
__scs_entry_jumppad:
0x0: {  	(pc) =	sbr.rel $0x88, $3  }
0x1: {  	(tag) =	ssettag $0x0;
	lr =	simm.s32 $0x1  }
0x2: {  	[smem:$0x3F9B] =	sst lr;
	_ =	strace $0xD0000000  }
0x3: {  	_ = 	snop  }
0x4: {  	_ = 	snop  }
0x5: {  	_ = 	snop  }
0x6: {  	_ = 	snop  }
0x7: {  	_ = 	snop  }
__scs_overlays_trampoline_lowered:
0x8: {  	[smem:$0x3FAA] =	sst s0  }
0x9: {  	[smem:$0x3FAB] =	sst s1  }
0xa: {  	[smem:$0x3FAC] =	sst s2  }
0xb: {  	[smem:$0x3FAD] =	sst s3  }
0xc: {  	[smem:$0x3FAE] =	sst s4  }
0xd: {  	[smem:$0x3FAF] =	sst s5  }
0xe: {  	[smem:$0x3FB0] =	sst s6  }
0xf: {  	[smem:$0x3FB1] =	sst s7  }
0x10: {  	[smem:$0x3FB2] =	sst s8  }
0x11: {  	[smem:$0x3FB3] =	sst s9;
	s0 =	simm.s32 @!p0 $0x0  }
0x12: {  	s1 =	sld [smem:$0x3F99];
	s0 =	simm.s32 @p0 $0x1  }
0x13: {  	[smem:$0x3FB4] =	sst s0;
	s0 =	simm.s32 @!p1 $0x0  }
0x14: {  	s2 =	sld [smem:$0x3F98];
	s0 =	simm.s32 @p1 $0x1  }
0x15: {  	[smem:$0x3FB5] =	sst s0;
	s0 =	simm.s32 @!p2 $0x0  }
0x16: {  	s3 =	sld [smem:$0x3FDB];
	s0 =	simm.s32 @p2 $0x1  }
0x17: {  	s4 =	simm.s32 $0x1BF5;
	[smem:$0x3FB7] =	sst s0  }
0x18: {  	s0 =	sld [smem:$0x3F9A];
	_ =	swait.ge [sflag:s4], $0x0  }
0x19: {  	s7 =	sld [smem:$0x3F9B]  }
0x1a: {  	s8 =	sadd.s32 $0xFFFFE003, lr  }
0x1b: {  	s9 =	sadd.s32 $0xFFFFFEF7, lr;
	s5 =	simm.s32 $0xFFFFFFFF;
	p2 =	slt.u32 s8, $0xFFFFF086  }
0x1c: {  	p1 =	slt.u32 s9, $0xF7A;
	s5 =	simm.s32 @!p2 $0x0  }
0x1d: {  	s5 =	simm.s32 @p1 $0x1;
	p0 =	seq.s32 s7, s2  }
0x1e: {  	s7 =	smul.u32 @!p0 $0xF7A, s2;
	p2 =	seq.s32 @!p0 s5, $0x0  }
0x1f: {  	s9 =	smul.u32 $0xF7A, s1;
	s8 =	simm.s32 @!p0 $0x1BF5;
	p2 =	por !p2, p0  }
0x20: {  	[sflag:s8] =	ssyncset.s32 @!p0 $0xFFFFF086;
	s6 =	sadd.s32 @!p0 s3, s7;
	s7 =	simm.s32 @!p0 $0x108  }
0x21: {  	s3 =	sadd.s32 s3, s9;
	s6 =	sadd.s32 @!p0 $0x88, s6;
	s7 =	simm.s32 @p2 $0x1082  }
0x22: {  	[simem:s7], [sflag:s8] =	dma.local @!p0 [hbm:s6], $0xF7A  }
0x23: {  	s9 =	sor.u32 $0xD0000000, s2;
	s6 =	simm.s32 $0x108;
	_ =	swait.ge @!p0 [sflag:s8], $0x0  }
0x24: {  	s3 =	sadd.s32 $0x88, s3;
	s6 =	simm.s32 @!p1 $0x1082;
	[sflag:s4] =	ssyncset.s32 $0xFFFFF086  }
0x25: {  	[simem:s6], [sflag:s4] =	dma.local [hbm:s3], $0xF7A  }
0x26: {  	[smem:$0x3F9B] =	sst s1;
	(tag) =	ssettag s2;
	_ =	strace s9  }
0x27: {  	s1 =	sld [smem:$0x3FAB]  }
0x28: {  	s2 =	sld [smem:$0x3FAC]  }
0x29: {  	s4 =	sld [smem:$0x3FAE]  }
0x2a: {  	p0 =	seq.s32 s5, $0x0;
	s5 =	sld [smem:$0x3FAF]  }
0x2b: {  	s6 =	sld [smem:$0x3FB0]  }
0x2c: {  	s7 =	sld [smem:$0x3FB1]  }
0x2d: {  	s3 =	simm.s32 $0x108;
	s8 =	sld [smem:$0x3FB2]  }
0x2e: {  	s3 =	simm.s32 @!p0 $0x1082;
	s9 =	sld [smem:$0x3FB3]  }
0x2f: {  	lr =	sadd.s32 s0, s3;
	s0 =	sld [smem:$0x3FAA]  }
0x30: {  	s3 =	sld [smem:$0x3FAD]  }
0x31: {  	[smem:$0x3FB6] =	sst s10  }
0x32: {  	s10 =	sld [smem:$0x3FB4];
	_ =	sdelay $0x3  }
0x33: {  	p0 =	seq.s32 s10, $0x1;
	s10 =	sld [smem:$0x3FB6];
	_ =	sdelay $0x3  }
0x34: {  	[smem:$0x3FB6] =	sst s10  }
0x35: {  	s10 =	sld [smem:$0x3FB5];
	_ =	sdelay $0x3  }
0x36: {  	p1 =	seq.s32 s10, $0x1;
	s10 =	sld [smem:$0x3FB6];
	_ =	sdelay $0x3  }
0x37: {  	[smem:$0x3FB6] =	sst s10  }
0x38: {  	s10 =	sld [smem:$0x3FB7]  }
0x39: {  	_ = 	snop;
	(pc) =	sbr.ind lr, $3  }
0x3a: {  	_ = 	snop  }
0x3b: {  	_ = 	snop  }
0x3c: {  	p2 =	seq.s32 s10, $0x1;
	s10 =	sld [smem:$0x3FB6]  }
0x3d: {  	_ =	shalt  }
0x3e: {  	_ =	shalt  }
0x3f: {  	_ =	shalt  }
0x40: {  	_ =	shalt  }
0x41: {  	_ =	shalt  }
0x42: {  	_ =	shalt  }
0x43: {  	_ =	shalt  }
0x44: {  	_ =	shalt  }
0x45: {  	_ =	shalt  }
0x46: {  	_ =	shalt  }
0x47: {  	_ =	shalt  }
0x48: {  	_ =	shalt  }
0x49: {  	_ =	shalt  }
0x4a: {  	_ =	shalt  }
0x4b: {  	_ =	shalt  }
0x4c: {  	_ =	shalt  }
0x4d: {  	_ =	shalt  }
0x4e: {  	_ =	shalt  }
0x4f: {  	_ =	shalt  }
0x50: {  	_ =	shalt  }
0x51: {  	_ =	shalt  }
0x52: {  	_ =	shalt  }
0x53: {  	_ =	shalt  }
0x54: {  	_ =	shalt  }
0x55: {  	_ =	shalt  }
0x56: {  	_ =	shalt  }
0x57: {  	_ =	shalt  }
0x58: {  	_ =	shalt  }
0x59: {  	_ =	shalt  }
0x5a: {  	_ =	shalt  }
0x5b: {  	_ =	shalt  }
0x5c: {  	_ =	shalt  }
0x5d: {  	_ =	shalt  }
0x5e: {  	_ =	shalt  }
0x5f: {  	_ =	shalt  }
0x60: {  	_ =	shalt  }
0x61: {  	_ =	shalt  }
0x62: {  	_ =	shalt  }
0x63: {  	_ =	shalt  }
0x64: {  	_ =	shalt  }
0x65: {  	_ =	shalt  }
0x66: {  	_ =	shalt  }
0x67: {  	_ =	shalt  }
0x68: {  	_ =	shalt  }
0x69: {  	_ =	shalt  }
0x6a: {  	_ =	shalt  }
0x6b: {  	_ =	shalt  }
0x6c: {  	_ =	shalt  }
0x6d: {  	_ =	shalt  }
0x6e: {  	_ =	shalt  }
0x6f: {  	_ =	shalt  }
0x70: {  	_ =	shalt  }
0x71: {  	_ =	shalt  }
0x72: {  	_ =	shalt  }
0x73: {  	_ =	shalt  }
0x74: {  	_ =	shalt  }
0x75: {  	_ =	shalt  }
0x76: {  	_ =	shalt  }
0x77: {  	_ =	shalt  }
0x78: {  	_ =	shalt  }
0x79: {  	_ =	shalt  }
0x7a: {  	_ =	shalt  }
0x7b: {  	_ =	shalt  }
0x7c: {  	_ =	shalt  }
0x7d: {  	_ =	shalt  }
0x7e: {  	_ =	shalt  }
0x7f: {  	_ =	shalt  }
0x80: {  	_ =	shalt  }
0x81: {  	_ =	shalt  }
0x82: {  	_ =	shalt  }
0x83: {  	_ =	shalt  }
0x84: {  	_ =	shalt  }
0x85: {  	_ =	shalt  }
0x86: {  	_ =	shalt  }
0x87: {  	_ =	shalt  }
.Lfunc_end0:
.L_simem_size_0:
called_computation.1_lowered:
.L_overlay_start_0:
0x88: {  	s2 =	sld [smem:$0x3FD9]  }
0x89: {  	s3 =	sld [smem:$0x3FFE];
	_ =	sdelay $0x1  }
0x8a: {  	s1 =	srdreg.scid  }
0x8b: {  	s0 =	sand.u32 $0x1, s1  }
0x8c: {  	s14 =	sshll.u32 s0, $0xA;
	s2 =	sadd.s32 s3, s2  }
0x8d: {  	s2 =	sadd.s32 s2, s14  }
0x8e: {  	[smem:$0x3FC2] =	sst s2  }
0x8f: {  	_ = 	snop  }
0x90: {  	s2 =	sld [smem:$0x3FD0];
	_ =	sdelay $0x2  }
0x91: {  	s15 =	simm.s32 $0xA;
	s4 =	simm.s32 $0x10  }
0x92: {  	[smem:s4], [sflag:s15] =	dma.local [hbm:s2], $0x1  }
0x93: {  	_ =	swait.eq [sflag:s15], $0x1  }
0x94: {  	[sflag:s15] =	ssyncset.done $0x0  }
0x95: {  	[sflag:s15] =	ssyncadd.s32 $0xFFFFFFFF  }
0x96: {  	s16 =	sld [smem:$0x11];
	(tm) =	ssettm $0x1  }
0x97: {  	s17 =	sld [smem:$0x3FFB];
	_ =	sdelay $0x3  }
0x98: {  	_ =	strace s17  }
0x99: {  	s3 =	sld [smem:$0x3FFC];
	_ =	sdelay $0x3  }
0x9a: {  	_ =	strace s3  }
0x9b: {  	s3 =	sld [smem:$0x3FFD];
	_ =	sdelay $0x3  }
0x9c: {  	_ =	strace s3  }
0x9d: {  	_ =	strace $0x8FFFFFFF  }
0x9e: {  	s18 =	sld [smem:$0x3FDB];
	_ =	sdelay $0x1  }
0x9f: {  	s19 =	simm.s32 $_scs_section_size  }
0xa0: {  	s5 =	simm.s32 $_size__tile_overlayer_lowered;
	s6 =	simm.s32 $_tile_overlayer_lowered  }
0xa1: {  	s22 =	simm.s32 $0x1BFF;
	s21 =	sshll.u32 s6, $0x1;
	s3 =	sadd.s32 s19, s18  }
0xa2: {  	s7 =	simm.s32 $0x0;
	s20 =	sshll.u32 s5, $0x1;
	s5 =	sadd.s32 s21, s3  }
0xa3: {  	[timem:s7], [sflag:s22] =	dma.local [hbm:s5], s20  }
0xa4: {  	_ =	swait.ge [sflag:s22], s20  }
0xa5: {  	s4 =	ssub.s32 $0x0, s20;
	[sflag:s22] =	ssyncset.done $0x0  }
0xa6: {  	[sflag:s22] =	ssyncadd.s32 s4;
	_ =	sdelay $0x1  }
0xa7: {  	s23 =	simm.s32 $0x1B8B  }
0xa8: {  	_ =	swait.ge [sflag:s23], $0x1  }
0xa9: {  	[sflag:s23] =	ssyncset.done $0x0  }
0xaa: {  	s25 =	simm.s32 $0x1B8E;
	s24 =	sld [smem:$0x3FFE];
	[sflag:s23] =	ssyncadd.s32 $0xFFFFFFFF  }
0xab: {  	s26 =	simm.s32 $execute0_lowered;
	[smem:$0x3FD2] =	sst s25  }
0xac: {  	s5 =	sshll.u32 s26, $0x1;
	_ =	strace $0x80000049;
	[dreg:$0x1] =	wrdreg $0xFFFFFFFF  }
0xad: {  	s28 =	simm.s32 $_size_execute0_lowered;
	s3 =	sadd.s32 s3, s5;
	[dreg:$0x0] =	wrdreg $0x0  }
0xae: {  	s5 =	sshll.u32 s28, $0x1;
	[dreg:$0x2] =	wrdreg s3  }
0xaf: {  	[dreg:$0x3] =	wrdreg s5  }
0xb0: {  	[dreg:$0x4] =	wrdreg $0xC0  }
0xb1: {  	_ =	task [dreg:s7], $0x5FFFF  }
0xb2: {  	[dreg:$0x1] =	wrdreg $0xFFFFFFFF  }
0xb3: {  	[dreg:$0x0] =	wrdreg $0x60  }
0xb4: {  	[dreg:$0x2] =	wrdreg s24  }
0xb5: {  	[dreg:$0x3] =	wrdreg s16  }
0xb6: {  	[dreg:$0x4] =	wrdreg $0x9  }
0xb7: {  	_ =	task.clear_ibuf [dreg:s7], $0x5FFFF;
	_ =	strace $0x90000049  }
0xb8: {  	s29 =	simm.s32 $0x9;
	_ =	strace $0x8000004B  }
0xb9: {  	_ =	swait.ge [sflag:s29], $0x1  }
0xba: {  	[sflag:s29] =	ssyncadd.s32 $0xFFFFFFFF  }
0xbb: {  	_ =	strace $0x9000004B  }
0xbc: {  	_ =	sfence  }
0xbd: {  	s30 =	sld [smem:$0x0];
	_ =	sdelay $0x2  }
0xbe: {  	s31 =	sshll.u32 s1, $0xD;
	s1 =	sshrl.u32 s1, $0x2  }
0xbf: {  	s3 =	sand.u32 $0x4000, s31;
	s1 =	sadd.s32 s1, s30  }
0xc0: {  	s0 =	sor.u32 s3, s0;
	s1 =	sshll.u32 s1, $0x11  }
0xc1: {  	s0 =	sor.u32 s1, s0  }
0xc2: {  	s0 =	sadd.s32 $0x8F2B, s0  }
0xc3: {  	[sflag:s0] =	ssyncadd.remote.s32 $0x1  }
0xc4: {  	_ =	sfence.sel $0xFFFF  }
0xc5: {  	[dreg:$0x0] =	wrdreg $0xFFFFFFFF;
	(pc) =	sbr.abs _section_cstart, $3  }
0xc6: {  	[dreg:$0x1] =	wrdreg $0xFFFFFFFF  }
0xc7: {  	_ =	task.clear_ibuf [dreg:s7], $0x2FFFF;
	_ =	strace $0x9FFFFFFF  }
0xc8: {  	(tm) =	ssettm $0x7FFFFFFF  }
0xc9: {  	_ =	shalt  }
tec
execute0_lowered:
.L_overlay_start_1:
0x0: {  	(tag) =	ssettag $0x1  }
0x1: {  	s5 =	rddreg [dreg:$0x0]  }
0x2: {  	s7 =	rddreg [dreg:$0x1]  }
0x3: {  	s0 =	rddreg [dreg:$0x2];
	s2 =	simm.s32 $0x0;
	s3 =	srdreg.scid  }
0x4: {  	s1 =	stileid.u32;
	s10 =	simm.s32 $0x3;
	s11 =	simm.s32 $0x80  }
0x5: {  	s12 =	simm.s32 $0x400;
	s13 =	simm.s32 $0x1;
	s14 =	simm.s32 $0x800  }
0x6: {  	s15 =	simm.s32 $0x1000;
	s16 =	simm.s32 $0x19100;
	s17 =	simm.s32 $0x2  }
0x7: {  	s18 =	simm.s32 $0x0;
	[smem:$0x7FF] =	sst s2;
	s4 =	sand.u32 $0x1, s3  }
0x8: {  	s6 =	sshll.u32 s1, $0x8;
	s3 =	sadd.s32 $0x281800, s5;
	s8 =	sshll.u32 s4, $0x7  }
0x9: {  	s5 =	sadd.s32 $0x1600, s5;
	s9 =	ssub.s32 $0x2, s4;
	s4 =	sor.u32 s8, s6  }
0xa: {  	_ =	strace $0x8000004A;
	s30 =	sshrl.u32 s9, $0x1;
	s8 =	sshll.u32 s4, $0x8  }
0xb: {  	v1 =	vlaneseq.u32;
	s9 =	ssub.s32 s9, s30;
	s31 =	sshrl.u32 s4, $0x3;
	s6 =	sadd.s32 s3, s8  }
0xc: {  	v0 =	vimm.s32 $0x0;
	v2 =	vimm.s32 $0x1;
	v1 =	vor.u32 $0x10000, v1;
	s7 =	sadd.s32 s7, s31;
	s8 =	smax.u32 s9, $0x1;
	s9 =	simm.s32 $0x19080  }
.LBB2_1:
0xd: {  	[tilespmem:s9], [sflag:$0x3] =	stream.linear.gather [hbm4b:s5+s2], $0x80, $0x38;
	[tilespmem:$0x19180] =	vst v63  }
0xe: {  	_ =	swait.ge [sflag:s10], $0x80  }
0xf: {  	[sflag:s10] =	ssyncset.done $0x0  }
0x10: {  	[sflag:s10] =	ssyncadd.s32 $0xFFFFFF80  }
0x11: {  	s19 =	simm.s32 $0x0;
	s20 =	simm.s32 $0x200;
	v3 =	vld [tilespmem:$0x19080]  }
.LBB2_2:
0x12: {  	p0 =	sne.s32 s20, $0x60000;
	[tilespmem:s19+$0x1070] =	vst v0  }
0x13: {  	[tilespmem:s19+$0x1000] =	vst v0  }
0x14: {  	[tilespmem:s19+$0x1010] =	vst v0  }
.Ltmp0:
0x15: {  	[tilespmem:s19+$0x1020] =	vst v0;
	(pc) =	sbr.rel @p0 .LBB2_2-.Ltmp0, $4  }
0x16: {  	[tilespmem:s19+$0x1030] =	vst v0  }
0x17: {  	[tilespmem:s19+$0x1040] =	vst v0  }
0x18: {  	[tilespmem:s19+$0x1050] =	vst v0  }
0x19: {  	[tilespmem:s19+$0x1060] =	vst v0;
	s19 =	sshra.s32 s20, $0x2;
	s20 =	sadd.s32 $0x200, s20  }
0x1a: {  	(v2sf) =	vpush v3, $0x0;
	_ =	sdelay $0x5  }
0x1b: {  	[tilespmem:s19+$0x1070] =	vst v0  }
0x1c: {  	[tilespmem:s19+$0x1000] =	vst v0  }
0x1d: {  	[tilespmem:s19+$0x1010] =	vst v0  }
0x1e: {  	[tilespmem:s19+$0x1020] =	vst v0  }
0x1f: {  	[tilespmem:s19+$0x1030] =	vst v0  }
0x20: {  	[tilespmem:s19+$0x1040] =	vst v0  }
0x21: {  	[tilespmem:s19+$0x1050] =	vst v0  }
0x22: {  	[tilespmem:s19+$0x1060] =	vst v0;
	s19 =	simm.s32 $0x0  }
0x23: {  	[tilespmem:s19], [sflag:$0x1] =	stream.strided.gather [hbm4b:s6+s11], $0x800, s12, s11, $0x38;
	[tilespmem:$0x19180] =	vst v63  }
0x24: {  	s20 =	spop (v2sf)  }
0x25: {  	p0 =	slt.s32 s20, $0x1  }
.LBB2_4:
0x26: {  	s22 =	sshll.u32 s19, $0x1;
	s21 =	sshllo.u32 s19, $0x1  }
0x27: {  	s23 =	sadd.s32 s4, s22;
	s24 =	sshll.u32 s21, $0x4  }
0x28: {  	_ =	swait.ge [sflag:s13], $0x800;
	s23 =	sshll.u32 s23, $0x8;
	s24 =	sand.u32 $0x70, s24  }
0x29: {  	[sflag:s13] =	ssyncset.done $0x0;
	s23 =	sand.u32 $0xFF800, s23;
	s24 =	sadd.s32 s3, s24  }
0x2a: {  	[sflag:s13] =	ssyncadd.s32 $0xFFFFF800;
	s23 =	sadd.s32 s23, s24  }
0x2b: {  	[tilespmem:s14], [sflag:$0x2] =	stream.strided.gather [hbm4b:s23+s11], $0x800, s12, s11, $0x38;
	[tilespmem:$0x19180] =	vst v63  }
0x2c: {  	s23 =	simm.s32 $0x0;
	v3 =	vld [tilespmem:$0x0]  }
.LBB2_5:
0x2d: {  	s24 =	sshra.s32 s23, $0x2  }
0x2e: {  	v4 =	vld [tilespmem:s24+$0x0];
	_ =	sdelay $0x4  }
0x2f: {  	v5 =	vtrunc.f32 v4  }
0x30: {  	v5 =	vcvt.f32.s32 v5;
	_ =	sdelay $0x1  }
0x31: {  	v5 =	vshll.u32 v5, $0x4  }
0x32: {  	v5 =	vadd.s32 v1, v5;
	_ =	sdelay $0x4  }
0x33: {  	[tilespmem:v5+s15+$0x0] =	vst.idx.add.s32.msk $0xffff, v2  }
0x34: {  	v5 =	vld [tilespmem:s24+$0x10];
	_ =	sdelay $0x4  }
0x35: {  	v6 =	vtrunc.f32 v5  }
0x36: {  	v6 =	vcvt.f32.s32 v6;
	_ =	sdelay $0x1  }
0x37: {  	v6 =	vshll.u32 v6, $0x4  }
0x38: {  	v6 =	vadd.s32 v1, v6;
	_ =	sdelay $0x4  }
0x39: {  	[tilespmem:v6+s15+$0x0] =	vst.idx.add.s32.msk $0xffff, v2  }
0x3a: {  	v6 =	vld [tilespmem:s24+$0x20];
	_ =	sdelay $0x4  }
0x3b: {  	v7 =	vtrunc.f32 v6  }
0x3c: {  	v7 =	vcvt.f32.s32 v7;
	_ =	sdelay $0x1  }
0x3d: {  	v7 =	vshll.u32 v7, $0x4  }
0x3e: {  	v7 =	vadd.s32 v1, v7;
	_ =	sdelay $0x4  }
0x3f: {  	[tilespmem:v7+s15+$0x0] =	vst.idx.add.s32.msk $0xffff, v2  }
0x40: {  	v7 =	vld [tilespmem:s24+$0x30];
	_ =	sdelay $0x4  }
0x41: {  	v8 =	vtrunc.f32 v7  }
0x42: {  	v8 =	vcvt.f32.s32 v8;
	_ =	sdelay $0x1  }
0x43: {  	v8 =	vshll.u32 v8, $0x4  }
0x44: {  	v8 =	vadd.s32 v1, v8;
	_ =	sdelay $0x4  }
0x45: {  	[tilespmem:v8+s15+$0x0] =	vst.idx.add.s32.msk $0xffff, v2  }
0x46: {  	v8 =	vld [tilespmem:s24+$0x40];
	_ =	sdelay $0x4  }
0x47: {  	v9 =	vtrunc.f32 v8  }
0x48: {  	v9 =	vcvt.f32.s32 v9;
	_ =	sdelay $0x1  }
0x49: {  	v9 =	vshll.u32 v9, $0x4  }
0x4a: {  	v9 =	vadd.s32 v1, v9;
	_ =	sdelay $0x4  }
0x4b: {  	[tilespmem:v9+s15+$0x0] =	vst.idx.add.s32.msk $0xffff, v2  }
0x4c: {  	v9 =	vld [tilespmem:s24+$0x50];
	_ =	sdelay $0x4  }
0x4d: {  	v10 =	vtrunc.f32 v9  }
0x4e: {  	v10 =	vcvt.f32.s32 v10;
	_ =	sdelay $0x1  }
0x4f: {  	v10 =	vshll.u32 v10, $0x4  }
0x50: {  	v10 =	vadd.s32 v1, v10;
	_ =	sdelay $0x4  }
0x51: {  	[tilespmem:v10+s15+$0x0] =	vst.idx.add.s32.msk $0xffff, v2  }
0x52: {  	v10 =	vld [tilespmem:s24+$0x60];
	_ =	sdelay $0x4  }
0x53: {  	v11 =	vtrunc.f32 v10  }
0x54: {  	v11 =	vcvt.f32.s32 v11;
	_ =	sdelay $0x1  }
0x55: {  	v11 =	vshll.u32 v11, $0x4  }
0x56: {  	v11 =	vadd.s32 v1, v11;
	_ =	sdelay $0x4  }
0x57: {  	[tilespmem:v11+s15+$0x0] =	vst.idx.add.s32.msk $0xffff, v2  }
0x58: {  	v11 =	vld [tilespmem:s24+$0x70];
	_ =	sdelay $0x4  }
0x59: {  	v12 =	vtrunc.f32 v11  }
0x5a: {  	v12 =	vcvt.f32.s32 v12  }
0x5b: {  	v3 =	vmax.f32 v3, v4  }
0x5c: {  	v3 =	vmax.f32 v3, v5;
	v4 =	vshll.u32 v12, $0x4  }
0x5d: {  	p1 =	sne.s32 s23, $0x1E00;
	v3 =	vmax.f32 v3, v6;
	v4 =	vadd.s32 v1, v4  }
.Ltmp1:
0x5e: {  	v3 =	vmax.f32 v3, v7;
	(pc) =	sbr.rel @p1 .LBB2_5-.Ltmp1, $4  }
0x5f: {  	v3 =	vmax.f32 v3, v8  }
0x60: {  	v3 =	vmax.f32 v3, v9  }
0x61: {  	v3 =	vmax.f32 v3, v10  }
0x62: {  	s23 =	sadd.s32 $0x200, s23;
	v3 =	vmax.f32 v3, v11;
	[tilespmem:v4+s15+$0x0] =	vst.idx.add.s32.msk $0xffff, v2  }
0x63: {  	(xrf1) =	vsort.dscd.msk.f32 $0xffff, v3, v3;
	_ =	sdelay $0xd  }
0x64: {  	v3, _, _ =	vpop (xrf1)  }
0x65: {  	(v2sf) =	vpush v3, $0x0;
	_ =	sdelay $0xd  }
.Ltmp2:
0x66: {  	_ = 	snop;
	(pc) =	sbr.rel @p0 .LBB2_7-.Ltmp2, $3  }
0x67: {  	s23 =	spop (v2sf)  }
0x68: {  	s25 =	scvt.f32.s32 s23;
	_ =	sdelay $0x1  }
0x69: {  	s23 =	simm.s32 $0x0;
	s24 =	sadd.s32 $0x1000, s25  }
0x6a: {  	s25 =	sshll.u32 s25, $0x6  }
0x6b: {  	s25 =	sshra.s32 s25, $0x2  }
0x6c: {  	s26 =	sadd.s32 $0x11000, s25;
	s25 =	simm.s32 $0x0  }
.LBB2_9:
0x6d: {  	v3 =	vld [tilespmem:s26+$0x0];
	_ =	sdelay $0x4  }
0x6e: {  	(xrf0) =	vadd.scan.msk.s32 $0xffff, v3;
	_ =	sdelay $0x5  }
0x6f: {  	v3, _, _ =	vpop (xrf0)  }
0x70: {  	(v2sf) =	vpush v3, $0xF;
	_ =	sdelay $0xe  }
0x71: {  	s28 =	spop (v2sf)  }
0x72: {  	s25 =	sadd.s32 s25, s28  }
0x73: {  	p1 =	slt.s32 s25, s20  }
.Ltmp3:
0x74: {  	_ = 	snop;
	(pc) =	sbr.rel @p1 .LBB2_9-.Ltmp3, $2  }
0x75: {  	_ =	sdelay $0x2  }
0x76: {  	s24 =	sadd.s32 $0xFFFFFFFF, s24;
	s26 =	sadd.s32 $0xFFFFFFF0, s26  }
.Ltmp4:
0x77: {  	_ = 	snop;
	(pc) =	sbr.rel .LBB2_10-.Ltmp4, $1  }
0x78: {  	_ =	sdelay $0x3  }
.LBB2_7:
0x79: {  	s25 =	simm.s32 $0x0  }
.LBB2_10:
0x7a: {  	s26 =	sshll.u32 s24, $0x6  }
0x7b: {  	s26 =	sshra.s32 s26, $0x2  }
0x7c: {  	v3 =	vld [tilespmem:s26+$0x1010];
	_ =	sdelay $0x4  }
0x7d: {  	(xrf0) =	vadd.scan.msk.s32 $0xffff, v3;
	_ =	sdelay $0x5  }
0x7e: {  	v3, _, _ =	vpop (xrf0)  }
0x7f: {  	(v2sf) =	vpush v3, $0xF;
	_ =	sdelay $0xd  }
0x80: {  	s30 =	sadd.s32 $0xFFFFF001, s24;
	v3 =	vmov s22  }
0x81: {  	s24 =	scvt.s32.f32 s30;
	v3 =	vand.u32 $0xFFFFFFFE, v3;
	s31 =	spop (v2sf)  }
0x82: {  	v3 =	vbroadcast v3, $0x0;
	s25 =	ssub.s32 s25, s31  }
0x83: {  	s24 =	smul.f32 $2.048000000e+03, s24;
	s25 =	scvt.s32.f32 s25  }
0x84: {  	_ = 	snop  }
0x85: {  	s24 =	sadd.f32 s25, s24;
	_ =	sdelay $0x1  }
0x86: {  	v4 =	vmov s24  }
0x87: {  	[tilespmem:v3+s16+$0x0] =	vst.idx.msk $0x1, v4  }
.LBB2_11:
0x88: {  	s24 =	sshra.s32 s23, $0x2  }
0x89: {  	v3 =	vld [tilespmem:s24+$0x0];
	_ =	sdelay $0x4  }
0x8a: {  	v3 =	vtrunc.f32 v3  }
0x8b: {  	v3 =	vcvt.f32.s32 v3;
	_ =	sdelay $0x1  }
0x8c: {  	v3 =	vshll.u32 v3, $0x4  }
0x8d: {  	v3 =	vadd.s32 v1, v3;
	_ =	sdelay $0x4  }
0x8e: {  	[tilespmem:v3+s15+$0x0] =	vst.idx.msk $0xffff, v0  }
0x8f: {  	v3 =	vld [tilespmem:s24+$0x10];
	_ =	sdelay $0x4  }
0x90: {  	v3 =	vtrunc.f32 v3  }
0x91: {  	v3 =	vcvt.f32.s32 v3;
	_ =	sdelay $0x1  }
0x92: {  	v3 =	vshll.u32 v3, $0x4  }
0x93: {  	v3 =	vadd.s32 v1, v3;
	_ =	sdelay $0x4  }
0x94: {  	[tilespmem:v3+s15+$0x0] =	vst.idx.msk $0xffff, v0  }
0x95: {  	v3 =	vld [tilespmem:s24+$0x20];
	_ =	sdelay $0x4  }
0x96: {  	v3 =	vtrunc.f32 v3  }
0x97: {  	v3 =	vcvt.f32.s32 v3;
	_ =	sdelay $0x1  }
0x98: {  	v3 =	vshll.u32 v3, $0x4  }
0x99: {  	v3 =	vadd.s32 v1, v3;
	_ =	sdelay $0x4  }
0x9a: {  	[tilespmem:v3+s15+$0x0] =	vst.idx.msk $0xffff, v0  }
0x9b: {  	v3 =	vld [tilespmem:s24+$0x30];
	_ =	sdelay $0x4  }
0x9c: {  	v3 =	vtrunc.f32 v3  }
0x9d: {  	v3 =	vcvt.f32.s32 v3;
	_ =	sdelay $0x1  }
0x9e: {  	v3 =	vshll.u32 v3, $0x4  }
0x9f: {  	v3 =	vadd.s32 v1, v3;
	_ =	sdelay $0x4  }
0xa0: {  	[tilespmem:v3+s15+$0x0] =	vst.idx.msk $0xffff, v0  }
0xa1: {  	v3 =	vld [tilespmem:s24+$0x40];
	_ =	sdelay $0x4  }
0xa2: {  	v3 =	vtrunc.f32 v3  }
0xa3: {  	v3 =	vcvt.f32.s32 v3;
	_ =	sdelay $0x1  }
0xa4: {  	v3 =	vshll.u32 v3, $0x4  }
0xa5: {  	v3 =	vadd.s32 v1, v3;
	_ =	sdelay $0x4  }
0xa6: {  	[tilespmem:v3+s15+$0x0] =	vst.idx.msk $0xffff, v0  }
0xa7: {  	v3 =	vld [tilespmem:s24+$0x50];
	_ =	sdelay $0x4  }
0xa8: {  	v3 =	vtrunc.f32 v3  }
0xa9: {  	v3 =	vcvt.f32.s32 v3;
	_ =	sdelay $0x1  }
0xaa: {  	v3 =	vshll.u32 v3, $0x4  }
0xab: {  	v3 =	vadd.s32 v1, v3;
	_ =	sdelay $0x4  }
0xac: {  	[tilespmem:v3+s15+$0x0] =	vst.idx.msk $0xffff, v0  }
0xad: {  	v3 =	vld [tilespmem:s24+$0x60];
	_ =	sdelay $0x4  }
0xae: {  	v3 =	vtrunc.f32 v3  }
0xaf: {  	v3 =	vcvt.f32.s32 v3;
	_ =	sdelay $0x1  }
0xb0: {  	v3 =	vshll.u32 v3, $0x4  }
0xb1: {  	v3 =	vadd.s32 v1, v3;
	_ =	sdelay $0x4  }
0xb2: {  	[tilespmem:v3+s15+$0x0] =	vst.idx.msk $0xffff, v0  }
0xb3: {  	v3 =	vld [tilespmem:s24+$0x70];
	_ =	sdelay $0x4  }
0xb4: {  	v3 =	vtrunc.f32 v3  }
0xb5: {  	v3 =	vcvt.f32.s32 v3;
	_ =	sdelay $0x1  }
0xb6: {  	v3 =	vshll.u32 v3, $0x4  }
0xb7: {  	p1 =	sne.s32 s23, $0x1E00;
	v3 =	vadd.s32 v1, v3  }
.Ltmp5:
0xb8: {  	_ = 	snop;
	(pc) =	sbr.rel @p1 .LBB2_11-.Ltmp5, $2  }
0xb9: {  	_ =	sdelay $0x2  }
0xba: {  	s23 =	sadd.s32 $0x200, s23;
	[tilespmem:v3+s15+$0x0] =	vst.idx.msk $0xffff, v0  }
0xbb: {  	s22 =	smin.u32 s22, $0x7D  }
0xbc: {  	s22 =	sadd.s32 $0x2, s22  }
0xbd: {  	s23 =	sadd.s32 s4, s22;
	s22 =	sshll.u32 s22, $0x4  }
0xbe: {  	_ =	swait.ge [sflag:s17], $0x800;
	s23 =	sshll.u32 s23, $0x8;
	s22 =	sand.u32 $0x70, s22  }
0xbf: {  	[sflag:s17] =	ssyncset.done $0x0;
	s23 =	sand.u32 $0x1FF800, s23;
	s22 =	sadd.s32 s3, s22  }
0xc0: {  	[sflag:s17] =	ssyncadd.s32 $0xFFFFF800;
	s23 =	sadd.s32 s23, s22;
	s22 =	simm.s32 $0x0  }
0xc1: {  	[tilespmem:s22], [sflag:$0x1] =	stream.strided.gather [hbm4b:s23+s11], $0x800, s12, s11, $0x38;
	[tilespmem:$0x19180] =	vst v63  }
0xc2: {  	v3 =	vld [tilespmem:$0x800]  }
.LBB2_13:
0xc3: {  	s23 =	sshra.s32 s22, $0x2  }
0xc4: {  	v4 =	vld [tilespmem:s23+$0x800];
	_ =	sdelay $0x4  }
0xc5: {  	v5 =	vtrunc.f32 v4  }
0xc6: {  	v5 =	vcvt.f32.s32 v5;
	_ =	sdelay $0x1  }
0xc7: {  	v5 =	vshll.u32 v5, $0x4  }
0xc8: {  	v5 =	vadd.s32 v1, v5;
	_ =	sdelay $0x4  }
0xc9: {  	[tilespmem:v5+s15+$0x0] =	vst.idx.add.s32.msk $0xffff, v2  }
0xca: {  	v5 =	vld [tilespmem:s23+$0x810];
	_ =	sdelay $0x4  }
0xcb: {  	v6 =	vtrunc.f32 v5  }
0xcc: {  	v6 =	vcvt.f32.s32 v6;
	_ =	sdelay $0x1  }
0xcd: {  	v6 =	vshll.u32 v6, $0x4  }
0xce: {  	v6 =	vadd.s32 v1, v6;
	_ =	sdelay $0x4  }
0xcf: {  	[tilespmem:v6+s15+$0x0] =	vst.idx.add.s32.msk $0xffff, v2  }
0xd0: {  	v6 =	vld [tilespmem:s23+$0x820];
	_ =	sdelay $0x4  }
0xd1: {  	v7 =	vtrunc.f32 v6  }
0xd2: {  	v7 =	vcvt.f32.s32 v7;
	_ =	sdelay $0x1  }
0xd3: {  	v7 =	vshll.u32 v7, $0x4  }
0xd4: {  	v7 =	vadd.s32 v1, v7;
	_ =	sdelay $0x4  }
0xd5: {  	[tilespmem:v7+s15+$0x0] =	vst.idx.add.s32.msk $0xffff, v2  }
0xd6: {  	v7 =	vld [tilespmem:s23+$0x830];
	_ =	sdelay $0x4  }
0xd7: {  	v8 =	vtrunc.f32 v7  }
0xd8: {  	v8 =	vcvt.f32.s32 v8;
	_ =	sdelay $0x1  }
0xd9: {  	v8 =	vshll.u32 v8, $0x4  }
0xda: {  	v8 =	vadd.s32 v1, v8;
	_ =	sdelay $0x4  }
0xdb: {  	[tilespmem:v8+s15+$0x0] =	vst.idx.add.s32.msk $0xffff, v2  }
0xdc: {  	v8 =	vld [tilespmem:s23+$0x840];
	_ =	sdelay $0x4  }
0xdd: {  	v9 =	vtrunc.f32 v8  }
0xde: {  	v9 =	vcvt.f32.s32 v9;
	_ =	sdelay $0x1  }
0xdf: {  	v9 =	vshll.u32 v9, $0x4  }
0xe0: {  	v9 =	vadd.s32 v1, v9;
	_ =	sdelay $0x4  }
0xe1: {  	[tilespmem:v9+s15+$0x0] =	vst.idx.add.s32.msk $0xffff, v2  }
0xe2: {  	v9 =	vld [tilespmem:s23+$0x850];
	_ =	sdelay $0x4  }
0xe3: {  	v10 =	vtrunc.f32 v9  }
0xe4: {  	v10 =	vcvt.f32.s32 v10;
	_ =	sdelay $0x1  }
0xe5: {  	v10 =	vshll.u32 v10, $0x4  }
0xe6: {  	v10 =	vadd.s32 v1, v10;
	_ =	sdelay $0x4  }
0xe7: {  	[tilespmem:v10+s15+$0x0] =	vst.idx.add.s32.msk $0xffff, v2  }
0xe8: {  	v10 =	vld [tilespmem:s23+$0x860];
	_ =	sdelay $0x4  }
0xe9: {  	v11 =	vtrunc.f32 v10  }
0xea: {  	v11 =	vcvt.f32.s32 v11;
	_ =	sdelay $0x1  }
0xeb: {  	v11 =	vshll.u32 v11, $0x4  }
0xec: {  	v11 =	vadd.s32 v1, v11;
	_ =	sdelay $0x4  }
0xed: {  	[tilespmem:v11+s15+$0x0] =	vst.idx.add.s32.msk $0xffff, v2  }
0xee: {  	v11 =	vld [tilespmem:s23+$0x870];
	_ =	sdelay $0x4  }
0xef: {  	v12 =	vtrunc.f32 v11  }
0xf0: {  	v12 =	vcvt.f32.s32 v12  }
0xf1: {  	v3 =	vmax.f32 v3, v4  }
0xf2: {  	v3 =	vmax.f32 v3, v5;
	v4 =	vshll.u32 v12, $0x4  }
0xf3: {  	p1 =	sne.s32 s22, $0x1E00;
	v3 =	vmax.f32 v3, v6;
	v4 =	vadd.s32 v1, v4  }
.Ltmp6:
0xf4: {  	v3 =	vmax.f32 v3, v7;
	(pc) =	sbr.rel @p1 .LBB2_13-.Ltmp6, $4  }
0xf5: {  	v3 =	vmax.f32 v3, v8  }
0xf6: {  	v3 =	vmax.f32 v3, v9  }
0xf7: {  	v3 =	vmax.f32 v3, v10  }
0xf8: {  	s22 =	sadd.s32 $0x200, s22;
	v3 =	vmax.f32 v3, v11;
	[tilespmem:v4+s15+$0x0] =	vst.idx.add.s32.msk $0xffff, v2  }
0xf9: {  	(xrf1) =	vsort.dscd.msk.f32 $0xffff, v3, v3;
	_ =	sdelay $0xd  }
0xfa: {  	v3, _, _ =	vpop (xrf1)  }
0xfb: {  	(v2sf) =	vpush v3, $0x0;
	_ =	sdelay $0xd  }
.Ltmp7:
0xfc: {  	_ = 	snop;
	(pc) =	sbr.rel @p0 .LBB2_15-.Ltmp7, $3  }
0xfd: {  	s22 =	spop (v2sf)  }
0xfe: {  	s24 =	scvt.f32.s32 s22;
	_ =	sdelay $0x1  }
0xff: {  	s22 =	simm.s32 $0x0;
	s23 =	sadd.s32 $0x1000, s24  }
0x100: {  	s24 =	sshll.u32 s24, $0x6  }
0x101: {  	s24 =	sshra.s32 s24, $0x2  }
0x102: {  	s25 =	sadd.s32 $0x11000, s24;
	s24 =	simm.s32 $0x0  }
.LBB2_17:
0x103: {  	v3 =	vld [tilespmem:s25+$0x0];
	_ =	sdelay $0x4  }
0x104: {  	(xrf0) =	vadd.scan.msk.s32 $0xffff, v3;
	_ =	sdelay $0x5  }
0x105: {  	v3, _, _ =	vpop (xrf0)  }
0x106: {  	(v2sf) =	vpush v3, $0xF;
	_ =	sdelay $0xe  }
0x107: {  	s26 =	spop (v2sf)  }
0x108: {  	s24 =	sadd.s32 s24, s26  }
0x109: {  	p1 =	slt.s32 s24, s20  }
.Ltmp8:
0x10a: {  	_ = 	snop;
	(pc) =	sbr.rel @p1 .LBB2_17-.Ltmp8, $2  }
0x10b: {  	_ =	sdelay $0x2  }
0x10c: {  	s23 =	sadd.s32 $0xFFFFFFFF, s23;
	s25 =	sadd.s32 $0xFFFFFFF0, s25  }
.Ltmp9:
0x10d: {  	_ = 	snop;
	(pc) =	sbr.rel .LBB2_18-.Ltmp9, $1  }
0x10e: {  	_ =	sdelay $0x3  }
.LBB2_15:
0x10f: {  	s24 =	simm.s32 $0x0  }
.LBB2_18:
0x110: {  	s25 =	sshll.u32 s23, $0x6  }
0x111: {  	s25 =	sshra.s32 s25, $0x2  }
0x112: {  	v3 =	vld [tilespmem:s25+$0x1010];
	_ =	sdelay $0x4  }
0x113: {  	(xrf0) =	vadd.scan.msk.s32 $0xffff, v3;
	_ =	sdelay $0x5  }
0x114: {  	v3, _, _ =	vpop (xrf0)  }
0x115: {  	(v2sf) =	vpush v3, $0xF;
	_ =	sdelay $0xd  }
0x116: {  	s29 =	sadd.s32 $0xFFFFF001, s23  }
0x117: {  	s23 =	scvt.s32.f32 s29;
	s30 =	spop (v2sf)  }
0x118: {  	s24 =	ssub.s32 s24, s30  }
0x119: {  	s23 =	smul.f32 $2.048000000e+03, s23;
	v3 =	vmov s21;
	s24 =	scvt.s32.f32 s24  }
0x11a: {  	_ = 	snop  }
0x11b: {  	s31 =	sadd.f32 s24, s23;
	_ =	sdelay $0x1  }
0x11c: {  	v4 =	vmov s31  }
0x11d: {  	[tilespmem:v3+s16+$0x0] =	vst.idx.msk $0x1, v4  }
.LBB2_19:
0x11e: {  	s21 =	sshra.s32 s22, $0x2  }
0x11f: {  	v3 =	vld [tilespmem:s21+$0x800];
	_ =	sdelay $0x4  }
0x120: {  	v3 =	vtrunc.f32 v3  }
0x121: {  	v3 =	vcvt.f32.s32 v3;
	_ =	sdelay $0x1  }
0x122: {  	v3 =	vshll.u32 v3, $0x4  }
0x123: {  	v3 =	vadd.s32 v1, v3;
	_ =	sdelay $0x4  }
0x124: {  	[tilespmem:v3+s15+$0x0] =	vst.idx.msk $0xffff, v0  }
0x125: {  	v3 =	vld [tilespmem:s21+$0x810];
	_ =	sdelay $0x4  }
0x126: {  	v3 =	vtrunc.f32 v3  }
0x127: {  	v3 =	vcvt.f32.s32 v3;
	_ =	sdelay $0x1  }
0x128: {  	v3 =	vshll.u32 v3, $0x4  }
0x129: {  	v3 =	vadd.s32 v1, v3;
	_ =	sdelay $0x4  }
0x12a: {  	[tilespmem:v3+s15+$0x0] =	vst.idx.msk $0xffff, v0  }
0x12b: {  	v3 =	vld [tilespmem:s21+$0x820];
	_ =	sdelay $0x4  }
0x12c: {  	v3 =	vtrunc.f32 v3  }
0x12d: {  	v3 =	vcvt.f32.s32 v3;
	_ =	sdelay $0x1  }
0x12e: {  	v3 =	vshll.u32 v3, $0x4  }
0x12f: {  	v3 =	vadd.s32 v1, v3;
	_ =	sdelay $0x4  }
0x130: {  	[tilespmem:v3+s15+$0x0] =	vst.idx.msk $0xffff, v0  }
0x131: {  	v3 =	vld [tilespmem:s21+$0x830];
	_ =	sdelay $0x4  }
0x132: {  	v3 =	vtrunc.f32 v3  }
0x133: {  	v3 =	vcvt.f32.s32 v3;
	_ =	sdelay $0x1  }
0x134: {  	v3 =	vshll.u32 v3, $0x4  }
0x135: {  	v3 =	vadd.s32 v1, v3;
	_ =	sdelay $0x4  }
0x136: {  	[tilespmem:v3+s15+$0x0] =	vst.idx.msk $0xffff, v0  }
0x137: {  	v3 =	vld [tilespmem:s21+$0x840];
	_ =	sdelay $0x4  }
0x138: {  	v3 =	vtrunc.f32 v3  }
0x139: {  	v3 =	vcvt.f32.s32 v3;
	_ =	sdelay $0x1  }
0x13a: {  	v3 =	vshll.u32 v3, $0x4  }
0x13b: {  	v3 =	vadd.s32 v1, v3;
	_ =	sdelay $0x4  }
0x13c: {  	[tilespmem:v3+s15+$0x0] =	vst.idx.msk $0xffff, v0  }
0x13d: {  	v3 =	vld [tilespmem:s21+$0x850];
	_ =	sdelay $0x4  }
0x13e: {  	v3 =	vtrunc.f32 v3  }
0x13f: {  	v3 =	vcvt.f32.s32 v3;
	_ =	sdelay $0x1  }
0x140: {  	v3 =	vshll.u32 v3, $0x4  }
0x141: {  	v3 =	vadd.s32 v1, v3;
	_ =	sdelay $0x4  }
0x142: {  	[tilespmem:v3+s15+$0x0] =	vst.idx.msk $0xffff, v0  }
0x143: {  	v3 =	vld [tilespmem:s21+$0x860];
	_ =	sdelay $0x4  }
0x144: {  	v3 =	vtrunc.f32 v3  }
0x145: {  	v3 =	vcvt.f32.s32 v3;
	_ =	sdelay $0x1  }
0x146: {  	v3 =	vshll.u32 v3, $0x4  }
0x147: {  	v3 =	vadd.s32 v1, v3;
	_ =	sdelay $0x4  }
0x148: {  	[tilespmem:v3+s15+$0x0] =	vst.idx.msk $0xffff, v0  }
0x149: {  	v3 =	vld [tilespmem:s21+$0x870];
	_ =	sdelay $0x4  }
0x14a: {  	v3 =	vtrunc.f32 v3  }
0x14b: {  	v3 =	vcvt.f32.s32 v3;
	_ =	sdelay $0x1  }
0x14c: {  	v3 =	vshll.u32 v3, $0x4  }
0x14d: {  	p1 =	sne.s32 s22, $0x1E00;
	v3 =	vadd.s32 v1, v3  }
.Ltmp10:
0x14e: {  	_ = 	snop;
	(pc) =	sbr.rel @p1 .LBB2_19-.Ltmp10, $2  }
0x14f: {  	_ =	sdelay $0x2  }
0x150: {  	s22 =	sadd.s32 $0x200, s22;
	[tilespmem:v3+s15+$0x0] =	vst.idx.msk $0xffff, v0  }
0x151: {  	s19 =	sadd.s32 $0x1, s19  }
0x152: {  	p1 =	sne.s32 s19, $0x40  }
.Ltmp11:
0x153: {  	_ = 	snop;
	(pc) =	sbr.rel @p1 .LBB2_4-.Ltmp11, $1  }
0x154: {  	_ =	sdelay $0x3  }
0x155: {  	_ =	swait.ge [sflag:s13], $0x800;
	s18 =	sadd.s32 $0x1, s18  }
0x156: {  	[sflag:s13] =	ssyncset.done $0x0;
	p0 =	sne.s32 s18, s8  }
.Ltmp12:
0x157: {  	[sflag:s13] =	ssyncadd.s32 $0xFFFFF800;
	(pc) =	sbr.rel @p0 .LBB2_1-.Ltmp12, $4  }
0x158: {  	[hbm4b:s7+s2] =	stream.linear.scatter [tilespmem:s16], [sflag:$0x3], $0x80, $0x38;
	[tilespmem:$0x19180] =	vst v63  }
0x159: {  	_ =	swait.ge [sflag:s10], $0x80  }
0x15a: {  	[sflag:s10] =	ssyncset.done $0x0  }
0x15b: {  	[sflag:s10] =	ssyncadd.s32 $0xFFFFFF80  }
0x15c: {  	_ =	sfence.sel $0x180000  }
0x15d: {  	[bflag:$0x0] =	sbarrier.arrive $0xFFFF  }
0x15e: {  	p0 =	sne.s32 s1, $0x0;
	_ =	strace $0x9000004A  }
0x15f: {  	s0 =	sadd.s32 @!p0 $0x100000, s0;
	[bflag:$0x2] =	sbarrier.arrive $0xFFFF  }
0x160: {  	[sflag:s0] =	ssyncadd.tile.s32 @!p0 $0x1;
	_ =	shalt  }
.Lfunc_end2:
_tile_overlayer_lowered:
.L_overlay_start_2:
0x161: {  	(tag) =	ssettag $0x2  }
0x162: {  	s0 =	rddreg [dreg:$0x0];
	s2 =	stileid.u32  }
0x163: {  	s1 =	rddreg [dreg:$0x1];
	p0 =	sne.s32 s2, $0x0  }
0x164: {  	s3 =	rddreg [dreg:$0x2];
	[bflag:$0x3] =	sbarrier.arrive $0xFFFF;
	s2 =	simm.s32 @!p0 $0x1C03  }
0x165: {  	[timem:s3], [sflag:s2] =	dma.local @!p0 [hbm:s0], s1  }
0x166: {  	s0 =	simm.s32 @!p0 $0x3  }
0x167: {  	_ =	swait.ge @!p0 [sflag:s0], s1  }
0x168: {  	s1 =	ssub.s32 @!p0 $0x0, s1;
	[sflag:s0] =	ssyncset.done @!p0 $0x0  }
0x169: {  	[sflag:s0] =	ssyncadd.s32 @!p0 s1  }
0x16a: {  	[bflag:$0x3] =	sbarrier.arrive $0xFFFF  }
0x16b: {  	_ =	shalt  }

// kernel: kernel.7.cloned.1.call-start
scs
__scs_entry_jumppad:
0x0: {  	(pc) =	sbr.rel $0x88, $3  }
0x1: {  	(tag) =	ssettag $0x0;
	lr =	simm.s32 $0x1  }
0x2: {  	[smem:$0x3F9B] =	sst lr;
	_ =	strace $0xD0000000  }
0x3: {  	_ = 	snop  }
0x4: {  	_ = 	snop  }
0x5: {  	_ = 	snop  }
0x6: {  	_ = 	snop  }
0x7: {  	_ = 	snop  }
__scs_overlays_trampoline_lowered:
0x8: {  	[smem:$0x3FAA] =	sst s0  }
0x9: {  	[smem:$0x3FAB] =	sst s1  }
0xa: {  	[smem:$0x3FAC] =	sst s2  }
0xb: {  	[smem:$0x3FAD] =	sst s3  }
0xc: {  	[smem:$0x3FAE] =	sst s4  }
0xd: {  	[smem:$0x3FAF] =	sst s5  }
0xe: {  	[smem:$0x3FB0] =	sst s6  }
0xf: {  	[smem:$0x3FB1] =	sst s7  }
0x10: {  	[smem:$0x3FB2] =	sst s8  }
0x11: {  	[smem:$0x3FB3] =	sst s9;
	s0 =	simm.s32 @!p0 $0x0  }
0x12: {  	s1 =	sld [smem:$0x3F99];
	s0 =	simm.s32 @p0 $0x1  }
0x13: {  	[smem:$0x3FB4] =	sst s0;
	s0 =	simm.s32 @!p1 $0x0  }
0x14: {  	s2 =	sld [smem:$0x3F98];
	s0 =	simm.s32 @p1 $0x1  }
0x15: {  	[smem:$0x3FB5] =	sst s0;
	s0 =	simm.s32 @!p2 $0x0  }
0x16: {  	s3 =	sld [smem:$0x3FDB];
	s0 =	simm.s32 @p2 $0x1  }
0x17: {  	s4 =	simm.s32 $0x1BF5;
	[smem:$0x3FB7] =	sst s0  }
0x18: {  	s0 =	sld [smem:$0x3F9A];
	_ =	swait.ge [sflag:s4], $0x0  }
0x19: {  	s7 =	sld [smem:$0x3F9B]  }
0x1a: {  	s8 =	sadd.s32 $0xFFFFE003, lr  }
0x1b: {  	s9 =	sadd.s32 $0xFFFFFEF7, lr;
	s5 =	simm.s32 $0xFFFFFFFF;
	p2 =	slt.u32 s8, $0xFFFFF086  }
0x1c: {  	p1 =	slt.u32 s9, $0xF7A;
	s5 =	simm.s32 @!p2 $0x0  }
0x1d: {  	s5 =	simm.s32 @p1 $0x1;
	p0 =	seq.s32 s7, s2  }
0x1e: {  	s7 =	smul.u32 @!p0 $0xF7A, s2;
	p2 =	seq.s32 @!p0 s5, $0x0  }
0x1f: {  	s9 =	smul.u32 $0xF7A, s1;
	s8 =	simm.s32 @!p0 $0x1BF5;
	p2 =	por !p2, p0  }
0x20: {  	[sflag:s8] =	ssyncset.s32 @!p0 $0xFFFFF086;
	s6 =	sadd.s32 @!p0 s3, s7;
	s7 =	simm.s32 @!p0 $0x108  }
0x21: {  	s3 =	sadd.s32 s3, s9;
	s6 =	sadd.s32 @!p0 $0x88, s6;
	s7 =	simm.s32 @p2 $0x1082  }
0x22: {  	[simem:s7], [sflag:s8] =	dma.local @!p0 [hbm:s6], $0xF7A  }
0x23: {  	s9 =	sor.u32 $0xD0000000, s2;
	s6 =	simm.s32 $0x108;
	_ =	swait.ge @!p0 [sflag:s8], $0x0  }
0x24: {  	s3 =	sadd.s32 $0x88, s3;
	s6 =	simm.s32 @!p1 $0x1082;
	[sflag:s4] =	ssyncset.s32 $0xFFFFF086  }
0x25: {  	[simem:s6], [sflag:s4] =	dma.local [hbm:s3], $0xF7A  }
0x26: {  	[smem:$0x3F9B] =	sst s1;
	(tag) =	ssettag s2;
	_ =	strace s9  }
0x27: {  	s1 =	sld [smem:$0x3FAB]  }
0x28: {  	s2 =	sld [smem:$0x3FAC]  }
0x29: {  	s4 =	sld [smem:$0x3FAE]  }
0x2a: {  	p0 =	seq.s32 s5, $0x0;
	s5 =	sld [smem:$0x3FAF]  }
0x2b: {  	s6 =	sld [smem:$0x3FB0]  }
0x2c: {  	s7 =	sld [smem:$0x3FB1]  }
0x2d: {  	s3 =	simm.s32 $0x108;
	s8 =	sld [smem:$0x3FB2]  }
0x2e: {  	s3 =	simm.s32 @!p0 $0x1082;
	s9 =	sld [smem:$0x3FB3]  }
0x2f: {  	lr =	sadd.s32 s0, s3;
	s0 =	sld [smem:$0x3FAA]  }
0x30: {  	s3 =	sld [smem:$0x3FAD]  }
0x31: {  	[smem:$0x3FB6] =	sst s10  }
0x32: {  	s10 =	sld [smem:$0x3FB4];
	_ =	sdelay $0x3  }
0x33: {  	p0 =	seq.s32 s10, $0x1;
	s10 =	sld [smem:$0x3FB6];
	_ =	sdelay $0x3  }
0x34: {  	[smem:$0x3FB6] =	sst s10  }
0x35: {  	s10 =	sld [smem:$0x3FB5];
	_ =	sdelay $0x3  }
0x36: {  	p1 =	seq.s32 s10, $0x1;
	s10 =	sld [smem:$0x3FB6];
	_ =	sdelay $0x3  }
0x37: {  	[smem:$0x3FB6] =	sst s10  }
0x38: {  	s10 =	sld [smem:$0x3FB7]  }
0x39: {  	_ = 	snop;
	(pc) =	sbr.ind lr, $3  }
0x3a: {  	_ = 	snop  }
0x3b: {  	_ = 	snop  }
0x3c: {  	p2 =	seq.s32 s10, $0x1;
	s10 =	sld [smem:$0x3FB6]  }
0x3d: {  	_ =	shalt  }
0x3e: {  	_ =	shalt  }
0x3f: {  	_ =	shalt  }
0x40: {  	_ =	shalt  }
0x41: {  	_ =	shalt  }
0x42: {  	_ =	shalt  }
0x43: {  	_ =	shalt  }
0x44: {  	_ =	shalt  }
0x45: {  	_ =	shalt  }
0x46: {  	_ =	shalt  }
0x47: {  	_ =	shalt  }
0x48: {  	_ =	shalt  }
0x49: {  	_ =	shalt  }
0x4a: {  	_ =	shalt  }
0x4b: {  	_ =	shalt  }
0x4c: {  	_ =	shalt  }
0x4d: {  	_ =	shalt  }
0x4e: {  	_ =	shalt  }
0x4f: {  	_ =	shalt  }
0x50: {  	_ =	shalt  }
0x51: {  	_ =	shalt  }
0x52: {  	_ =	shalt  }
0x53: {  	_ =	shalt  }
0x54: {  	_ =	shalt  }
0x55: {  	_ =	shalt  }
0x56: {  	_ =	shalt  }
0x57: {  	_ =	shalt  }
0x58: {  	_ =	shalt  }
0x59: {  	_ =	shalt  }
0x5a: {  	_ =	shalt  }
0x5b: {  	_ =	shalt  }
0x5c: {  	_ =	shalt  }
0x5d: {  	_ =	shalt  }
0x5e: {  	_ =	shalt  }
0x5f: {  	_ =	shalt  }
0x60: {  	_ =	shalt  }
0x61: {  	_ =	shalt  }
0x62: {  	_ =	shalt  }
0x63: {  	_ =	shalt  }
0x64: {  	_ =	shalt  }
0x65: {  	_ =	shalt  }
0x66: {  	_ =	shalt  }
0x67: {  	_ =	shalt  }
0x68: {  	_ =	shalt  }
0x69: {  	_ =	shalt  }
0x6a: {  	_ =	shalt  }
0x6b: {  	_ =	shalt  }
0x6c: {  	_ =	shalt  }
0x6d: {  	_ =	shalt  }
0x6e: {  	_ =	shalt  }
0x6f: {  	_ =	shalt  }
0x70: {  	_ =	shalt  }
0x71: {  	_ =	shalt  }
0x72: {  	_ =	shalt  }
0x73: {  	_ =	shalt  }
0x74: {  	_ =	shalt  }
0x75: {  	_ =	shalt  }
0x76: {  	_ =	shalt  }
0x77: {  	_ =	shalt  }
0x78: {  	_ =	shalt  }
0x79: {  	_ =	shalt  }
0x7a: {  	_ =	shalt  }
0x7b: {  	_ =	shalt  }
0x7c: {  	_ =	shalt  }
0x7d: {  	_ =	shalt  }
0x7e: {  	_ =	shalt  }
0x7f: {  	_ =	shalt  }
0x80: {  	_ =	shalt  }
0x81: {  	_ =	shalt  }
0x82: {  	_ =	shalt  }
0x83: {  	_ =	shalt  }
0x84: {  	_ =	shalt  }
0x85: {  	_ =	shalt  }
0x86: {  	_ =	shalt  }
0x87: {  	_ =	shalt  }
.Lfunc_end0:
.L_simem_size_0:
called_computation_lowered:
.L_overlay_start_0:
0x88: {  	s2 =	sld [smem:$0x3FD9]  }
0x89: {  	s3 =	sld [smem:$0x3FFE];
	_ =	sdelay $0x1  }
0x8a: {  	s1 =	srdreg.scid  }
0x8b: {  	s0 =	sand.u32 $0x1, s1  }
0x8c: {  	s14 =	sshll.u32 s0, $0xA;
	s2 =	sadd.s32 s3, s2  }
0x8d: {  	s2 =	sadd.s32 s2, s14  }
0x8e: {  	[smem:$0x3FC2] =	sst s2  }
0x8f: {  	_ = 	snop  }
0x90: {  	s2 =	sld [smem:$0x3FD0];
	_ =	sdelay $0x2  }
0x91: {  	s15 =	simm.s32 $0xA;
	s4 =	simm.s32 $0x10  }
0x92: {  	[smem:s4], [sflag:s15] =	dma.local [hbm:s2], $0x1  }
0x93: {  	_ =	swait.eq [sflag:s15], $0x1  }
0x94: {  	[sflag:s15] =	ssyncset.done $0x0  }
0x95: {  	[sflag:s15] =	ssyncadd.s32 $0xFFFFFFFF  }
0x96: {  	s16 =	sld [smem:$0x10];
	(tm) =	ssettm $0x1  }
0x97: {  	s17 =	sld [smem:$0x3FFB];
	_ =	sdelay $0x3  }
0x98: {  	_ =	strace s17  }
0x99: {  	s3 =	sld [smem:$0x3FFC];
	_ =	sdelay $0x3  }
0x9a: {  	_ =	strace s3  }
0x9b: {  	s3 =	sld [smem:$0x3FFD];
	_ =	sdelay $0x3  }
0x9c: {  	_ =	strace s3  }
0x9d: {  	_ =	strace $0x8FFFFFFF  }
0x9e: {  	s18 =	sld [smem:$0x3FDB];
	_ =	sdelay $0x1  }
0x9f: {  	s19 =	simm.s32 $_scs_section_size  }
0xa0: {  	s5 =	simm.s32 $_size__tile_overlayer_lowered;
	s6 =	simm.s32 $_tile_overlayer_lowered  }
0xa1: {  	s22 =	simm.s32 $0x1BFF;
	s21 =	sshll.u32 s6, $0x1;
	s3 =	sadd.s32 s19, s18  }
0xa2: {  	s7 =	simm.s32 $0x0;
	s20 =	sshll.u32 s5, $0x1;
	s5 =	sadd.s32 s21, s3  }
0xa3: {  	[timem:s7], [sflag:s22] =	dma.local [hbm:s5], s20  }
0xa4: {  	_ =	swait.ge [sflag:s22], s20  }
0xa5: {  	s4 =	ssub.s32 $0x0, s20;
	[sflag:s22] =	ssyncset.done $0x0  }
0xa6: {  	[sflag:s22] =	ssyncadd.s32 s4;
	_ =	sdelay $0x1  }
0xa7: {  	s23 =	simm.s32 $0x1B8B  }
0xa8: {  	_ =	swait.ge [sflag:s23], $0x1  }
0xa9: {  	[sflag:s23] =	ssyncset.done $0x0  }
0xaa: {  	s25 =	simm.s32 $0x1B8E;
	s24 =	sld [smem:$0x3FFE];
	[sflag:s23] =	ssyncadd.s32 $0xFFFFFFFF  }
0xab: {  	s26 =	simm.s32 $execute0_lowered;
	[smem:$0x3FD2] =	sst s25  }
0xac: {  	s5 =	sshll.u32 s26, $0x1;
	_ =	strace $0x80000046;
	[dreg:$0x1] =	wrdreg $0xFFFFFFFF  }
0xad: {  	s28 =	simm.s32 $_size_execute0_lowered;
	s3 =	sadd.s32 s3, s5;
	[dreg:$0x0] =	wrdreg $0x0  }
0xae: {  	s5 =	sshll.u32 s28, $0x1;
	[dreg:$0x2] =	wrdreg s3  }
0xaf: {  	[dreg:$0x3] =	wrdreg s5  }
0xb0: {  	[dreg:$0x4] =	wrdreg $0xC0  }
0xb1: {  	_ =	task [dreg:s7], $0x5FFFF  }
0xb2: {  	[dreg:$0x1] =	wrdreg $0xFFFFFFFF  }
0xb3: {  	[dreg:$0x0] =	wrdreg $0x60  }
0xb4: {  	[dreg:$0x2] =	wrdreg s24  }
0xb5: {  	[dreg:$0x3] =	wrdreg s16  }
0xb6: {  	[dreg:$0x4] =	wrdreg $0x9  }
0xb7: {  	_ =	task.clear_ibuf [dreg:s7], $0x5FFFF;
	_ =	strace $0x90000046  }
0xb8: {  	s29 =	simm.s32 $0x9;
	_ =	strace $0x80000048  }
0xb9: {  	_ =	swait.ge [sflag:s29], $0x1  }
0xba: {  	[sflag:s29] =	ssyncadd.s32 $0xFFFFFFFF  }
0xbb: {  	_ =	strace $0x90000048  }
0xbc: {  	_ =	sfence  }
0xbd: {  	s30 =	sld [smem:$0x0];
	_ =	sdelay $0x2  }
0xbe: {  	s31 =	sshll.u32 s1, $0xD;
	s1 =	sshrl.u32 s1, $0x2  }
0xbf: {  	s3 =	sand.u32 $0x4000, s31;
	s1 =	sadd.s32 s1, s30  }
0xc0: {  	s0 =	sor.u32 s3, s0;
	s1 =	sshll.u32 s1, $0x11  }
0xc1: {  	s0 =	sor.u32 s1, s0  }
0xc2: {  	s0 =	sadd.s32 $0x8F2B, s0  }
0xc3: {  	[sflag:s0] =	ssyncadd.remote.s32 $0x1  }
0xc4: {  	_ =	sfence.sel $0xFFFF  }
0xc5: {  	[dreg:$0x0] =	wrdreg $0xFFFFFFFF;
	(pc) =	sbr.abs _section_cstart, $3  }
0xc6: {  	[dreg:$0x1] =	wrdreg $0xFFFFFFFF  }
0xc7: {  	_ =	task.clear_ibuf [dreg:s7], $0x2FFFF;
	_ =	strace $0x9FFFFFFF  }
0xc8: {  	(tm) =	ssettm $0x7FFFFFFF  }
0xc9: {  	_ =	shalt  }
tec
execute0_lowered:
.L_overlay_start_1:
0x0: {  	(tag) =	ssettag $0x1  }
0x1: {  	s5 =	rddreg [dreg:$0x0]  }
0x2: {  	s7 =	rddreg [dreg:$0x1]  }
0x3: {  	s0 =	rddreg [dreg:$0x2];
	s2 =	simm.s32 $0x0;
	s3 =	srdreg.scid  }
0x4: {  	s1 =	stileid.u32;
	s10 =	simm.s32 $0x3;
	s11 =	simm.s32 $0x80  }
0x5: {  	s12 =	simm.s32 $0x400;
	s13 =	simm.s32 $0x1;
	s14 =	simm.s32 $0x1000  }
0x6: {  	s15 =	simm.s32 $0x2000;
	s16 =	simm.s32 $0x12100;
	s17 =	simm.s32 $0x2  }
0x7: {  	s18 =	simm.s32 $0x0;
	[smem:$0x7FF] =	sst s2;
	s4 =	sand.u32 $0x1, s3  }
0x8: {  	s6 =	sshll.u32 s1, $0x8;
	s3 =	sadd.s32 $0x81800, s5;
	s8 =	sshll.u32 s4, $0x7  }
0x9: {  	s5 =	sadd.s32 $0x1800, s5;
	s9 =	ssub.s32 $0x2, s4;
	s4 =	sor.u32 s8, s6  }
0xa: {  	_ =	strace $0x80000047;
	s30 =	sshrl.u32 s9, $0x1;
	s8 =	sshll.u32 s4, $0x9  }
0xb: {  	s9 =	ssub.s32 s9, s30;
	s31 =	sshrl.u32 s4, $0x3;
	s6 =	sadd.s32 s3, s8  }
0xc: {  	v0 =	vimm.s32 $0x0;
	v1 =	vlaneseq.u32;
	v2 =	vimm.s32 $0x1;
	s7 =	sadd.s32 s7, s31;
	s8 =	smax.u32 s9, $0x1;
	s9 =	simm.s32 $0x12080  }
.LBB2_1:
0xd: {  	[tilespmem:s9], [sflag:$0x3] =	stream.linear.gather [hbm4b:s5+s2], $0x80, $0x38;
	[tilespmem:$0x12180] =	vst v63  }
0xe: {  	_ =	swait.ge [sflag:s10], $0x80  }
0xf: {  	[sflag:s10] =	ssyncset.done $0x0  }
0x10: {  	[sflag:s10] =	ssyncadd.s32 $0xFFFFFF80  }
0x11: {  	s19 =	simm.s32 $0x0;
	s20 =	simm.s32 $0x200;
	v3 =	vld [tilespmem:$0x12080]  }
.LBB2_2:
0x12: {  	p0 =	sne.s32 s20, $0x40000;
	[tilespmem:s19+$0x2070] =	vst v0  }
0x13: {  	[tilespmem:s19+$0x2000] =	vst v0  }
0x14: {  	[tilespmem:s19+$0x2010] =	vst v0  }
.Ltmp0:
0x15: {  	[tilespmem:s19+$0x2020] =	vst v0;
	(pc) =	sbr.rel @p0 .LBB2_2-.Ltmp0, $4  }
0x16: {  	[tilespmem:s19+$0x2030] =	vst v0  }
0x17: {  	[tilespmem:s19+$0x2040] =	vst v0  }
0x18: {  	[tilespmem:s19+$0x2050] =	vst v0  }
0x19: {  	[tilespmem:s19+$0x2060] =	vst v0;
	s19 =	sshra.s32 s20, $0x2;
	s20 =	sadd.s32 $0x200, s20  }
0x1a: {  	(v2sf) =	vpush v3, $0x0;
	_ =	sdelay $0x5  }
0x1b: {  	[tilespmem:s19+$0x2070] =	vst v0  }
0x1c: {  	[tilespmem:s19+$0x2000] =	vst v0  }
0x1d: {  	[tilespmem:s19+$0x2010] =	vst v0  }
0x1e: {  	[tilespmem:s19+$0x2020] =	vst v0  }
0x1f: {  	[tilespmem:s19+$0x2030] =	vst v0  }
0x20: {  	[tilespmem:s19+$0x2040] =	vst v0  }
0x21: {  	[tilespmem:s19+$0x2050] =	vst v0  }
0x22: {  	[tilespmem:s19+$0x2060] =	vst v0;
	s19 =	simm.s32 $0x0  }
0x23: {  	[tilespmem:s19], [sflag:$0x1] =	stream.strided.gather [hbm4b:s6+s11], $0x1000, s12, s11, $0x38;
	[tilespmem:$0x12180] =	vst v63  }
0x24: {  	s20 =	spop (v2sf)  }
0x25: {  	p0 =	slt.s32 s20, $0x1  }
.LBB2_4:
0x26: {  	s22 =	sshll.u32 s19, $0x1;
	s21 =	sshllo.u32 s19, $0x1  }
0x27: {  	s23 =	sadd.s32 s4, s22;
	s24 =	sshll.u32 s21, $0x4  }
0x28: {  	_ =	swait.ge [sflag:s13], $0x1000;
	s23 =	sshll.u32 s23, $0x9;
	s24 =	sand.u32 $0x70, s24  }
0x29: {  	[sflag:s13] =	ssyncset.done $0x0;
	s23 =	sand.u32 $0x1FF000, s23;
	s24 =	sadd.s32 s3, s24  }
0x2a: {  	[sflag:s13] =	ssyncadd.s32 $0xFFFFF000;
	s23 =	sadd.s32 s23, s24  }
0x2b: {  	[tilespmem:s14], [sflag:$0x2] =	stream.strided.gather [hbm4b:s23+s11], $0x1000, s12, s11, $0x38;
	[tilespmem:$0x12180] =	vst v63  }
0x2c: {  	s23 =	simm.s32 $0x0;
	v3 =	vld [tilespmem:$0x0]  }
.LBB2_5:
0x2d: {  	s24 =	sshra.s32 s23, $0x2  }
0x2e: {  	v4 =	vld [tilespmem:s24+$0x0];
	_ =	sdelay $0x4  }
0x2f: {  	v5 =	vtrunc.f32 v4  }
0x30: {  	v5 =	vcvt.f32.s32 v5;
	_ =	sdelay $0x1  }
0x31: {  	v5 =	vshll.u32 v5, $0x4  }
0x32: {  	v5 =	vor.u32 v1, v5;
	_ =	sdelay $0x4  }
0x33: {  	[tilespmem:v5+s15+$0x0] =	vst.idx.add.s32.msk $0xffff, v2  }
0x34: {  	v5 =	vld [tilespmem:s24+$0x10];
	_ =	sdelay $0x4  }
0x35: {  	v6 =	vtrunc.f32 v5  }
0x36: {  	v6 =	vcvt.f32.s32 v6;
	_ =	sdelay $0x1  }
0x37: {  	v6 =	vshll.u32 v6, $0x4  }
0x38: {  	v6 =	vor.u32 v1, v6;
	_ =	sdelay $0x4  }
0x39: {  	[tilespmem:v6+s15+$0x0] =	vst.idx.add.s32.msk $0xffff, v2  }
0x3a: {  	v6 =	vld [tilespmem:s24+$0x20];
	_ =	sdelay $0x4  }
0x3b: {  	v7 =	vtrunc.f32 v6  }
0x3c: {  	v7 =	vcvt.f32.s32 v7;
	_ =	sdelay $0x1  }
0x3d: {  	v7 =	vshll.u32 v7, $0x4  }
0x3e: {  	v7 =	vor.u32 v1, v7;
	_ =	sdelay $0x4  }
0x3f: {  	[tilespmem:v7+s15+$0x0] =	vst.idx.add.s32.msk $0xffff, v2  }
0x40: {  	v7 =	vld [tilespmem:s24+$0x30];
	_ =	sdelay $0x4  }
0x41: {  	v8 =	vtrunc.f32 v7  }
0x42: {  	v8 =	vcvt.f32.s32 v8;
	_ =	sdelay $0x1  }
0x43: {  	v8 =	vshll.u32 v8, $0x4  }
0x44: {  	v8 =	vor.u32 v1, v8;
	_ =	sdelay $0x4  }
0x45: {  	[tilespmem:v8+s15+$0x0] =	vst.idx.add.s32.msk $0xffff, v2  }
0x46: {  	v8 =	vld [tilespmem:s24+$0x40];
	_ =	sdelay $0x4  }
0x47: {  	v9 =	vtrunc.f32 v8  }
0x48: {  	v9 =	vcvt.f32.s32 v9;
	_ =	sdelay $0x1  }
0x49: {  	v9 =	vshll.u32 v9, $0x4  }
0x4a: {  	v9 =	vor.u32 v1, v9;
	_ =	sdelay $0x4  }
0x4b: {  	[tilespmem:v9+s15+$0x0] =	vst.idx.add.s32.msk $0xffff, v2  }
0x4c: {  	v9 =	vld [tilespmem:s24+$0x50];
	_ =	sdelay $0x4  }
0x4d: {  	v10 =	vtrunc.f32 v9  }
0x4e: {  	v10 =	vcvt.f32.s32 v10;
	_ =	sdelay $0x1  }
0x4f: {  	v10 =	vshll.u32 v10, $0x4  }
0x50: {  	v10 =	vor.u32 v1, v10;
	_ =	sdelay $0x4  }
0x51: {  	[tilespmem:v10+s15+$0x0] =	vst.idx.add.s32.msk $0xffff, v2  }
0x52: {  	v10 =	vld [tilespmem:s24+$0x60];
	_ =	sdelay $0x4  }
0x53: {  	v11 =	vtrunc.f32 v10  }
0x54: {  	v11 =	vcvt.f32.s32 v11;
	_ =	sdelay $0x1  }
0x55: {  	v11 =	vshll.u32 v11, $0x4  }
0x56: {  	v11 =	vor.u32 v1, v11;
	_ =	sdelay $0x4  }
0x57: {  	[tilespmem:v11+s15+$0x0] =	vst.idx.add.s32.msk $0xffff, v2  }
0x58: {  	v11 =	vld [tilespmem:s24+$0x70];
	_ =	sdelay $0x4  }
0x59: {  	v12 =	vtrunc.f32 v11  }
0x5a: {  	v12 =	vcvt.f32.s32 v12  }
0x5b: {  	v3 =	vmax.f32 v3, v4  }
0x5c: {  	v3 =	vmax.f32 v3, v5;
	v4 =	vshll.u32 v12, $0x4  }
0x5d: {  	p1 =	sne.s32 s23, $0x3E00;
	v3 =	vmax.f32 v3, v6;
	v4 =	vor.u32 v1, v4  }
.Ltmp1:
0x5e: {  	v3 =	vmax.f32 v3, v7;
	(pc) =	sbr.rel @p1 .LBB2_5-.Ltmp1, $4  }
0x5f: {  	v3 =	vmax.f32 v3, v8  }
0x60: {  	v3 =	vmax.f32 v3, v9  }
0x61: {  	v3 =	vmax.f32 v3, v10  }
0x62: {  	s23 =	sadd.s32 $0x200, s23;
	v3 =	vmax.f32 v3, v11;
	[tilespmem:v4+s15+$0x0] =	vst.idx.add.s32.msk $0xffff, v2  }
0x63: {  	(xrf1) =	vsort.dscd.msk.f32 $0xffff, v3, v3;
	_ =	sdelay $0xd  }
0x64: {  	v3, _, _ =	vpop (xrf1)  }
0x65: {  	(v2sf) =	vpush v3, $0x0;
	_ =	sdelay $0xb  }
.Ltmp2:
0x66: {  	_ = 	snop;
	(pc) =	sbr.rel @p0 .LBB2_7-.Ltmp2, $3  }
0x67: {  	_ =	sdelay $0x1  }
0x68: {  	s23 =	spop (v2sf)  }
0x69: {  	s25 =	scvt.f32.s32 s23;
	s23 =	simm.s32 $0x0  }
0x6a: {  	_ = 	snop  }
0x6b: {  	s24 =	sshll.u32 s25, $0x6  }
0x6c: {  	s24 =	sshra.s32 s24, $0x2  }
0x6d: {  	s26 =	sadd.s32 $0x2000, s24;
	s24 =	simm.s32 $0x0  }
.LBB2_9:
0x6e: {  	v3 =	vld [tilespmem:s26+$0x0];
	_ =	sdelay $0x4  }
0x6f: {  	(xrf0) =	vadd.scan.msk.s32 $0xffff, v3;
	_ =	sdelay $0x5  }
0x70: {  	v3, _, _ =	vpop (xrf0)  }
0x71: {  	(v2sf) =	vpush v3, $0xF;
	_ =	sdelay $0xe  }
0x72: {  	s28 =	spop (v2sf)  }
0x73: {  	s24 =	sadd.s32 s24, s28  }
0x74: {  	p1 =	slt.s32 s24, s20  }
.Ltmp3:
0x75: {  	_ = 	snop;
	(pc) =	sbr.rel @p1 .LBB2_9-.Ltmp3, $2  }
0x76: {  	_ =	sdelay $0x2  }
0x77: {  	s25 =	sadd.s32 $0xFFFFFFFF, s25;
	s26 =	sadd.s32 $0xFFFFFFF0, s26  }
.Ltmp4:
0x78: {  	_ = 	snop;
	(pc) =	sbr.rel .LBB2_10-.Ltmp4, $1  }
0x79: {  	_ =	sdelay $0x3  }
.LBB2_7:
0x7a: {  	s24 =	simm.s32 $0x0  }
.LBB2_10:
0x7b: {  	s25 =	sadd.s32 $0x1, s25  }
0x7c: {  	s26 =	sshll.u32 s25, $0x6  }
0x7d: {  	s26 =	sshra.s32 s26, $0x2  }
0x7e: {  	v3 =	vld [tilespmem:s26+$0x2000];
	_ =	sdelay $0x4  }
0x7f: {  	(xrf0) =	vadd.scan.msk.s32 $0xffff, v3;
	_ =	sdelay $0x5  }
0x80: {  	v3, _, _ =	vpop (xrf0)  }
0x81: {  	(v2sf) =	vpush v3, $0xF;
	_ =	sdelay $0xd  }
0x82: {  	v3 =	vmov s22  }
0x83: {  	s25 =	scvt.s32.f32 s25;
	v3 =	vand.u32 $0xFFFFFFFE, v3;
	s31 =	spop (v2sf)  }
0x84: {  	v3 =	vbroadcast v3, $0x0;
	s24 =	ssub.s32 s24, s31  }
0x85: {  	s25 =	smul.f32 $4.096000000e+03, s25;
	s24 =	scvt.s32.f32 s24  }
0x86: {  	_ = 	snop  }
0x87: {  	s24 =	sadd.f32 s24, s25;
	_ =	sdelay $0x1  }
0x88: {  	v4 =	vmov s24  }
0x89: {  	[tilespmem:v3+s16+$0x0] =	vst.idx.msk $0x1, v4  }
.LBB2_11:
0x8a: {  	s24 =	sshra.s32 s23, $0x2  }
0x8b: {  	v3 =	vld [tilespmem:s24+$0x0];
	_ =	sdelay $0x4  }
0x8c: {  	v3 =	vtrunc.f32 v3  }
0x8d: {  	v3 =	vcvt.f32.s32 v3;
	_ =	sdelay $0x1  }
0x8e: {  	v3 =	vshll.u32 v3, $0x4  }
0x8f: {  	v3 =	vor.u32 v1, v3;
	_ =	sdelay $0x4  }
0x90: {  	[tilespmem:v3+s15+$0x0] =	vst.idx.msk $0xffff, v0  }
0x91: {  	v3 =	vld [tilespmem:s24+$0x10];
	_ =	sdelay $0x4  }
0x92: {  	v3 =	vtrunc.f32 v3  }
0x93: {  	v3 =	vcvt.f32.s32 v3;
	_ =	sdelay $0x1  }
0x94: {  	v3 =	vshll.u32 v3, $0x4  }
0x95: {  	v3 =	vor.u32 v1, v3;
	_ =	sdelay $0x4  }
0x96: {  	[tilespmem:v3+s15+$0x0] =	vst.idx.msk $0xffff, v0  }
0x97: {  	v3 =	vld [tilespmem:s24+$0x20];
	_ =	sdelay $0x4  }
0x98: {  	v3 =	vtrunc.f32 v3  }
0x99: {  	v3 =	vcvt.f32.s32 v3;
	_ =	sdelay $0x1  }
0x9a: {  	v3 =	vshll.u32 v3, $0x4  }
0x9b: {  	v3 =	vor.u32 v1, v3;
	_ =	sdelay $0x4  }
0x9c: {  	[tilespmem:v3+s15+$0x0] =	vst.idx.msk $0xffff, v0  }
0x9d: {  	v3 =	vld [tilespmem:s24+$0x30];
	_ =	sdelay $0x4  }
0x9e: {  	v3 =	vtrunc.f32 v3  }
0x9f: {  	v3 =	vcvt.f32.s32 v3;
	_ =	sdelay $0x1  }
0xa0: {  	v3 =	vshll.u32 v3, $0x4  }
0xa1: {  	v3 =	vor.u32 v1, v3;
	_ =	sdelay $0x4  }
0xa2: {  	[tilespmem:v3+s15+$0x0] =	vst.idx.msk $0xffff, v0  }
0xa3: {  	v3 =	vld [tilespmem:s24+$0x40];
	_ =	sdelay $0x4  }
0xa4: {  	v3 =	vtrunc.f32 v3  }
0xa5: {  	v3 =	vcvt.f32.s32 v3;
	_ =	sdelay $0x1  }
0xa6: {  	v3 =	vshll.u32 v3, $0x4  }
0xa7: {  	v3 =	vor.u32 v1, v3;
	_ =	sdelay $0x4  }
0xa8: {  	[tilespmem:v3+s15+$0x0] =	vst.idx.msk $0xffff, v0  }
0xa9: {  	v3 =	vld [tilespmem:s24+$0x50];
	_ =	sdelay $0x4  }
0xaa: {  	v3 =	vtrunc.f32 v3  }
0xab: {  	v3 =	vcvt.f32.s32 v3;
	_ =	sdelay $0x1  }
0xac: {  	v3 =	vshll.u32 v3, $0x4  }
0xad: {  	v3 =	vor.u32 v1, v3;
	_ =	sdelay $0x4  }
0xae: {  	[tilespmem:v3+s15+$0x0] =	vst.idx.msk $0xffff, v0  }
0xaf: {  	v3 =	vld [tilespmem:s24+$0x60];
	_ =	sdelay $0x4  }
0xb0: {  	v3 =	vtrunc.f32 v3  }
0xb1: {  	v3 =	vcvt.f32.s32 v3;
	_ =	sdelay $0x1  }
0xb2: {  	v3 =	vshll.u32 v3, $0x4  }
0xb3: {  	v3 =	vor.u32 v1, v3;
	_ =	sdelay $0x4  }
0xb4: {  	[tilespmem:v3+s15+$0x0] =	vst.idx.msk $0xffff, v0  }
0xb5: {  	v3 =	vld [tilespmem:s24+$0x70];
	_ =	sdelay $0x4  }
0xb6: {  	v3 =	vtrunc.f32 v3  }
0xb7: {  	v3 =	vcvt.f32.s32 v3;
	_ =	sdelay $0x1  }
0xb8: {  	v3 =	vshll.u32 v3, $0x4  }
0xb9: {  	p1 =	sne.s32 s23, $0x3E00;
	v3 =	vor.u32 v1, v3  }
.Ltmp5:
0xba: {  	_ = 	snop;
	(pc) =	sbr.rel @p1 .LBB2_11-.Ltmp5, $2  }
0xbb: {  	_ =	sdelay $0x2  }
0xbc: {  	s23 =	sadd.s32 $0x200, s23;
	[tilespmem:v3+s15+$0x0] =	vst.idx.msk $0xffff, v0  }
0xbd: {  	s22 =	smin.u32 s22, $0x7D  }
0xbe: {  	s22 =	sadd.s32 $0x2, s22  }
0xbf: {  	s23 =	sadd.s32 s4, s22;
	s22 =	sshll.u32 s22, $0x4  }
0xc0: {  	_ =	swait.ge [sflag:s17], $0x1000;
	s23 =	sshll.u32 s23, $0x9;
	s22 =	sand.u32 $0x70, s22  }
0xc1: {  	[sflag:s17] =	ssyncset.done $0x0;
	s23 =	sand.u32 $0x3FF000, s23;
	s22 =	sadd.s32 s3, s22  }
0xc2: {  	[sflag:s17] =	ssyncadd.s32 $0xFFFFF000;
	s23 =	sadd.s32 s23, s22;
	s22 =	simm.s32 $0x0  }
0xc3: {  	[tilespmem:s22], [sflag:$0x1] =	stream.strided.gather [hbm4b:s23+s11], $0x1000, s12, s11, $0x38;
	[tilespmem:$0x12180] =	vst v63  }
0xc4: {  	v3 =	vld [tilespmem:$0x1000]  }
.LBB2_13:
0xc5: {  	s23 =	sshra.s32 s22, $0x2  }
0xc6: {  	v4 =	vld [tilespmem:s23+$0x1000];
	_ =	sdelay $0x4  }
0xc7: {  	v5 =	vtrunc.f32 v4  }
0xc8: {  	v5 =	vcvt.f32.s32 v5;
	_ =	sdelay $0x1  }
0xc9: {  	v5 =	vshll.u32 v5, $0x4  }
0xca: {  	v5 =	vor.u32 v1, v5;
	_ =	sdelay $0x4  }
0xcb: {  	[tilespmem:v5+s15+$0x0] =	vst.idx.add.s32.msk $0xffff, v2  }
0xcc: {  	v5 =	vld [tilespmem:s23+$0x1010];
	_ =	sdelay $0x4  }
0xcd: {  	v6 =	vtrunc.f32 v5  }
0xce: {  	v6 =	vcvt.f32.s32 v6;
	_ =	sdelay $0x1  }
0xcf: {  	v6 =	vshll.u32 v6, $0x4  }
0xd0: {  	v6 =	vor.u32 v1, v6;
	_ =	sdelay $0x4  }
0xd1: {  	[tilespmem:v6+s15+$0x0] =	vst.idx.add.s32.msk $0xffff, v2  }
0xd2: {  	v6 =	vld [tilespmem:s23+$0x1020];
	_ =	sdelay $0x4  }
0xd3: {  	v7 =	vtrunc.f32 v6  }
0xd4: {  	v7 =	vcvt.f32.s32 v7;
	_ =	sdelay $0x1  }
0xd5: {  	v7 =	vshll.u32 v7, $0x4  }
0xd6: {  	v7 =	vor.u32 v1, v7;
	_ =	sdelay $0x4  }
0xd7: {  	[tilespmem:v7+s15+$0x0] =	vst.idx.add.s32.msk $0xffff, v2  }
0xd8: {  	v7 =	vld [tilespmem:s23+$0x1030];
	_ =	sdelay $0x4  }
0xd9: {  	v8 =	vtrunc.f32 v7  }
0xda: {  	v8 =	vcvt.f32.s32 v8;
	_ =	sdelay $0x1  }
0xdb: {  	v8 =	vshll.u32 v8, $0x4  }
0xdc: {  	v8 =	vor.u32 v1, v8;
	_ =	sdelay $0x4  }
0xdd: {  	[tilespmem:v8+s15+$0x0] =	vst.idx.add.s32.msk $0xffff, v2  }
0xde: {  	v8 =	vld [tilespmem:s23+$0x1040];
	_ =	sdelay $0x4  }
0xdf: {  	v9 =	vtrunc.f32 v8  }
0xe0: {  	v9 =	vcvt.f32.s32 v9;
	_ =	sdelay $0x1  }
0xe1: {  	v9 =	vshll.u32 v9, $0x4  }
0xe2: {  	v9 =	vor.u32 v1, v9;
	_ =	sdelay $0x4  }
0xe3: {  	[tilespmem:v9+s15+$0x0] =	vst.idx.add.s32.msk $0xffff, v2  }
0xe4: {  	v9 =	vld [tilespmem:s23+$0x1050];
	_ =	sdelay $0x4  }
0xe5: {  	v10 =	vtrunc.f32 v9  }
0xe6: {  	v10 =	vcvt.f32.s32 v10;
	_ =	sdelay $0x1  }
0xe7: {  	v10 =	vshll.u32 v10, $0x4  }
0xe8: {  	v10 =	vor.u32 v1, v10;
	_ =	sdelay $0x4  }
0xe9: {  	[tilespmem:v10+s15+$0x0] =	vst.idx.add.s32.msk $0xffff, v2  }
0xea: {  	v10 =	vld [tilespmem:s23+$0x1060];
	_ =	sdelay $0x4  }
0xeb: {  	v11 =	vtrunc.f32 v10  }
0xec: {  	v11 =	vcvt.f32.s32 v11;
	_ =	sdelay $0x1  }
0xed: {  	v11 =	vshll.u32 v11, $0x4  }
0xee: {  	v11 =	vor.u32 v1, v11;
	_ =	sdelay $0x4  }
0xef: {  	[tilespmem:v11+s15+$0x0] =	vst.idx.add.s32.msk $0xffff, v2  }
0xf0: {  	v11 =	vld [tilespmem:s23+$0x1070];
	_ =	sdelay $0x4  }
0xf1: {  	v12 =	vtrunc.f32 v11  }
0xf2: {  	v12 =	vcvt.f32.s32 v12  }
0xf3: {  	v3 =	vmax.f32 v3, v4  }
0xf4: {  	v3 =	vmax.f32 v3, v5;
	v4 =	vshll.u32 v12, $0x4  }
0xf5: {  	p1 =	sne.s32 s22, $0x3E00;
	v3 =	vmax.f32 v3, v6;
	v4 =	vor.u32 v1, v4  }
.Ltmp6:
0xf6: {  	v3 =	vmax.f32 v3, v7;
	(pc) =	sbr.rel @p1 .LBB2_13-.Ltmp6, $4  }
0xf7: {  	v3 =	vmax.f32 v3, v8  }
0xf8: {  	v3 =	vmax.f32 v3, v9  }
0xf9: {  	v3 =	vmax.f32 v3, v10  }
0xfa: {  	s22 =	sadd.s32 $0x200, s22;
	v3 =	vmax.f32 v3, v11;
	[tilespmem:v4+s15+$0x0] =	vst.idx.add.s32.msk $0xffff, v2  }
0xfb: {  	(xrf1) =	vsort.dscd.msk.f32 $0xffff, v3, v3;
	_ =	sdelay $0xd  }
0xfc: {  	v3, _, _ =	vpop (xrf1)  }
0xfd: {  	(v2sf) =	vpush v3, $0x0;
	_ =	sdelay $0xb  }
.Ltmp7:
0xfe: {  	_ = 	snop;
	(pc) =	sbr.rel @p0 .LBB2_15-.Ltmp7, $3  }
0xff: {  	_ =	sdelay $0x1  }
0x100: {  	s22 =	spop (v2sf)  }
0x101: {  	s24 =	scvt.f32.s32 s22;
	s22 =	simm.s32 $0x0  }
0x102: {  	_ = 	snop  }
0x103: {  	s23 =	sshll.u32 s24, $0x6  }
0x104: {  	s23 =	sshra.s32 s23, $0x2  }
0x105: {  	s25 =	sadd.s32 $0x2000, s23;
	s23 =	simm.s32 $0x0  }
.LBB2_17:
0x106: {  	v3 =	vld [tilespmem:s25+$0x0];
	_ =	sdelay $0x4  }
0x107: {  	(xrf0) =	vadd.scan.msk.s32 $0xffff, v3;
	_ =	sdelay $0x5  }
0x108: {  	v3, _, _ =	vpop (xrf0)  }
0x109: {  	(v2sf) =	vpush v3, $0xF;
	_ =	sdelay $0xe  }
0x10a: {  	s26 =	spop (v2sf)  }
0x10b: {  	s23 =	sadd.s32 s23, s26  }
0x10c: {  	p1 =	slt.s32 s23, s20  }
.Ltmp8:
0x10d: {  	_ = 	snop;
	(pc) =	sbr.rel @p1 .LBB2_17-.Ltmp8, $2  }
0x10e: {  	_ =	sdelay $0x2  }
0x10f: {  	s24 =	sadd.s32 $0xFFFFFFFF, s24;
	s25 =	sadd.s32 $0xFFFFFFF0, s25  }
.Ltmp9:
0x110: {  	_ = 	snop;
	(pc) =	sbr.rel .LBB2_18-.Ltmp9, $1  }
0x111: {  	_ =	sdelay $0x3  }
.LBB2_15:
0x112: {  	s23 =	simm.s32 $0x0  }
.LBB2_18:
0x113: {  	s24 =	sadd.s32 $0x1, s24  }
0x114: {  	s25 =	sshll.u32 s24, $0x6  }
0x115: {  	s25 =	sshra.s32 s25, $0x2  }
0x116: {  	v3 =	vld [tilespmem:s25+$0x2000];
	_ =	sdelay $0x4  }
0x117: {  	(xrf0) =	vadd.scan.msk.s32 $0xffff, v3;
	_ =	sdelay $0x5  }
0x118: {  	v3, _, _ =	vpop (xrf0)  }
0x119: {  	(v2sf) =	vpush v3, $0xF;
	_ =	sdelay $0xe  }
0x11a: {  	s24 =	scvt.s32.f32 s24;
	s30 =	spop (v2sf)  }
0x11b: {  	s23 =	ssub.s32 s23, s30  }
0x11c: {  	s24 =	smul.f32 $4.096000000e+03, s24;
	v3 =	vmov s21;
	s23 =	scvt.s32.f32 s23  }
0x11d: {  	_ = 	snop  }
0x11e: {  	s31 =	sadd.f32 s23, s24;
	_ =	sdelay $0x1  }
0x11f: {  	v4 =	vmov s31  }
0x120: {  	[tilespmem:v3+s16+$0x0] =	vst.idx.msk $0x1, v4  }
.LBB2_19:
0x121: {  	s21 =	sshra.s32 s22, $0x2  }
0x122: {  	v3 =	vld [tilespmem:s21+$0x1000];
	_ =	sdelay $0x4  }
0x123: {  	v3 =	vtrunc.f32 v3  }
0x124: {  	v3 =	vcvt.f32.s32 v3;
	_ =	sdelay $0x1  }
0x125: {  	v3 =	vshll.u32 v3, $0x4  }
0x126: {  	v3 =	vor.u32 v1, v3;
	_ =	sdelay $0x4  }
0x127: {  	[tilespmem:v3+s15+$0x0] =	vst.idx.msk $0xffff, v0  }
0x128: {  	v3 =	vld [tilespmem:s21+$0x1010];
	_ =	sdelay $0x4  }
0x129: {  	v3 =	vtrunc.f32 v3  }
0x12a: {  	v3 =	vcvt.f32.s32 v3;
	_ =	sdelay $0x1  }
0x12b: {  	v3 =	vshll.u32 v3, $0x4  }
0x12c: {  	v3 =	vor.u32 v1, v3;
	_ =	sdelay $0x4  }
0x12d: {  	[tilespmem:v3+s15+$0x0] =	vst.idx.msk $0xffff, v0  }
0x12e: {  	v3 =	vld [tilespmem:s21+$0x1020];
	_ =	sdelay $0x4  }
0x12f: {  	v3 =	vtrunc.f32 v3  }
0x130: {  	v3 =	vcvt.f32.s32 v3;
	_ =	sdelay $0x1  }
0x131: {  	v3 =	vshll.u32 v3, $0x4  }
0x132: {  	v3 =	vor.u32 v1, v3;
	_ =	sdelay $0x4  }
0x133: {  	[tilespmem:v3+s15+$0x0] =	vst.idx.msk $0xffff, v0  }
0x134: {  	v3 =	vld [tilespmem:s21+$0x1030];
	_ =	sdelay $0x4  }
0x135: {  	v3 =	vtrunc.f32 v3  }
0x136: {  	v3 =	vcvt.f32.s32 v3;
	_ =	sdelay $0x1  }
0x137: {  	v3 =	vshll.u32 v3, $0x4  }
0x138: {  	v3 =	vor.u32 v1, v3;
	_ =	sdelay $0x4  }
0x139: {  	[tilespmem:v3+s15+$0x0] =	vst.idx.msk $0xffff, v0  }
0x13a: {  	v3 =	vld [tilespmem:s21+$0x1040];
	_ =	sdelay $0x4  }
0x13b: {  	v3 =	vtrunc.f32 v3  }
0x13c: {  	v3 =	vcvt.f32.s32 v3;
	_ =	sdelay $0x1  }
0x13d: {  	v3 =	vshll.u32 v3, $0x4  }
0x13e: {  	v3 =	vor.u32 v1, v3;
	_ =	sdelay $0x4  }
0x13f: {  	[tilespmem:v3+s15+$0x0] =	vst.idx.msk $0xffff, v0  }
0x140: {  	v3 =	vld [tilespmem:s21+$0x1050];
	_ =	sdelay $0x4  }
0x141: {  	v3 =	vtrunc.f32 v3  }
0x142: {  	v3 =	vcvt.f32.s32 v3;
	_ =	sdelay $0x1  }
0x143: {  	v3 =	vshll.u32 v3, $0x4  }
0x144: {  	v3 =	vor.u32 v1, v3;
	_ =	sdelay $0x4  }
0x145: {  	[tilespmem:v3+s15+$0x0] =	vst.idx.msk $0xffff, v0  }
0x146: {  	v3 =	vld [tilespmem:s21+$0x1060];
	_ =	sdelay $0x4  }
0x147: {  	v3 =	vtrunc.f32 v3  }
0x148: {  	v3 =	vcvt.f32.s32 v3;
	_ =	sdelay $0x1  }
0x149: {  	v3 =	vshll.u32 v3, $0x4  }
0x14a: {  	v3 =	vor.u32 v1, v3;
	_ =	sdelay $0x4  }
0x14b: {  	[tilespmem:v3+s15+$0x0] =	vst.idx.msk $0xffff, v0  }
0x14c: {  	v3 =	vld [tilespmem:s21+$0x1070];
	_ =	sdelay $0x4  }
0x14d: {  	v3 =	vtrunc.f32 v3  }
0x14e: {  	v3 =	vcvt.f32.s32 v3;
	_ =	sdelay $0x1  }
0x14f: {  	v3 =	vshll.u32 v3, $0x4  }
0x150: {  	p1 =	sne.s32 s22, $0x3E00;
	v3 =	vor.u32 v1, v3  }
.Ltmp10:
0x151: {  	_ = 	snop;
	(pc) =	sbr.rel @p1 .LBB2_19-.Ltmp10, $2  }
0x152: {  	_ =	sdelay $0x2  }
0x153: {  	s22 =	sadd.s32 $0x200, s22;
	[tilespmem:v3+s15+$0x0] =	vst.idx.msk $0xffff, v0  }
0x154: {  	s19 =	sadd.s32 $0x1, s19  }
0x155: {  	p1 =	sne.s32 s19, $0x40  }
.Ltmp11:
0x156: {  	_ = 	snop;
	(pc) =	sbr.rel @p1 .LBB2_4-.Ltmp11, $1  }
0x157: {  	_ =	sdelay $0x3  }
0x158: {  	_ =	swait.ge [sflag:s13], $0x1000;
	s18 =	sadd.s32 $0x1, s18  }
0x159: {  	[sflag:s13] =	ssyncset.done $0x0;
	p0 =	sne.s32 s18, s8  }
.Ltmp12:
0x15a: {  	[sflag:s13] =	ssyncadd.s32 $0xFFFFF000;
	(pc) =	sbr.rel @p0 .LBB2_1-.Ltmp12, $4  }
0x15b: {  	[hbm4b:s7+s2] =	stream.linear.scatter [tilespmem:s16], [sflag:$0x3], $0x80, $0x38;
	[tilespmem:$0x12180] =	vst v63  }
0x15c: {  	_ =	swait.ge [sflag:s10], $0x80  }
0x15d: {  	[sflag:s10] =	ssyncset.done $0x0  }
0x15e: {  	[sflag:s10] =	ssyncadd.s32 $0xFFFFFF80  }
0x15f: {  	_ =	sfence.sel $0x180000  }
0x160: {  	[bflag:$0x0] =	sbarrier.arrive $0xFFFF  }
0x161: {  	p0 =	sne.s32 s1, $0x0;
	_ =	strace $0x90000047  }
0x162: {  	s0 =	sadd.s32 @!p0 $0x100000, s0;
	[bflag:$0x2] =	sbarrier.arrive $0xFFFF  }
0x163: {  	[sflag:s0] =	ssyncadd.tile.s32 @!p0 $0x1;
	_ =	shalt  }
.Lfunc_end2:
_tile_overlayer_lowered:
.L_overlay_start_2:
0x164: {  	(tag) =	ssettag $0x2  }
0x165: {  	s0 =	rddreg [dreg:$0x0];
	s2 =	stileid.u32  }
0x166: {  	s1 =	rddreg [dreg:$0x1];
	p0 =	sne.s32 s2, $0x0  }
0x167: {  	s3 =	rddreg [dreg:$0x2];
	[bflag:$0x3] =	sbarrier.arrive $0xFFFF;
	s2 =	simm.s32 @!p0 $0x1C03  }
0x168: {  	[timem:s3], [sflag:s2] =	dma.local @!p0 [hbm:s0], s1  }
0x169: {  	s0 =	simm.s32 @!p0 $0x3  }
0x16a: {  	_ =	swait.ge @!p0 [sflag:s0], s1  }
0x16b: {  	s1 =	ssub.s32 @!p0 $0x0, s1;
	[sflag:s0] =	ssyncset.done @!p0 $0x0  }
0x16c: {  	[sflag:s0] =	ssyncadd.s32 @!p0 s1  }
0x16d: {  	[bflag:$0x3] =	sbarrier.arrive $0xFFFF  }
0x16e: {  	_ =	shalt  }

</sc_bundles>
